<compile_context>
chip_gen: v7x
topology: tpu7x:2x2x1
jax: 0.10.2.dev20260603
libtpu: 0.0.44.dev20260713+nightly
codegen_flags: <defaults>
</compile_context>

<pallas_src>
import functools

import jax
import jax.numpy as jnp
from jax import lax
from jax.experimental import pallas as pl
from jax.experimental.pallas import tpu as pltpu
from jax.experimental.pallas import tpu_sc as plsc

TABLE_N = 256
BETA = 0.2

NC, NS, L = 2, 16, 16
NW = NC * NS

ROWS = 16384
COLS = 2048
N_TOTAL = ROWS * COLS

TC_LOOKUP_ROWS = 2560
SC_ROWS = ROWS - TC_LOOKUP_ROWS
SC_ROWS_PER_W = SC_ROWS // NW
CH_ROWS = 8
SC_NCHUNK = SC_ROWS_PER_W // CH_ROWS
VECS_PER_ROW = COLS // L

TC_BM = 512
TC_GRID = ROWS // TC_BM
TC_LOOKUP_BLOCKS = TC_LOOKUP_ROWS // TC_BM
SUB = 8


def _sc_lookup_body(direct_hbm, table_hbm, out_hbm, table_v, buf0, buf1,
                    out_v, sem0, sem1):
    wid = lax.axis_index("s") * NC + lax.axis_index("c")
    pltpu.sync_copy(table_hbm, table_v)
    row0 = TC_LOOKUP_ROWS + wid * SC_ROWS_PER_W

    def src(k):
        kc = jnp.minimum(k, SC_NCHUNK - 1)
        return direct_hbm.at[pl.ds(row0 + kc * CH_ROWS, CH_ROWS), :]

    def compute(buf, a):
        for r in range(CH_ROWS):
            def vec_body(i, acc):
                d = buf[r, pl.ds(i * L, L)]
                idx = jnp.clip(d * 255.0, 0.0, 255.0).astype(jnp.int32)
                t = plsc.load_gather(table_v, [idx])
                diff = d - t
                return acc + diff * diff

            a = plsc.parallel_loop(0, VECS_PER_ROW, 1, unroll=8,
                                   carry=a)(vec_body)
        return a

    pltpu.async_copy(src(0), buf0, sem0)
    pltpu.async_copy(src(1), buf1, sem1)

    def outer(k2, acc):
        k = 2 * k2
        pltpu.make_async_copy(src(k), buf0, sem0).wait()
        acc = compute(buf0, acc)
        pltpu.async_copy(src(k + 2), buf0, sem0)
        pltpu.make_async_copy(src(k + 1), buf1, sem1).wait()
        acc = compute(buf1, acc)
        pltpu.async_copy(src(k + 3), buf1, sem1)
        return acc

    acc = lax.fori_loop(0, SC_NCHUNK // 2, outer, jnp.zeros((L,), jnp.float32))
    pltpu.make_async_copy(src(SC_NCHUNK), buf0, sem0).wait()
    pltpu.make_async_copy(src(SC_NCHUNK + 1), buf1, sem1).wait()
    out_v[...] = acc
    pltpu.sync_copy(out_v, out_hbm.at[wid])


def _tc_body(d_ref, tbl_ref, out_ref, acc_ref):
    d = d_ref[...]
    r = d * 50.0
    neg = jnp.where(d > -BETA, r * r, -1000.0 * d - 100.0)
    p = jnp.where(d >= 0.0, d, neg)
    s = jnp.sum(p)

    @pl.when(pl.program_id(0) == 0)
    def _init():
        acc_ref[0] = 0.0

    acc_ref[0] += s

    @pl.when(pl.program_id(0) < TC_LOOKUP_BLOCKS)
    def _lookup():
        tlo = tbl_ref[:, :128]
        thi = tbl_ref[:, 128:]

        def row_body(rr, s2):
            d8 = d_ref[rr]
            idx = jnp.clip(d8 * 255.0, 0.0, 255.0).astype(jnp.int32)
            low = idx & 127
            glo = jnp.take_along_axis(tlo, low, axis=1)
            ghi = jnp.take_along_axis(thi, low, axis=1)
            t = jnp.where(idx < 128, glo, ghi)
            diff = d8 - t
            return s2 + jnp.sum(diff * diff)

        acc_ref[0] += lax.fori_loop(0, TC_BM // SUB, row_body,
                                    jnp.float32(0.0))

    @pl.when(pl.program_id(0) == pl.num_programs(0) - 1)
    def _fin():
        out_ref[0] = acc_ref[0]


@jax.jit
def kernel(direct, table):
    d2 = direct.reshape(ROWS, COLS)

    sc_partials = pl.kernel(
        _sc_lookup_body,
        out_type=jax.ShapeDtypeStruct((NW, L), jnp.float32),
        mesh=plsc.VectorSubcoreMesh(
            core_axis_name="c", subcore_axis_name="s",
            num_cores=NC, num_subcores=NS),
        scratch_types=[
            pltpu.VMEM((TABLE_N,), jnp.float32),
            pltpu.VMEM((CH_ROWS, COLS), jnp.float32),
            pltpu.VMEM((CH_ROWS, COLS), jnp.float32),
            pltpu.VMEM((L,), jnp.float32),
            pltpu.SemaphoreType.DMA,
            pltpu.SemaphoreType.DMA,
        ],
        compiler_params=pltpu.CompilerParams(
            needs_layout_passes=False, disable_semaphore_checks=True),
    )(d2, table)

    tbl8 = jnp.broadcast_to(table, (SUB, TABLE_N))
    d3 = direct.reshape(ROWS // SUB, SUB, COLS)
    tc_sum = pl.pallas_call(
        _tc_body,
        grid=(TC_GRID,),
        in_specs=[
            pl.BlockSpec((TC_BM // SUB, SUB, COLS), lambda i: (i, 0, 0)),
            pl.BlockSpec((SUB, TABLE_N), lambda i: (0, 0)),
        ],
        out_specs=pl.BlockSpec(memory_space=pltpu.SMEM),
        out_shape=jax.ShapeDtypeStruct((1,), jnp.float32),
        scratch_shapes=[pltpu.SMEM((1,), jnp.float32)],
    )(d3, tbl8)

    return (jnp.sum(sc_partials) + tc_sum[0]) / N_TOTAL

# --- scband reference (transcript-rebuilt; emitter-appended) ---
"""Pipeline reference for scband-backscatter-loss-64226940944898 (READ-ONLY COPY).

The authoritative reference and input builder live on the scoring server;
editing this copy changes nothing except your own understanding.
"""

import jax, jax.numpy as jnp
import numpy as np

TABLE_SIZE = 256
COST_RATIO = 1000.0
BETA = 0.2


def setup_inputs(seed: int = 0) -> dict:
    key = jax.random.key(seed)
    k1, k2 = jax.random.split(key)
    direct = jax.random.normal(k1, (2, 8192, 2048), dtype=jnp.float32)
    table = jax.random.uniform(k2, (TABLE_SIZE,), dtype=jnp.float32)
    return {"direct": direct, "table": table}


def reference(direct, table):
    n = table.shape[0]
    # torch .long() truncates toward zero; astype(int32) matches
    indices = jnp.clip((direct * (n - 1)).astype(jnp.int32), 0, n - 1)
    table_values = jnp.take(table, indices, axis=0)
    lookup_loss = jnp.mean((direct - table_values) ** 2)
    # L1Loss(relu(direct), 0) == mean(relu(direct)) since relu >= 0
    pos = jnp.mean(jnp.abs(jax.nn.relu(direct)))
    # SmoothL1Loss(relu(-direct), 0) with beta=0.2
    x = jax.nn.relu(-direct)
    neg = jnp.mean(jnp.where(x < BETA, 0.5 * x * x / BETA, x - 0.5 * BETA))
    return COST_RATIO * neg + pos + lookup_loss

if __name__ == "__main__":
    import jax
    _d = setup_inputs()
    print(jax.jit(kernel)(*tuple(_d.values())))

</pallas_src>

<mosaic_0001>
#map = affine_map<(d0, d1) -> (0, 0)>
#map1 = affine_map<(d0, d1) -> (0)>
module attributes {stable_mosaic.version = 14 : i64} {
  func.func @_sc_lookup_body(%arg0: i32, %arg1: i32, %arg2: memref<16384x2048xf32, #tpu.memory_space<hbm>>, %arg3: memref<256xf32, #tpu.memory_space<hbm>>, %arg4: memref<32x16xf32, #tpu.memory_space<hbm>>, %arg5: memref<256xf32, #tpu.memory_space<vmem>>, %arg6: memref<8x2048xf32, #tpu.memory_space<vmem>>, %arg7: memref<8x2048xf32, #tpu.memory_space<vmem>>, %arg8: memref<16xf32, #tpu.memory_space<vmem>>, %arg9: memref<!tpu.dma_semaphore, #tpu.memory_space<semaphore_mem>>, %arg10: memref<!tpu.dma_semaphore, #tpu.memory_space<semaphore_mem>>) attributes {dimension_semantics = [#tpu.dimension_semantics<core_parallel>, #tpu.dimension_semantics<subcore_parallel>], iteration_bounds = array<i64: 2, 16>, scalar_prefetch = 0 : i64, scratch_operands = 6 : i64, tpu.core_type = #tpu.core_type<sc_vector_subcore>, window_params = [{transform_indices = #map}, {transform_indices = #map1}, {transform_indices = #map}]} {
    %mul3A = arith.constant 2 : i32
    %mul3A_0 = arith.muli %arg1, %mul3A : i32
    %add3A = arith.addi %mul3A_0, %arg0 : i32
    "tpu.region"() ({
      %run_scoped3A = tpu.sem_alloc : memref<!tpu.dma_semaphore, #tpu.memory_space<semaphore_mem>>
      tpu.enqueue_dma source(%arg3 : memref<256xf32, #tpu.memory_space<hbm>>) target(%arg5 : memref<256xf32, #tpu.memory_space<vmem>>) target_semaphore(%run_scoped3A : memref<!tpu.dma_semaphore, #tpu.memory_space<semaphore_mem>>)
      tpu.wait_dma2 semaphore(%run_scoped3A : memref<!tpu.dma_semaphore, #tpu.memory_space<semaphore_mem>>) src(%arg3 : memref<256xf32, #tpu.memory_space<hbm>>) dst(%arg5 : memref<256xf32, #tpu.memory_space<vmem>>)
      tpu.yield
    }) : () -> ()
    %mul3A_1 = arith.constant 432 : i32
    %mul3A_2 = arith.muli %add3A, %mul3A_1 : i32
    %add3A_3 = arith.constant 2560 : i32
    %add3A_4 = arith.addi %add3A_3, %mul3A_2 : i32
    %min3A = arith.constant 0 : i32
    %min3A_5 = arith.constant 53 : i32
    %min3A_6 = arith.minsi %min3A, %min3A_5 : i32
    %mul3A_7 = arith.constant 8 : i32
    %mul3A_8 = arith.muli %min3A_6, %mul3A_7 : i32
    %add3A_9 = arith.addi %add3A_4, %mul3A_8 : i32
    %dma_start3A = arith.constant 0 : i32
    %dma_start3A_10 = tpu.memref_slice %arg2[%add3A_9, %dma_start3A] : memref<16384x2048xf32, #tpu.memory_space<hbm>> -> memref<8x2048xf32, #tpu.memory_space<hbm>>
    %dma_start3A_11 = arith.constant 0 : i32
    %dma_start3A_12 = tpu.memref_slice %arg2[%add3A_9, %dma_start3A_11] : memref<16384x2048xf32, #tpu.memory_space<hbm>> -> memref<8x2048xf32, #tpu.memory_space<hbm>>
    tpu.enqueue_dma source(%dma_start3A_12 : memref<8x2048xf32, #tpu.memory_space<hbm>>) target(%arg6 : memref<8x2048xf32, #tpu.memory_space<vmem>>) target_semaphore(%arg9 : memref<!tpu.dma_semaphore, #tpu.memory_space<semaphore_mem>>)
    %min3A_13 = arith.constant 1 : i32
    %min3A_14 = arith.constant 53 : i32
    %min3A_15 = arith.minsi %min3A_13, %min3A_14 : i32
    %mul3A_16 = arith.constant 8 : i32
    %mul3A_17 = arith.muli %min3A_15, %mul3A_16 : i32
    %add3A_18 = arith.addi %add3A_4, %mul3A_17 : i32
    %dma_start3A_19 = arith.constant 0 : i32
    %dma_start3A_20 = tpu.memref_slice %arg2[%add3A_18, %dma_start3A_19] : memref<16384x2048xf32, #tpu.memory_space<hbm>> -> memref<8x2048xf32, #tpu.memory_space<hbm>>
    %dma_start3A_21 = arith.constant 0 : i32
    %dma_start3A_22 = tpu.memref_slice %arg2[%add3A_18, %dma_start3A_21] : memref<16384x2048xf32, #tpu.memory_space<hbm>> -> memref<8x2048xf32, #tpu.memory_space<hbm>>
    tpu.enqueue_dma source(%dma_start3A_22 : memref<8x2048xf32, #tpu.memory_space<hbm>>) target(%arg7 : memref<8x2048xf32, #tpu.memory_space<vmem>>) target_semaphore(%arg10 : memref<!tpu.dma_semaphore, #tpu.memory_space<semaphore_mem>>)
    %broadcast_in_dim3A = arith.constant 0.000000e+00 : f32
    %broadcast_in_dim3A_23 = vector.broadcast %broadcast_in_dim3A : f32 to vector<16xf32>
    %scan3A = arith.constant 0 : i32
    %scan3A_24 = arith.constant 27 : i32
    %scan3A_25 = arith.addi %scan3A, %scan3A_24 : i32
    %scan3A_26 = arith.constant 1 : i32
    %scan3A_27 = scf.for %scan3A_49 = %scan3A to %scan3A_25 step %scan3A_26 iter_args(%scan3A_50 = %broadcast_in_dim3A_23) -> (vector<16xf32>)  : i32 {
      %mul3A_51 = arith.constant 2 : i32
      %mul3A_52 = arith.muli %mul3A_51, %scan3A_49 : i32
      %min3A_53 = arith.constant 53 : i32
      %min3A_54 = arith.minsi %mul3A_52, %min3A_53 : i32
      %mul3A_55 = arith.constant 8 : i32
      %mul3A_56 = arith.muli %min3A_54, %mul3A_55 : i32
      %add3A_57 = arith.addi %add3A_4, %mul3A_56 : i32
      %dma_wait3A_58 = arith.constant 0 : i32
      %dma_wait3A_59 = tpu.memref_slice %arg2[%add3A_57, %dma_wait3A_58] : memref<16384x2048xf32, #tpu.memory_space<hbm>> -> memref<8x2048xf32, #tpu.memory_space<hbm>>
      %dma_wait3A_60 = arith.constant 0 : i32
      %dma_wait3A_61 = tpu.memref_slice %arg2[%add3A_57, %dma_wait3A_60] : memref<16384x2048xf32, #tpu.memory_space<hbm>> -> memref<8x2048xf32, #tpu.memory_space<hbm>>
      tpu.wait_dma2 semaphore(%arg9 : memref<!tpu.dma_semaphore, #tpu.memory_space<semaphore_mem>>) src(%dma_wait3A_61 : memref<8x2048xf32, #tpu.memory_space<hbm>>) dst(%arg6 : memref<8x2048xf32, #tpu.memory_space<vmem>>)
      %parallel_loop3A = arith.constant 0 : i32
      %parallel_loop3A_62 = arith.constant 128 : i32
      %parallel_loop3A_63 = arith.constant 1 : i32
      %parallel_loop3A_64 = scf.for %parallel_loop3A_158 = %parallel_loop3A to %parallel_loop3A_62 step %parallel_loop3A_63 iter_args(%parallel_loop3A_159 = %scan3A_50) -> (vector<16xf32>)  : i32 {
        %parallel_loop3A_160 = arith.constant 16 : i32
        %parallel_loop3A_161 = arith.muli %parallel_loop3A_158, %parallel_loop3A_160 : i32
        %parallel_loop3A_162 = arith.constant 0 : i32
        %parallel_loop3A_163 = arith.index_cast %parallel_loop3A_162 : i32 to index
        %parallel_loop3A_164 = arith.index_cast %parallel_loop3A_161 : i32 to index
        %parallel_loop3A_165 = tpu.vector_load %arg6[%parallel_loop3A_163, %parallel_loop3A_164] {strides = array<i32>} : memref<8x2048xf32, #tpu.memory_space<vmem>>, vector<16xf32>,
        %parallel_loop3A_166 = arith.constant 2.550000e+02 : f32
        %parallel_loop3A_167 = vector.broadcast %parallel_loop3A_166 : f32 to vector<16xf32>
        %parallel_loop3A_168 = arith.mulf %parallel_loop3A_165, %parallel_loop3A_167 : vector<16xf32>
        %parallel_loop3A_169 = arith.constant 0.000000e+00 : f32
        %parallel_loop3A_170 = arith.constant 2.550000e+02 : f32
        %parallel_loop3A_171 = vector.broadcast %parallel_loop3A_169 : f32 to vector<16xf32>
        %parallel_loop3A_172 = arith.maximumf %parallel_loop3A_171, %parallel_loop3A_168 : vector<16xf32>
        %parallel_loop3A_173 = vector.broadcast %parallel_loop3A_170 : f32 to vector<16xf32>
        %parallel_loop3A_174 = arith.minimumf %parallel_loop3A_173, %parallel_loop3A_172 : vector<16xf32>
        %parallel_loop3A_175 = arith.fptosi %parallel_loop3A_174 : vector<16xf32> to vector<16xi32>
        %parallel_loop3A_176 = tpu.vector_load_idx %arg5[%parallel_loop3A_175] : memref<256xf32, #tpu.memory_space<vmem>>[vector<16xi32>], vector<16xf32>,
        %parallel_loop3A_177 = arith.subf %parallel_loop3A_165, %parallel_loop3A_176 : vector<16xf32>
        %parallel_loop3A_178 = arith.mulf %parallel_loop3A_177, %parallel_loop3A_177 : vector<16xf32>
        %parallel_loop3A_179 = arith.addf %parallel_loop3A_159, %parallel_loop3A_178 : vector<16xf32>
        scf.yield %parallel_loop3A_179 : vector<16xf32>
      } {sc.loop_unroll_factor = 8 : i64, sc.parallel_access}
      %parallel_loop3A_65 = arith.constant 0 : i32
      %parallel_loop3A_66 = arith.constant 128 : i32
      %parallel_loop3A_67 = arith.constant 1 : i32
      %parallel_loop3A_68 = scf.for %parallel_loop3A_158 = %parallel_loop3A_65 to %parallel_loop3A_66 step %parallel_loop3A_67 iter_args(%parallel_loop3A_159 = %parallel_loop3A_64) -> (vector<16xf32>)  : i32 {
        %parallel_loop3A_160 = arith.constant 16 : i32
        %parallel_loop3A_161 = arith.muli %parallel_loop3A_158, %parallel_loop3A_160 : i32
        %parallel_loop3A_162 = arith.constant 1 : i32
        %parallel_loop3A_163 = arith.index_cast %parallel_loop3A_162 : i32 to index
        %parallel_loop3A_164 = arith.index_cast %parallel_loop3A_161 : i32 to index
        %parallel_loop3A_165 = tpu.vector_load %arg6[%parallel_loop3A_163, %parallel_loop3A_164] {strides = array<i32>} : memref<8x2048xf32, #tpu.memory_space<vmem>>, vector<16xf32>,
        %parallel_loop3A_166 = arith.constant 2.550000e+02 : f32
        %parallel_loop3A_167 = vector.broadcast %parallel_loop3A_166 : f32 to vector<16xf32>
        %parallel_loop3A_168 = arith.mulf %parallel_loop3A_165, %parallel_loop3A_167 : vector<16xf32>
        %parallel_loop3A_169 = arith.constant 0.000000e+00 : f32
        %parallel_loop3A_170 = arith.constant 2.550000e+02 : f32
        %parallel_loop3A_171 = vector.broadcast %parallel_loop3A_169 : f32 to vector<16xf32>
        %parallel_loop3A_172 = arith.maximumf %parallel_loop3A_171, %parallel_loop3A_168 : vector<16xf32>
        %parallel_loop3A_173 = vector.broadcast %parallel_loop3A_170 : f32 to vector<16xf32>
        %parallel_loop3A_174 = arith.minimumf %parallel_loop3A_173, %parallel_loop3A_172 : vector<16xf32>
        %parallel_loop3A_175 = arith.fptosi %parallel_loop3A_174 : vector<16xf32> to vector<16xi32>
        %parallel_loop3A_176 = tpu.vector_load_idx %arg5[%parallel_loop3A_175] : memref<256xf32, #tpu.memory_space<vmem>>[vector<16xi32>], vector<16xf32>,
        %parallel_loop3A_177 = arith.subf %parallel_loop3A_165, %parallel_loop3A_176 : vector<16xf32>
        %parallel_loop3A_178 = arith.mulf %parallel_loop3A_177, %parallel_loop3A_177 : vector<16xf32>
        %parallel_loop3A_179 = arith.addf %parallel_loop3A_159, %parallel_loop3A_178 : vector<16xf32>
        scf.yield %parallel_loop3A_179 : vector<16xf32>
      } {sc.loop_unroll_factor = 8 : i64, sc.parallel_access}
      %parallel_loop3A_69 = arith.constant 0 : i32
      %parallel_loop3A_70 = arith.constant 128 : i32
      %parallel_loop3A_71 = arith.constant 1 : i32
      %parallel_loop3A_72 = scf.for %parallel_loop3A_158 = %parallel_loop3A_69 to %parallel_loop3A_70 step %parallel_loop3A_71 iter_args(%parallel_loop3A_159 = %parallel_loop3A_68) -> (vector<16xf32>)  : i32 {
        %parallel_loop3A_160 = arith.constant 16 : i32
        %parallel_loop3A_161 = arith.muli %parallel_loop3A_158, %parallel_loop3A_160 : i32
        %parallel_loop3A_162 = arith.constant 2 : i32
        %parallel_loop3A_163 = arith.index_cast %parallel_loop3A_162 : i32 to index
        %parallel_loop3A_164 = arith.index_cast %parallel_loop3A_161 : i32 to index
        %parallel_loop3A_165 = tpu.vector_load %arg6[%parallel_loop3A_163, %parallel_loop3A_164] {strides = array<i32>} : memref<8x2048xf32, #tpu.memory_space<vmem>>, vector<16xf32>,
        %parallel_loop3A_166 = arith.constant 2.550000e+02 : f32
        %parallel_loop3A_167 = vector.broadcast %parallel_loop3A_166 : f32 to vector<16xf32>
        %parallel_loop3A_168 = arith.mulf %parallel_loop3A_165, %parallel_loop3A_167 : vector<16xf32>
        %parallel_loop3A_169 = arith.constant 0.000000e+00 : f32
        %parallel_loop3A_170 = arith.constant 2.550000e+02 : f32
        %parallel_loop3A_171 = vector.broadcast %parallel_loop3A_169 : f32 to vector<16xf32>
        %parallel_loop3A_172 = arith.maximumf %parallel_loop3A_171, %parallel_loop3A_168 : vector<16xf32>
        %parallel_loop3A_173 = vector.broadcast %parallel_loop3A_170 : f32 to vector<16xf32>
        %parallel_loop3A_174 = arith.minimumf %parallel_loop3A_173, %parallel_loop3A_172 : vector<16xf32>
        %parallel_loop3A_175 = arith.fptosi %parallel_loop3A_174 : vector<16xf32> to vector<16xi32>
        %parallel_loop3A_176 = tpu.vector_load_idx %arg5[%parallel_loop3A_175] : memref<256xf32, #tpu.memory_space<vmem>>[vector<16xi32>], vector<16xf32>,
        %parallel_loop3A_177 = arith.subf %parallel_loop3A_165, %parallel_loop3A_176 : vector<16xf32>
        %parallel_loop3A_178 = arith.mulf %parallel_loop3A_177, %parallel_loop3A_177 : vector<16xf32>
        %parallel_loop3A_179 = arith.addf %parallel_loop3A_159, %parallel_loop3A_178 : vector<16xf32>
        scf.yield %parallel_loop3A_179 : vector<16xf32>
      } {sc.loop_unroll_factor = 8 : i64, sc.parallel_access}
      %parallel_loop3A_73 = arith.constant 0 : i32
      %parallel_loop3A_74 = arith.constant 128 : i32
      %parallel_loop3A_75 = arith.constant 1 : i32
      %parallel_loop3A_76 = scf.for %parallel_loop3A_158 = %parallel_loop3A_73 to %parallel_loop3A_74 step %parallel_loop3A_75 iter_args(%parallel_loop3A_159 = %parallel_loop3A_72) -> (vector<16xf32>)  : i32 {
        %parallel_loop3A_160 = arith.constant 16 : i32
        %parallel_loop3A_161 = arith.muli %parallel_loop3A_158, %parallel_loop3A_160 : i32
        %parallel_loop3A_162 = arith.constant 3 : i32
        %parallel_loop3A_163 = arith.index_cast %parallel_loop3A_162 : i32 to index
        %parallel_loop3A_164 = arith.index_cast %parallel_loop3A_161 : i32 to index
        %parallel_loop3A_165 = tpu.vector_load %arg6[%parallel_loop3A_163, %parallel_loop3A_164] {strides = array<i32>} : memref<8x2048xf32, #tpu.memory_space<vmem>>, vector<16xf32>,
        %parallel_loop3A_166 = arith.constant 2.550000e+02 : f32
        %parallel_loop3A_167 = vector.broadcast %parallel_loop3A_166 : f32 to vector<16xf32>
        %parallel_loop3A_168 = arith.mulf %parallel_loop3A_165, %parallel_loop3A_167 : vector<16xf32>
        %parallel_loop3A_169 = arith.constant 0.000000e+00 : f32
        %parallel_loop3A_170 = arith.constant 2.550000e+02 : f32
        %parallel_loop3A_171 = vector.broadcast %parallel_loop3A_169 : f32 to vector<16xf32>
        %parallel_loop3A_172 = arith.maximumf %parallel_loop3A_171, %parallel_loop3A_168 : vector<16xf32>
        %parallel_loop3A_173 = vector.broadcast %parallel_loop3A_170 : f32 to vector<16xf32>
        %parallel_loop3A_174 = arith.minimumf %parallel_loop3A_173, %parallel_loop3A_172 : vector<16xf32>
        %parallel_loop3A_175 = arith.fptosi %parallel_loop3A_174 : vector<16xf32> to vector<16xi32>
        %parallel_loop3A_176 = tpu.vector_load_idx %arg5[%parallel_loop3A_175] : memref<256xf32, #tpu.memory_space<vmem>>[vector<16xi32>], vector<16xf32>,
        %parallel_loop3A_177 = arith.subf %parallel_loop3A_165, %parallel_loop3A_176 : vector<16xf32>
        %parallel_loop3A_178 = arith.mulf %parallel_loop3A_177, %parallel_loop3A_177 : vector<16xf32>
        %parallel_loop3A_179 = arith.addf %parallel_loop3A_159, %parallel_loop3A_178 : vector<16xf32>
        scf.yield %parallel_loop3A_179 : vector<16xf32>
      } {sc.loop_unroll_factor = 8 : i64, sc.parallel_access}
      %parallel_loop3A_77 = arith.constant 0 : i32
      %parallel_loop3A_78 = arith.constant 128 : i32
      %parallel_loop3A_79 = arith.constant 1 : i32
      %parallel_loop3A_80 = scf.for %parallel_loop3A_158 = %parallel_loop3A_77 to %parallel_loop3A_78 step %parallel_loop3A_79 iter_args(%parallel_loop3A_159 = %parallel_loop3A_76) -> (vector<16xf32>)  : i32 {
        %parallel_loop3A_160 = arith.constant 16 : i32
        %parallel_loop3A_161 = arith.muli %parallel_loop3A_158, %parallel_loop3A_160 : i32
        %parallel_loop3A_162 = arith.constant 4 : i32
        %parallel_loop3A_163 = arith.index_cast %parallel_loop3A_162 : i32 to index
        %parallel_loop3A_164 = arith.index_cast %parallel_loop3A_161 : i32 to index
        %parallel_loop3A_165 = tpu.vector_load %arg6[%parallel_loop3A_163, %parallel_loop3A_164] {strides = array<i32>} : memref<8x2048xf32, #tpu.memory_space<vmem>>, vector<16xf32>,
        %parallel_loop3A_166 = arith.constant 2.550000e+02 : f32
        %parallel_loop3A_167 = vector.broadcast %parallel_loop3A_166 : f32 to vector<16xf32>
        %parallel_loop3A_168 = arith.mulf %parallel_loop3A_165, %parallel_loop3A_167 : vector<16xf32>
        %parallel_loop3A_169 = arith.constant 0.000000e+00 : f32
        %parallel_loop3A_170 = arith.constant 2.550000e+02 : f32
        %parallel_loop3A_171 = vector.broadcast %parallel_loop3A_169 : f32 to vector<16xf32>
        %parallel_loop3A_172 = arith.maximumf %parallel_loop3A_171, %parallel_loop3A_168 : vector<16xf32>
        %parallel_loop3A_173 = vector.broadcast %parallel_loop3A_170 : f32 to vector<16xf32>
        %parallel_loop3A_174 = arith.minimumf %parallel_loop3A_173, %parallel_loop3A_172 : vector<16xf32>
        %parallel_loop3A_175 = arith.fptosi %parallel_loop3A_174 : vector<16xf32> to vector<16xi32>
        %parallel_loop3A_176 = tpu.vector_load_idx %arg5[%parallel_loop3A_175] : memref<256xf32, #tpu.memory_space<vmem>>[vector<16xi32>], vector<16xf32>,
        %parallel_loop3A_177 = arith.subf %parallel_loop3A_165, %parallel_loop3A_176 : vector<16xf32>
        %parallel_loop3A_178 = arith.mulf %parallel_loop3A_177, %parallel_loop3A_177 : vector<16xf32>
        %parallel_loop3A_179 = arith.addf %parallel_loop3A_159, %parallel_loop3A_178 : vector<16xf32>
        scf.yield %parallel_loop3A_179 : vector<16xf32>
      } {sc.loop_unroll_factor = 8 : i64, sc.parallel_access}
      %parallel_loop3A_81 = arith.constant 0 : i32
      %parallel_loop3A_82 = arith.constant 128 : i32
      %parallel_loop3A_83 = arith.constant 1 : i32
      %parallel_loop3A_84 = scf.for %parallel_loop3A_158 = %parallel_loop3A_81 to %parallel_loop3A_82 step %parallel_loop3A_83 iter_args(%parallel_loop3A_159 = %parallel_loop3A_80) -> (vector<16xf32>)  : i32 {
        %parallel_loop3A_160 = arith.constant 16 : i32
        %parallel_loop3A_161 = arith.muli %parallel_loop3A_158, %parallel_loop3A_160 : i32
        %parallel_loop3A_162 = arith.constant 5 : i32
        %parallel_loop3A_163 = arith.index_cast %parallel_loop3A_162 : i32 to index
        %parallel_loop3A_164 = arith.index_cast %parallel_loop3A_161 : i32 to index
        %parallel_loop3A_165 = tpu.vector_load %arg6[%parallel_loop3A_163, %parallel_loop3A_164] {strides = array<i32>} : memref<8x2048xf32, #tpu.memory_space<vmem>>, vector<16xf32>,
        %parallel_loop3A_166 = arith.constant 2.550000e+02 : f32
        %parallel_loop3A_167 = vector.broadcast %parallel_loop3A_166 : f32 to vector<16xf32>
        %parallel_loop3A_168 = arith.mulf %parallel_loop3A_165, %parallel_loop3A_167 : vector<16xf32>
        %parallel_loop3A_169 = arith.constant 0.000000e+00 : f32
        %parallel_loop3A_170 = arith.constant 2.550000e+02 : f32
        %parallel_loop3A_171 = vector.broadcast %parallel_loop3A_169 : f32 to vector<16xf32>
        %parallel_loop3A_172 = arith.maximumf %parallel_loop3A_171, %parallel_loop3A_168 : vector<16xf32>
        %parallel_loop3A_173 = vector.broadcast %parallel_loop3A_170 : f32 to vector<16xf32>
        %parallel_loop3A_174 = arith.minimumf %parallel_loop3A_173, %parallel_loop3A_172 : vector<16xf32>
        %parallel_loop3A_175 = arith.fptosi %parallel_loop3A_174 : vector<16xf32> to vector<16xi32>
        %parallel_loop3A_176 = tpu.vector_load_idx %arg5[%parallel_loop3A_175] : memref<256xf32, #tpu.memory_space<vmem>>[vector<16xi32>], vector<16xf32>,
        %parallel_loop3A_177 = arith.subf %parallel_loop3A_165, %parallel_loop3A_176 : vector<16xf32>
        %parallel_loop3A_178 = arith.mulf %parallel_loop3A_177, %parallel_loop3A_177 : vector<16xf32>
        %parallel_loop3A_179 = arith.addf %parallel_loop3A_159, %parallel_loop3A_178 : vector<16xf32>
        scf.yield %parallel_loop3A_179 : vector<16xf32>
      } {sc.loop_unroll_factor = 8 : i64, sc.parallel_access}
      %parallel_loop3A_85 = arith.constant 0 : i32
      %parallel_loop3A_86 = arith.constant 128 : i32
      %parallel_loop3A_87 = arith.constant 1 : i32
      %parallel_loop3A_88 = scf.for %parallel_loop3A_158 = %parallel_loop3A_85 to %parallel_loop3A_86 step %parallel_loop3A_87 iter_args(%parallel_loop3A_159 = %parallel_loop3A_84) -> (vector<16xf32>)  : i32 {
        %parallel_loop3A_160 = arith.constant 16 : i32
        %parallel_loop3A_161 = arith.muli %parallel_loop3A_158, %parallel_loop3A_160 : i32
        %parallel_loop3A_162 = arith.constant 6 : i32
        %parallel_loop3A_163 = arith.index_cast %parallel_loop3A_162 : i32 to index
        %parallel_loop3A_164 = arith.index_cast %parallel_loop3A_161 : i32 to index
        %parallel_loop3A_165 = tpu.vector_load %arg6[%parallel_loop3A_163, %parallel_loop3A_164] {strides = array<i32>} : memref<8x2048xf32, #tpu.memory_space<vmem>>, vector<16xf32>,
        %parallel_loop3A_166 = arith.constant 2.550000e+02 : f32
        %parallel_loop3A_167 = vector.broadcast %parallel_loop3A_166 : f32 to vector<16xf32>
        %parallel_loop3A_168 = arith.mulf %parallel_loop3A_165, %parallel_loop3A_167 : vector<16xf32>
        %parallel_loop3A_169 = arith.constant 0.000000e+00 : f32
        %parallel_loop3A_170 = arith.constant 2.550000e+02 : f32
        %parallel_loop3A_171 = vector.broadcast %parallel_loop3A_169 : f32 to vector<16xf32>
        %parallel_loop3A_172 = arith.maximumf %parallel_loop3A_171, %parallel_loop3A_168 : vector<16xf32>
        %parallel_loop3A_173 = vector.broadcast %parallel_loop3A_170 : f32 to vector<16xf32>
        %parallel_loop3A_174 = arith.minimumf %parallel_loop3A_173, %parallel_loop3A_172 : vector<16xf32>
        %parallel_loop3A_175 = arith.fptosi %parallel_loop3A_174 : vector<16xf32> to vector<16xi32>
        %parallel_loop3A_176 = tpu.vector_load_idx %arg5[%parallel_loop3A_175] : memref<256xf32, #tpu.memory_space<vmem>>[vector<16xi32>], vector<16xf32>,
        %parallel_loop3A_177 = arith.subf %parallel_loop3A_165, %parallel_loop3A_176 : vector<16xf32>
        %parallel_loop3A_178 = arith.mulf %parallel_loop3A_177, %parallel_loop3A_177 : vector<16xf32>
        %parallel_loop3A_179 = arith.addf %parallel_loop3A_159, %parallel_loop3A_178 : vector<16xf32>
        scf.yield %parallel_loop3A_179 : vector<16xf32>
      } {sc.loop_unroll_factor = 8 : i64, sc.parallel_access}
      %parallel_loop3A_89 = arith.constant 0 : i32
      %parallel_loop3A_90 = arith.constant 128 : i32
      %parallel_loop3A_91 = arith.constant 1 : i32
      %parallel_loop3A_92 = scf.for %parallel_loop3A_158 = %parallel_loop3A_89 to %parallel_loop3A_90 step %parallel_loop3A_91 iter_args(%parallel_loop3A_159 = %parallel_loop3A_88) -> (vector<16xf32>)  : i32 {
        %parallel_loop3A_160 = arith.constant 16 : i32
        %parallel_loop3A_161 = arith.muli %parallel_loop3A_158, %parallel_loop3A_160 : i32
        %parallel_loop3A_162 = arith.constant 7 : i32
        %parallel_loop3A_163 = arith.index_cast %parallel_loop3A_162 : i32 to index
        %parallel_loop3A_164 = arith.index_cast %parallel_loop3A_161 : i32 to index
        %parallel_loop3A_165 = tpu.vector_load %arg6[%parallel_loop3A_163, %parallel_loop3A_164] {strides = array<i32>} : memref<8x2048xf32, #tpu.memory_space<vmem>>, vector<16xf32>,
        %parallel_loop3A_166 = arith.constant 2.550000e+02 : f32
        %parallel_loop3A_167 = vector.broadcast %parallel_loop3A_166 : f32 to vector<16xf32>
        %parallel_loop3A_168 = arith.mulf %parallel_loop3A_165, %parallel_loop3A_167 : vector<16xf32>
        %parallel_loop3A_169 = arith.constant 0.000000e+00 : f32
        %parallel_loop3A_170 = arith.constant 2.550000e+02 : f32
        %parallel_loop3A_171 = vector.broadcast %parallel_loop3A_169 : f32 to vector<16xf32>
        %parallel_loop3A_172 = arith.maximumf %parallel_loop3A_171, %parallel_loop3A_168 : vector<16xf32>
        %parallel_loop3A_173 = vector.broadcast %parallel_loop3A_170 : f32 to vector<16xf32>
        %parallel_loop3A_174 = arith.minimumf %parallel_loop3A_173, %parallel_loop3A_172 : vector<16xf32>
        %parallel_loop3A_175 = arith.fptosi %parallel_loop3A_174 : vector<16xf32> to vector<16xi32>
        %parallel_loop3A_176 = tpu.vector_load_idx %arg5[%parallel_loop3A_175] : memref<256xf32, #tpu.memory_space<vmem>>[vector<16xi32>], vector<16xf32>,
        %parallel_loop3A_177 = arith.subf %parallel_loop3A_165, %parallel_loop3A_176 : vector<16xf32>
        %parallel_loop3A_178 = arith.mulf %parallel_loop3A_177, %parallel_loop3A_177 : vector<16xf32>
        %parallel_loop3A_179 = arith.addf %parallel_loop3A_159, %parallel_loop3A_178 : vector<16xf32>
        scf.yield %parallel_loop3A_179 : vector<16xf32>
      } {sc.loop_unroll_factor = 8 : i64, sc.parallel_access}
      %add3A_93 = arith.constant 2 : i32
      %add3A_94 = arith.addi %mul3A_52, %add3A_93 : i32
      %min3A_95 = arith.constant 53 : i32
      %min3A_96 = arith.minsi %add3A_94, %min3A_95 : i32
      %mul3A_97 = arith.constant 8 : i32
      %mul3A_98 = arith.muli %min3A_96, %mul3A_97 : i32
      %add3A_99 = arith.addi %add3A_4, %mul3A_98 : i32
      %dma_start3A_100 = arith.constant 0 : i32
      %dma_start3A_101 = tpu.memref_slice %arg2[%add3A_99, %dma_start3A_100] : memref<16384x2048xf32, #tpu.memory_space<hbm>> -> memref<8x2048xf32, #tpu.memory_space<hbm>>
      %dma_start3A_102 = arith.constant 0 : i32
      %dma_start3A_103 = tpu.memref_slice %arg2[%add3A_99, %dma_start3A_102] : memref<16384x2048xf32, #tpu.memory_space<hbm>> -> memref<8x2048xf32, #tpu.memory_space<hbm>>
      tpu.enqueue_dma source(%dma_start3A_103 : memref<8x2048xf32, #tpu.memory_space<hbm>>) target(%arg6 : memref<8x2048xf32, #tpu.memory_space<vmem>>) target_semaphore(%arg9 : memref<!tpu.dma_semaphore, #tpu.memory_space<semaphore_mem>>)
      %add3A_104 = arith.constant 1 : i32
      %add3A_105 = arith.addi %mul3A_52, %add3A_104 : i32
      %min3A_106 = arith.constant 53 : i32
      %min3A_107 = arith.minsi %add3A_105, %min3A_106 : i32
      %mul3A_108 = arith.constant 8 : i32
      %mul3A_109 = arith.muli %min3A_107, %mul3A_108 : i32
      %add3A_110 = arith.addi %add3A_4, %mul3A_109 : i32
      %dma_wait3A_111 = arith.constant 0 : i32
      %dma_wait3A_112 = tpu.memref_slice %arg2[%add3A_110, %dma_wait3A_111] : memref<16384x2048xf32, #tpu.memory_space<hbm>> -> memref<8x2048xf32, #tpu.memory_space<hbm>>
      %dma_wait3A_113 = arith.constant 0 : i32
      %dma_wait3A_114 = tpu.memref_slice %arg2[%add3A_110, %dma_wait3A_113] : memref<16384x2048xf32, #tpu.memory_space<hbm>> -> memref<8x2048xf32, #tpu.memory_space<hbm>>
      tpu.wait_dma2 semaphore(%arg10 : memref<!tpu.dma_semaphore, #tpu.memory_space<semaphore_mem>>) src(%dma_wait3A_114 : memref<8x2048xf32, #tpu.memory_space<hbm>>) dst(%arg7 : memref<8x2048xf32, #tpu.memory_space<vmem>>)
      %parallel_loop3A_115 = arith.constant 0 : i32
      %parallel_loop3A_116 = arith.constant 128 : i32
      %parallel_loop3A_117 = arith.constant 1 : i32
      %parallel_loop3A_118 = scf.for %parallel_loop3A_158 = %parallel_loop3A_115 to %parallel_loop3A_116 step %parallel_loop3A_117 iter_args(%parallel_loop3A_159 = %parallel_loop3A_92) -> (vector<16xf32>)  : i32 {
        %parallel_loop3A_160 = arith.constant 16 : i32
        %parallel_loop3A_161 = arith.muli %parallel_loop3A_158, %parallel_loop3A_160 : i32
        %parallel_loop3A_162 = arith.constant 0 : i32
        %parallel_loop3A_163 = arith.index_cast %parallel_loop3A_162 : i32 to index
        %parallel_loop3A_164 = arith.index_cast %parallel_loop3A_161 : i32 to index
        %parallel_loop3A_165 = tpu.vector_load %arg7[%parallel_loop3A_163, %parallel_loop3A_164] {strides = array<i32>} : memref<8x2048xf32, #tpu.memory_space<vmem>>, vector<16xf32>,
        %parallel_loop3A_166 = arith.constant 2.550000e+02 : f32
        %parallel_loop3A_167 = vector.broadcast %parallel_loop3A_166 : f32 to vector<16xf32>
        %parallel_loop3A_168 = arith.mulf %parallel_loop3A_165, %parallel_loop3A_167 : vector<16xf32>
        %parallel_loop3A_169 = arith.constant 0.000000e+00 : f32
        %parallel_loop3A_170 = arith.constant 2.550000e+02 : f32
        %parallel_loop3A_171 = vector.broadcast %parallel_loop3A_169 : f32 to vector<16xf32>
        %parallel_loop3A_172 = arith.maximumf %parallel_loop3A_171, %parallel_loop3A_168 : vector<16xf32>
        %parallel_loop3A_173 = vector.broadcast %parallel_loop3A_170 : f32 to vector<16xf32>
        %parallel_loop3A_174 = arith.minimumf %parallel_loop3A_173, %parallel_loop3A_172 : vector<16xf32>
        %parallel_loop3A_175 = arith.fptosi %parallel_loop3A_174 : vector<16xf32> to vector<16xi32>
        %parallel_loop3A_176 = tpu.vector_load_idx %arg5[%parallel_loop3A_175] : memref<256xf32, #tpu.memory_space<vmem>>[vector<16xi32>], vector<16xf32>,
        %parallel_loop3A_177 = arith.subf %parallel_loop3A_165, %parallel_loop3A_176 : vector<16xf32>
        %parallel_loop3A_178 = arith.mulf %parallel_loop3A_177, %parallel_loop3A_177 : vector<16xf32>
        %parallel_loop3A_179 = arith.addf %parallel_loop3A_159, %parallel_loop3A_178 : vector<16xf32>
        scf.yield %parallel_loop3A_179 : vector<16xf32>
      } {sc.loop_unroll_factor = 8 : i64, sc.parallel_access}
      %parallel_loop3A_119 = arith.constant 0 : i32
      %parallel_loop3A_120 = arith.constant 128 : i32
      %parallel_loop3A_121 = arith.constant 1 : i32
      %parallel_loop3A_122 = scf.for %parallel_loop3A_158 = %parallel_loop3A_119 to %parallel_loop3A_120 step %parallel_loop3A_121 iter_args(%parallel_loop3A_159 = %parallel_loop3A_118) -> (vector<16xf32>)  : i32 {
        %parallel_loop3A_160 = arith.constant 16 : i32
        %parallel_loop3A_161 = arith.muli %parallel_loop3A_158, %parallel_loop3A_160 : i32
        %parallel_loop3A_162 = arith.constant 1 : i32
        %parallel_loop3A_163 = arith.index_cast %parallel_loop3A_162 : i32 to index
        %parallel_loop3A_164 = arith.index_cast %parallel_loop3A_161 : i32 to index
        %parallel_loop3A_165 = tpu.vector_load %arg7[%parallel_loop3A_163, %parallel_loop3A_164] {strides = array<i32>} : memref<8x2048xf32, #tpu.memory_space<vmem>>, vector<16xf32>,
        %parallel_loop3A_166 = arith.constant 2.550000e+02 : f32
        %parallel_loop3A_167 = vector.broadcast %parallel_loop3A_166 : f32 to vector<16xf32>
        %parallel_loop3A_168 = arith.mulf %parallel_loop3A_165, %parallel_loop3A_167 : vector<16xf32>
        %parallel_loop3A_169 = arith.constant 0.000000e+00 : f32
        %parallel_loop3A_170 = arith.constant 2.550000e+02 : f32
        %parallel_loop3A_171 = vector.broadcast %parallel_loop3A_169 : f32 to vector<16xf32>
        %parallel_loop3A_172 = arith.maximumf %parallel_loop3A_171, %parallel_loop3A_168 : vector<16xf32>
        %parallel_loop3A_173 = vector.broadcast %parallel_loop3A_170 : f32 to vector<16xf32>
        %parallel_loop3A_174 = arith.minimumf %parallel_loop3A_173, %parallel_loop3A_172 : vector<16xf32>
        %parallel_loop3A_175 = arith.fptosi %parallel_loop3A_174 : vector<16xf32> to vector<16xi32>
        %parallel_loop3A_176 = tpu.vector_load_idx %arg5[%parallel_loop3A_175] : memref<256xf32, #tpu.memory_space<vmem>>[vector<16xi32>], vector<16xf32>,
        %parallel_loop3A_177 = arith.subf %parallel_loop3A_165, %parallel_loop3A_176 : vector<16xf32>
        %parallel_loop3A_178 = arith.mulf %parallel_loop3A_177, %parallel_loop3A_177 : vector<16xf32>
        %parallel_loop3A_179 = arith.addf %parallel_loop3A_159, %parallel_loop3A_178 : vector<16xf32>
        scf.yield %parallel_loop3A_179 : vector<16xf32>
      } {sc.loop_unroll_factor = 8 : i64, sc.parallel_access}
      %parallel_loop3A_123 = arith.constant 0 : i32
      %parallel_loop3A_124 = arith.constant 128 : i32
      %parallel_loop3A_125 = arith.constant 1 : i32
      %parallel_loop3A_126 = scf.for %parallel_loop3A_158 = %parallel_loop3A_123 to %parallel_loop3A_124 step %parallel_loop3A_125 iter_args(%parallel_loop3A_159 = %parallel_loop3A_122) -> (vector<16xf32>)  : i32 {
        %parallel_loop3A_160 = arith.constant 16 : i32
        %parallel_loop3A_161 = arith.muli %parallel_loop3A_158, %parallel_loop3A_160 : i32
        %parallel_loop3A_162 = arith.constant 2 : i32
        %parallel_loop3A_163 = arith.index_cast %parallel_loop3A_162 : i32 to index
        %parallel_loop3A_164 = arith.index_cast %parallel_loop3A_161 : i32 to index
        %parallel_loop3A_165 = tpu.vector_load %arg7[%parallel_loop3A_163, %parallel_loop3A_164] {strides = array<i32>} : memref<8x2048xf32, #tpu.memory_space<vmem>>, vector<16xf32>,
        %parallel_loop3A_166 = arith.constant 2.550000e+02 : f32
        %parallel_loop3A_167 = vector.broadcast %parallel_loop3A_166 : f32 to vector<16xf32>
        %parallel_loop3A_168 = arith.mulf %parallel_loop3A_165, %parallel_loop3A_167 : vector<16xf32>
        %parallel_loop3A_169 = arith.constant 0.000000e+00 : f32
        %parallel_loop3A_170 = arith.constant 2.550000e+02 : f32
        %parallel_loop3A_171 = vector.broadcast %parallel_loop3A_169 : f32 to vector<16xf32>
        %parallel_loop3A_172 = arith.maximumf %parallel_loop3A_171, %parallel_loop3A_168 : vector<16xf32>
        %parallel_loop3A_173 = vector.broadcast %parallel_loop3A_170 : f32 to vector<16xf32>
        %parallel_loop3A_174 = arith.minimumf %parallel_loop3A_173, %parallel_loop3A_172 : vector<16xf32>
        %parallel_loop3A_175 = arith.fptosi %parallel_loop3A_174 : vector<16xf32> to vector<16xi32>
        %parallel_loop3A_176 = tpu.vector_load_idx %arg5[%parallel_loop3A_175] : memref<256xf32, #tpu.memory_space<vmem>>[vector<16xi32>], vector<16xf32>,
        %parallel_loop3A_177 = arith.subf %parallel_loop3A_165, %parallel_loop3A_176 : vector<16xf32>
        %parallel_loop3A_178 = arith.mulf %parallel_loop3A_177, %parallel_loop3A_177 : vector<16xf32>
        %parallel_loop3A_179 = arith.addf %parallel_loop3A_159, %parallel_loop3A_178 : vector<16xf32>
        scf.yield %parallel_loop3A_179 : vector<16xf32>
      } {sc.loop_unroll_factor = 8 : i64, sc.parallel_access}
      %parallel_loop3A_127 = arith.constant 0 : i32
      %parallel_loop3A_128 = arith.constant 128 : i32
      %parallel_loop3A_129 = arith.constant 1 : i32
      %parallel_loop3A_130 = scf.for %parallel_loop3A_158 = %parallel_loop3A_127 to %parallel_loop3A_128 step %parallel_loop3A_129 iter_args(%parallel_loop3A_159 = %parallel_loop3A_126) -> (vector<16xf32>)  : i32 {
        %parallel_loop3A_160 = arith.constant 16 : i32
        %parallel_loop3A_161 = arith.muli %parallel_loop3A_158, %parallel_loop3A_160 : i32
        %parallel_loop3A_162 = arith.constant 3 : i32
        %parallel_loop3A_163 = arith.index_cast %parallel_loop3A_162 : i32 to index
        %parallel_loop3A_164 = arith.index_cast %parallel_loop3A_161 : i32 to index
        %parallel_loop3A_165 = tpu.vector_load %arg7[%parallel_loop3A_163, %parallel_loop3A_164] {strides = array<i32>} : memref<8x2048xf32, #tpu.memory_space<vmem>>, vector<16xf32>,
        %parallel_loop3A_166 = arith.constant 2.550000e+02 : f32
        %parallel_loop3A_167 = vector.broadcast %parallel_loop3A_166 : f32 to vector<16xf32>
        %parallel_loop3A_168 = arith.mulf %parallel_loop3A_165, %parallel_loop3A_167 : vector<16xf32>
        %parallel_loop3A_169 = arith.constant 0.000000e+00 : f32
        %parallel_loop3A_170 = arith.constant 2.550000e+02 : f32
        %parallel_loop3A_171 = vector.broadcast %parallel_loop3A_169 : f32 to vector<16xf32>
        %parallel_loop3A_172 = arith.maximumf %parallel_loop3A_171, %parallel_loop3A_168 : vector<16xf32>
        %parallel_loop3A_173 = vector.broadcast %parallel_loop3A_170 : f32 to vector<16xf32>
        %parallel_loop3A_174 = arith.minimumf %parallel_loop3A_173, %parallel_loop3A_172 : vector<16xf32>
        %parallel_loop3A_175 = arith.fptosi %parallel_loop3A_174 : vector<16xf32> to vector<16xi32>
        %parallel_loop3A_176 = tpu.vector_load_idx %arg5[%parallel_loop3A_175] : memref<256xf32, #tpu.memory_space<vmem>>[vector<16xi32>], vector<16xf32>,
        %parallel_loop3A_177 = arith.subf %parallel_loop3A_165, %parallel_loop3A_176 : vector<16xf32>
        %parallel_loop3A_178 = arith.mulf %parallel_loop3A_177, %parallel_loop3A_177 : vector<16xf32>
        %parallel_loop3A_179 = arith.addf %parallel_loop3A_159, %parallel_loop3A_178 : vector<16xf32>
        scf.yield %parallel_loop3A_179 : vector<16xf32>
      } {sc.loop_unroll_factor = 8 : i64, sc.parallel_access}
      %parallel_loop3A_131 = arith.constant 0 : i32
      %parallel_loop3A_132 = arith.constant 128 : i32
      %parallel_loop3A_133 = arith.constant 1 : i32
      %parallel_loop3A_134 = scf.for %parallel_loop3A_158 = %parallel_loop3A_131 to %parallel_loop3A_132 step %parallel_loop3A_133 iter_args(%parallel_loop3A_159 = %parallel_loop3A_130) -> (vector<16xf32>)  : i32 {
        %parallel_loop3A_160 = arith.constant 16 : i32
        %parallel_loop3A_161 = arith.muli %parallel_loop3A_158, %parallel_loop3A_160 : i32
        %parallel_loop3A_162 = arith.constant 4 : i32
        %parallel_loop3A_163 = arith.index_cast %parallel_loop3A_162 : i32 to index
        %parallel_loop3A_164 = arith.index_cast %parallel_loop3A_161 : i32 to index
        %parallel_loop3A_165 = tpu.vector_load %arg7[%parallel_loop3A_163, %parallel_loop3A_164] {strides = array<i32>} : memref<8x2048xf32, #tpu.memory_space<vmem>>, vector<16xf32>,
        %parallel_loop3A_166 = arith.constant 2.550000e+02 : f32
        %parallel_loop3A_167 = vector.broadcast %parallel_loop3A_166 : f32 to vector<16xf32>
        %parallel_loop3A_168 = arith.mulf %parallel_loop3A_165, %parallel_loop3A_167 : vector<16xf32>
        %parallel_loop3A_169 = arith.constant 0.000000e+00 : f32
        %parallel_loop3A_170 = arith.constant 2.550000e+02 : f32
        %parallel_loop3A_171 = vector.broadcast %parallel_loop3A_169 : f32 to vector<16xf32>
        %parallel_loop3A_172 = arith.maximumf %parallel_loop3A_171, %parallel_loop3A_168 : vector<16xf32>
        %parallel_loop3A_173 = vector.broadcast %parallel_loop3A_170 : f32 to vector<16xf32>
        %parallel_loop3A_174 = arith.minimumf %parallel_loop3A_173, %parallel_loop3A_172 : vector<16xf32>
        %parallel_loop3A_175 = arith.fptosi %parallel_loop3A_174 : vector<16xf32> to vector<16xi32>
        %parallel_loop3A_176 = tpu.vector_load_idx %arg5[%parallel_loop3A_175] : memref<256xf32, #tpu.memory_space<vmem>>[vector<16xi32>], vector<16xf32>,
        %parallel_loop3A_177 = arith.subf %parallel_loop3A_165, %parallel_loop3A_176 : vector<16xf32>
        %parallel_loop3A_178 = arith.mulf %parallel_loop3A_177, %parallel_loop3A_177 : vector<16xf32>
        %parallel_loop3A_179 = arith.addf %parallel_loop3A_159, %parallel_loop3A_178 : vector<16xf32>
        scf.yield %parallel_loop3A_179 : vector<16xf32>
      } {sc.loop_unroll_factor = 8 : i64, sc.parallel_access}
      %parallel_loop3A_135 = arith.constant 0 : i32
      %parallel_loop3A_136 = arith.constant 128 : i32
      %parallel_loop3A_137 = arith.constant 1 : i32
      %parallel_loop3A_138 = scf.for %parallel_loop3A_158 = %parallel_loop3A_135 to %parallel_loop3A_136 step %parallel_loop3A_137 iter_args(%parallel_loop3A_159 = %parallel_loop3A_134) -> (vector<16xf32>)  : i32 {
        %parallel_loop3A_160 = arith.constant 16 : i32
        %parallel_loop3A_161 = arith.muli %parallel_loop3A_158, %parallel_loop3A_160 : i32
        %parallel_loop3A_162 = arith.constant 5 : i32
        %parallel_loop3A_163 = arith.index_cast %parallel_loop3A_162 : i32 to index
        %parallel_loop3A_164 = arith.index_cast %parallel_loop3A_161 : i32 to index
        %parallel_loop3A_165 = tpu.vector_load %arg7[%parallel_loop3A_163, %parallel_loop3A_164] {strides = array<i32>} : memref<8x2048xf32, #tpu.memory_space<vmem>>, vector<16xf32>,
        %parallel_loop3A_166 = arith.constant 2.550000e+02 : f32
        %parallel_loop3A_167 = vector.broadcast %parallel_loop3A_166 : f32 to vector<16xf32>
        %parallel_loop3A_168 = arith.mulf %parallel_loop3A_165, %parallel_loop3A_167 : vector<16xf32>
        %parallel_loop3A_169 = arith.constant 0.000000e+00 : f32
        %parallel_loop3A_170 = arith.constant 2.550000e+02 : f32
        %parallel_loop3A_171 = vector.broadcast %parallel_loop3A_169 : f32 to vector<16xf32>
        %parallel_loop3A_172 = arith.maximumf %parallel_loop3A_171, %parallel_loop3A_168 : vector<16xf32>
        %parallel_loop3A_173 = vector.broadcast %parallel_loop3A_170 : f32 to vector<16xf32>
        %parallel_loop3A_174 = arith.minimumf %parallel_loop3A_173, %parallel_loop3A_172 : vector<16xf32>
        %parallel_loop3A_175 = arith.fptosi %parallel_loop3A_174 : vector<16xf32> to vector<16xi32>
        %parallel_loop3A_176 = tpu.vector_load_idx %arg5[%parallel_loop3A_175] : memref<256xf32, #tpu.memory_space<vmem>>[vector<16xi32>], vector<16xf32>,
        %parallel_loop3A_177 = arith.subf %parallel_loop3A_165, %parallel_loop3A_176 : vector<16xf32>
        %parallel_loop3A_178 = arith.mulf %parallel_loop3A_177, %parallel_loop3A_177 : vector<16xf32>
        %parallel_loop3A_179 = arith.addf %parallel_loop3A_159, %parallel_loop3A_178 : vector<16xf32>
        scf.yield %parallel_loop3A_179 : vector<16xf32>
      } {sc.loop_unroll_factor = 8 : i64, sc.parallel_access}
      %parallel_loop3A_139 = arith.constant 0 : i32
      %parallel_loop3A_140 = arith.constant 128 : i32
      %parallel_loop3A_141 = arith.constant 1 : i32
      %parallel_loop3A_142 = scf.for %parallel_loop3A_158 = %parallel_loop3A_139 to %parallel_loop3A_140 step %parallel_loop3A_141 iter_args(%parallel_loop3A_159 = %parallel_loop3A_138) -> (vector<16xf32>)  : i32 {
        %parallel_loop3A_160 = arith.constant 16 : i32
        %parallel_loop3A_161 = arith.muli %parallel_loop3A_158, %parallel_loop3A_160 : i32
        %parallel_loop3A_162 = arith.constant 6 : i32
        %parallel_loop3A_163 = arith.index_cast %parallel_loop3A_162 : i32 to index
        %parallel_loop3A_164 = arith.index_cast %parallel_loop3A_161 : i32 to index
        %parallel_loop3A_165 = tpu.vector_load %arg7[%parallel_loop3A_163, %parallel_loop3A_164] {strides = array<i32>} : memref<8x2048xf32, #tpu.memory_space<vmem>>, vector<16xf32>,
        %parallel_loop3A_166 = arith.constant 2.550000e+02 : f32
        %parallel_loop3A_167 = vector.broadcast %parallel_loop3A_166 : f32 to vector<16xf32>
        %parallel_loop3A_168 = arith.mulf %parallel_loop3A_165, %parallel_loop3A_167 : vector<16xf32>
        %parallel_loop3A_169 = arith.constant 0.000000e+00 : f32
        %parallel_loop3A_170 = arith.constant 2.550000e+02 : f32
        %parallel_loop3A_171 = vector.broadcast %parallel_loop3A_169 : f32 to vector<16xf32>
        %parallel_loop3A_172 = arith.maximumf %parallel_loop3A_171, %parallel_loop3A_168 : vector<16xf32>
        %parallel_loop3A_173 = vector.broadcast %parallel_loop3A_170 : f32 to vector<16xf32>
        %parallel_loop3A_174 = arith.minimumf %parallel_loop3A_173, %parallel_loop3A_172 : vector<16xf32>
        %parallel_loop3A_175 = arith.fptosi %parallel_loop3A_174 : vector<16xf32> to vector<16xi32>
        %parallel_loop3A_176 = tpu.vector_load_idx %arg5[%parallel_loop3A_175] : memref<256xf32, #tpu.memory_space<vmem>>[vector<16xi32>], vector<16xf32>,
        %parallel_loop3A_177 = arith.subf %parallel_loop3A_165, %parallel_loop3A_176 : vector<16xf32>
        %parallel_loop3A_178 = arith.mulf %parallel_loop3A_177, %parallel_loop3A_177 : vector<16xf32>
        %parallel_loop3A_179 = arith.addf %parallel_loop3A_159, %parallel_loop3A_178 : vector<16xf32>
        scf.yield %parallel_loop3A_179 : vector<16xf32>
      } {sc.loop_unroll_factor = 8 : i64, sc.parallel_access}
      %parallel_loop3A_143 = arith.constant 0 : i32
      %parallel_loop3A_144 = arith.constant 128 : i32
      %parallel_loop3A_145 = arith.constant 1 : i32
      %parallel_loop3A_146 = scf.for %parallel_loop3A_158 = %parallel_loop3A_143 to %parallel_loop3A_144 step %parallel_loop3A_145 iter_args(%parallel_loop3A_159 = %parallel_loop3A_142) -> (vector<16xf32>)  : i32 {
        %parallel_loop3A_160 = arith.constant 16 : i32
        %parallel_loop3A_161 = arith.muli %parallel_loop3A_158, %parallel_loop3A_160 : i32
        %parallel_loop3A_162 = arith.constant 7 : i32
        %parallel_loop3A_163 = arith.index_cast %parallel_loop3A_162 : i32 to index
        %parallel_loop3A_164 = arith.index_cast %parallel_loop3A_161 : i32 to index
        %parallel_loop3A_165 = tpu.vector_load %arg7[%parallel_loop3A_163, %parallel_loop3A_164] {strides = array<i32>} : memref<8x2048xf32, #tpu.memory_space<vmem>>, vector<16xf32>,
        %parallel_loop3A_166 = arith.constant 2.550000e+02 : f32
        %parallel_loop3A_167 = vector.broadcast %parallel_loop3A_166 : f32 to vector<16xf32>
        %parallel_loop3A_168 = arith.mulf %parallel_loop3A_165, %parallel_loop3A_167 : vector<16xf32>
        %parallel_loop3A_169 = arith.constant 0.000000e+00 : f32
        %parallel_loop3A_170 = arith.constant 2.550000e+02 : f32
        %parallel_loop3A_171 = vector.broadcast %parallel_loop3A_169 : f32 to vector<16xf32>
        %parallel_loop3A_172 = arith.maximumf %parallel_loop3A_171, %parallel_loop3A_168 : vector<16xf32>
        %parallel_loop3A_173 = vector.broadcast %parallel_loop3A_170 : f32 to vector<16xf32>
        %parallel_loop3A_174 = arith.minimumf %parallel_loop3A_173, %parallel_loop3A_172 : vector<16xf32>
        %parallel_loop3A_175 = arith.fptosi %parallel_loop3A_174 : vector<16xf32> to vector<16xi32>
        %parallel_loop3A_176 = tpu.vector_load_idx %arg5[%parallel_loop3A_175] : memref<256xf32, #tpu.memory_space<vmem>>[vector<16xi32>], vector<16xf32>,
        %parallel_loop3A_177 = arith.subf %parallel_loop3A_165, %parallel_loop3A_176 : vector<16xf32>
        %parallel_loop3A_178 = arith.mulf %parallel_loop3A_177, %parallel_loop3A_177 : vector<16xf32>
        %parallel_loop3A_179 = arith.addf %parallel_loop3A_159, %parallel_loop3A_178 : vector<16xf32>
        scf.yield %parallel_loop3A_179 : vector<16xf32>
      } {sc.loop_unroll_factor = 8 : i64, sc.parallel_access}
      %add3A_147 = arith.constant 3 : i32
      %add3A_148 = arith.addi %mul3A_52, %add3A_147 : i32
      %min3A_149 = arith.constant 53 : i32
      %min3A_150 = arith.minsi %add3A_148, %min3A_149 : i32
      %mul3A_151 = arith.constant 8 : i32
      %mul3A_152 = arith.muli %min3A_150, %mul3A_151 : i32
      %add3A_153 = arith.addi %add3A_4, %mul3A_152 : i32
      %dma_start3A_154 = arith.constant 0 : i32
      %dma_start3A_155 = tpu.memref_slice %arg2[%add3A_153, %dma_start3A_154] : memref<16384x2048xf32, #tpu.memory_space<hbm>> -> memref<8x2048xf32, #tpu.memory_space<hbm>>
      %dma_start3A_156 = arith.constant 0 : i32
      %dma_start3A_157 = tpu.memref_slice %arg2[%add3A_153, %dma_start3A_156] : memref<16384x2048xf32, #tpu.memory_space<hbm>> -> memref<8x2048xf32, #tpu.memory_space<hbm>>
      tpu.enqueue_dma source(%dma_start3A_157 : memref<8x2048xf32, #tpu.memory_space<hbm>>) target(%arg7 : memref<8x2048xf32, #tpu.memory_space<vmem>>) target_semaphore(%arg10 : memref<!tpu.dma_semaphore, #tpu.memory_space<semaphore_mem>>)
      scf.yield %parallel_loop3A_146 : vector<16xf32>
    }
    %scan3A_28 = arith.constant 27 : i32
    %min3A_29 = arith.constant 54 : i32
    %min3A_30 = arith.constant 53 : i32
    %min3A_31 = arith.minsi %min3A_29, %min3A_30 : i32
    %mul3A_32 = arith.constant 8 : i32
    %mul3A_33 = arith.muli %min3A_31, %mul3A_32 : i32
    %add3A_34 = arith.addi %add3A_4, %mul3A_33 : i32
    %dma_wait3A = arith.constant 0 : i32
    %dma_wait3A_35 = tpu.memref_slice %arg2[%add3A_34, %dma_wait3A] : memref<16384x2048xf32, #tpu.memory_space<hbm>> -> memref<8x2048xf32, #tpu.memory_space<hbm>>
    %dma_wait3A_36 = arith.constant 0 : i32
    %dma_wait3A_37 = tpu.memref_slice %arg2[%add3A_34, %dma_wait3A_36] : memref<16384x2048xf32, #tpu.memory_space<hbm>> -> memref<8x2048xf32, #tpu.memory_space<hbm>>
    tpu.wait_dma2 semaphore(%arg9 : memref<!tpu.dma_semaphore, #tpu.memory_space<semaphore_mem>>) src(%dma_wait3A_37 : memref<8x2048xf32, #tpu.memory_space<hbm>>) dst(%arg6 : memref<8x2048xf32, #tpu.memory_space<vmem>>)
    %min3A_38 = arith.constant 55 : i32
    %min3A_39 = arith.constant 53 : i32
    %min3A_40 = arith.minsi %min3A_38, %min3A_39 : i32
    %mul3A_41 = arith.constant 8 : i32
    %mul3A_42 = arith.muli %min3A_40, %mul3A_41 : i32
    %add3A_43 = arith.addi %add3A_4, %mul3A_42 : i32
    %dma_wait3A_44 = arith.constant 0 : i32
    %dma_wait3A_45 = tpu.memref_slice %arg2[%add3A_43, %dma_wait3A_44] : memref<16384x2048xf32, #tpu.memory_space<hbm>> -> memref<8x2048xf32, #tpu.memory_space<hbm>>
    %dma_wait3A_46 = arith.constant 0 : i32
    %dma_wait3A_47 = tpu.memref_slice %arg2[%add3A_43, %dma_wait3A_46] : memref<16384x2048xf32, #tpu.memory_space<hbm>> -> memref<8x2048xf32, #tpu.memory_space<hbm>>
    tpu.wait_dma2 semaphore(%arg10 : memref<!tpu.dma_semaphore, #tpu.memory_space<semaphore_mem>>) src(%dma_wait3A_47 : memref<8x2048xf32, #tpu.memory_space<hbm>>) dst(%arg7 : memref<8x2048xf32, #tpu.memory_space<vmem>>)
    %swap3A = arith.constant 0 : index
    %swap3A_48 = tpu.vector_load %arg8[%swap3A] {strides = array<i32>} : memref<16xf32, #tpu.memory_space<vmem>>, vector<16xf32>,
    tpu.vector_store %arg8[%swap3A], %scan3A_27 {strides = array<i32>} : memref<16xf32, #tpu.memory_space<vmem>>, vector<16xf32>,
    "tpu.region"() ({
      %run_scoped3A = tpu.sem_alloc : memref<!tpu.dma_semaphore, #tpu.memory_space<semaphore_mem>>
      %dma_start3A_49 = arith.constant 0 : i32
      %dma_start3A_50 = tpu.memref_slice %arg4[%add3A, %dma_start3A_49] : memref<32x16xf32, #tpu.memory_space<hbm>> -> memref<1x16xf32, #tpu.memory_space<hbm>>
      %dma_start3A_51 = tpu.memref_squeeze %dma_start3A_50 : memref<1x16xf32, #tpu.memory_space<hbm>> -> memref<16xf32, #tpu.memory_space<hbm>>
      %dma_start3A_52 = arith.constant 0 : i32
      %dma_start3A_53 = tpu.memref_slice %arg4[%add3A, %dma_start3A_52] : memref<32x16xf32, #tpu.memory_space<hbm>> -> memref<1x16xf32, #tpu.memory_space<hbm>>
      %dma_start3A_54 = tpu.memref_squeeze %dma_start3A_53 : memref<1x16xf32, #tpu.memory_space<hbm>> -> memref<16xf32, #tpu.memory_space<hbm>>
      tpu.enqueue_dma source(%arg8 : memref<16xf32, #tpu.memory_space<vmem>>) target(%dma_start3A_54 : memref<16xf32, #tpu.memory_space<hbm>>) target_semaphore(%run_scoped3A : memref<!tpu.dma_semaphore, #tpu.memory_space<semaphore_mem>>)
      %dma_wait3A_55 = arith.constant 0 : i32
      %dma_wait3A_56 = tpu.memref_slice %arg4[%add3A, %dma_wait3A_55] : memref<32x16xf32, #tpu.memory_space<hbm>> -> memref<1x16xf32, #tpu.memory_space<hbm>>
      %dma_wait3A_57 = tpu.memref_squeeze %dma_wait3A_56 : memref<1x16xf32, #tpu.memory_space<hbm>> -> memref<16xf32, #tpu.memory_space<hbm>>
      %dma_wait3A_58 = arith.constant 0 : i32
      %dma_wait3A_59 = tpu.memref_slice %arg4[%add3A, %dma_wait3A_58] : memref<32x16xf32, #tpu.memory_space<hbm>> -> memref<1x16xf32, #tpu.memory_space<hbm>>
      %dma_wait3A_60 = tpu.memref_squeeze %dma_wait3A_59 : memref<1x16xf32, #tpu.memory_space<hbm>> -> memref<16xf32, #tpu.memory_space<hbm>>
      tpu.wait_dma2 semaphore(%run_scoped3A : memref<!tpu.dma_semaphore, #tpu.memory_space<semaphore_mem>>) src(%arg8 : memref<16xf32, #tpu.memory_space<vmem>>) dst(%dma_wait3A_60 : memref<16xf32, #tpu.memory_space<hbm>>)
      tpu.yield
    }) : () -> ()
    return
  }
}

module attributes {stable_mosaic.version = 14 : i64} {
  func.func @_tc_body(%arg0: i32, %arg1: memref<64x8x2048xf32, #tpu.memory_space<vmem>>, %arg2: memref<8x256xf32, #tpu.memory_space<vmem>>, %arg3: memref<1xf32, #tpu.memory_space<smem>>, %arg4: memref<1xf32, #tpu.memory_space<smem>>) attributes {dimension_semantics = [#tpu.dimension_semantics<arbitrary>], iteration_bounds = array<i64: 32>, scalar_prefetch = 0 : i64, scratch_operands = 1 : i64, tpu.core_type = #tpu.core_type<tc>, window_params = [{transform_indices = @transform_0, window_bounds = array<i64: 64, 8, 2048>}, {pipeline_mode = #tpu.pipeline_mode<synchronous>, transform_indices = @transform_1, window_bounds = array<i64: 8, 256>}, {transform_indices = @transform_2, window_bounds = array<i64: 1>}]} {
    %get3A = arith.constant 0 : index
    %get3A_0 = arith.constant 0 : index
    %get3A_1 = arith.constant 0 : index
    %get3A_2 = vector.load %arg1[%get3A, %get3A_0, %get3A_1] : memref<64x8x2048xf32, #tpu.memory_space<vmem>>, vector<64x8x2048xf32>
    %mul3A = arith.constant 5.000000e+01 : f32
    %mul3A_3 = vector.broadcast %mul3A : f32 to vector<64x8x2048xf32>
    %mul3A_4 = arith.mulf %get3A_2, %mul3A_3 : vector<64x8x2048xf32>
    %gt3A = arith.constant -2.000000e-01 : f32
    %gt3A_5 = vector.broadcast %gt3A : f32 to vector<64x8x2048xf32>
    %gt3A_6 = arith.cmpf ogt, %get3A_2, %gt3A_5 : vector<64x8x2048xf32>
    %mul3A_7 = arith.mulf %mul3A_4, %mul3A_4 : vector<64x8x2048xf32>
    %mul3A_8 = arith.constant -1.000000e+03 : f32
    %mul3A_9 = vector.broadcast %mul3A_8 : f32 to vector<64x8x2048xf32>
    %mul3A_10 = arith.mulf %mul3A_9, %get3A_2 : vector<64x8x2048xf32>
    %sub3A = arith.constant 1.000000e+02 : f32
    %sub3A_11 = vector.broadcast %sub3A : f32 to vector<64x8x2048xf32>
    %sub3A_12 = arith.subf %mul3A_10, %sub3A_11 : vector<64x8x2048xf32>
    %select_n3A = arith.select %gt3A_6, %mul3A_7, %sub3A_12 : vector<64x8x2048xi1>, vector<64x8x2048xf32>
    %ge3A = arith.constant 0.000000e+00 : f32
    %ge3A_13 = vector.broadcast %ge3A : f32 to vector<64x8x2048xf32>
    %ge3A_14 = arith.cmpf oge, %get3A_2, %ge3A_13 : vector<64x8x2048xf32>
    %select_n3A_15 = arith.select %ge3A_14, %get3A_2, %select_n3A : vector<64x8x2048xi1>, vector<64x8x2048xf32>
    %reduce_sum3A = vector.shape_cast %select_n3A_15 : vector<64x8x2048xf32> to vector<1x64x8x2048xf32>
    %reduce_sum3A_16 = arith.constant dense<0.000000e+00> : vector<1xf32>
    %reduce_sum3A_17 = vector.multi_reduction <add>, %reduce_sum3A, %reduce_sum3A_16 [1, 2, 3] : vector<1x64x8x2048xf32> to vector<1xf32>
    %reduce_sum3A_18 = vector.shape_cast %reduce_sum3A_17 : vector<1xf32> to vector<1x1x1x1xf32>
    %reduce_sum3A_19 = vector.extract %reduce_sum3A_18[0, 0, 0, 0] : f32 from vector<1x1x1x1xf32>
    %eq3A = arith.constant 0 : i32
    %eq3A_20 = arith.cmpi eq, %arg0, %eq3A : i32
    %convert_element_type3A = arith.extui %eq3A_20 : i1 to i32
    %cond3A = arith.constant 0 : i32
    %cond3A_21 = arith.cmpi ne, %convert_element_type3A, %cond3A : i32
    scf.if %cond3A_21 {
      %swap3A_34 = arith.constant 0.000000e+00 : f32
      %swap3A_35 = arith.constant 0 : index
      %swap3A_36 = memref.load %arg4[%swap3A_35] : memref<1xf32, #tpu.memory_space<smem>>
      memref.store %swap3A_34, %arg4[%swap3A_35] : memref<1xf32, #tpu.memory_space<smem>>
    } else {
    }
    %get3A_22 = arith.constant 0 : index
    %get3A_23 = memref.load %arg4[%get3A_22] : memref<1xf32, #tpu.memory_space<smem>>
    %add3A = arith.addf %get3A_23, %reduce_sum3A_19 : f32
    %swap3A = arith.constant 0 : index
    %swap3A_24 = memref.load %arg4[%swap3A] : memref<1xf32, #tpu.memory_space<smem>>
    memref.store %add3A, %arg4[%swap3A] : memref<1xf32, #tpu.memory_space<smem>>
    %lt3A = arith.constant 5 : i32
    %lt3A_25 = arith.cmpi slt, %arg0, %lt3A : i32
    %convert_element_type3A_26 = arith.extui %lt3A_25 : i1 to i32
    %cond3A_27 = arith.constant 0 : i32
    %cond3A_28 = arith.cmpi ne, %convert_element_type3A_26, %cond3A_27 : i32
    scf.if %cond3A_28 {
      %get3A_34 = arith.constant 0 : index
      %get3A_35 = arith.constant 0 : index
      %get3A_36 = vector.load %arg2[%get3A_34, %get3A_35] : memref<8x256xf32, #tpu.memory_space<vmem>>, vector<8x128xf32>
      %get3A_37 = arith.constant 0 : index
      %get3A_38 = arith.constant 128 : index
      %get3A_39 = vector.load %arg2[%get3A_37, %get3A_38] : memref<8x256xf32, #tpu.memory_space<vmem>>, vector<8x128xf32>
      %get3A_40 = arith.constant 0 : index
      %get3A_41 = memref.load %arg4[%get3A_40] : memref<1xf32, #tpu.memory_space<smem>>
      %scan3A = arith.constant 0.000000e+00 : f32
      %scan3A_42 = arith.constant 0 : i32
      %scan3A_43 = arith.constant 64 : i32
      %scan3A_44 = arith.addi %scan3A_42, %scan3A_43 : i32
      %scan3A_45 = arith.constant 1 : i32
      %scan3A_46 = scf.for %scan3A_51 = %scan3A_42 to %scan3A_44 step %scan3A_45 iter_args(%scan3A_52 = %scan3A) -> (f32)  : i32 {
        %get3A_53 = arith.index_cast %scan3A_51 : i32 to index
        %get3A_54 = arith.constant 0 : index
        %get3A_55 = arith.constant 0 : index
        %get3A_56 = vector.load %arg1[%get3A_53, %get3A_54, %get3A_55] : memref<64x8x2048xf32, #tpu.memory_space<vmem>>, vector<1x8x2048xf32>
        %get3A_57 = vector.shape_cast %get3A_56 : vector<1x8x2048xf32> to vector<8x2048xf32>
        %mul3A_58 = arith.constant 2.550000e+02 : f32
        %mul3A_59 = vector.broadcast %mul3A_58 : f32 to vector<8x2048xf32>
        %mul3A_60 = arith.mulf %get3A_57, %mul3A_59 : vector<8x2048xf32>
        %jit3A = arith.constant 0.000000e+00 : f32
        %jit3A_61 = arith.constant 2.550000e+02 : f32
        %max3A = vector.broadcast %jit3A : f32 to vector<8x2048xf32>
        %max3A_62 = arith.maximumf %max3A, %mul3A_60 : vector<8x2048xf32>
        %min3A = vector.broadcast %jit3A_61 : f32 to vector<8x2048xf32>
        %min3A_63 = arith.minimumf %min3A, %max3A_62 : vector<8x2048xf32>
        %convert_element_type3A_64 = arith.fptosi %min3A_63 : vector<8x2048xf32> to vector<8x2048xi32>
        %and3A = arith.constant 127 : i32
        %and3A_65 = vector.broadcast %and3A : i32 to vector<8x2048xi32>
        %and3A_66 = arith.andi %convert_element_type3A_64, %and3A_65 : vector<8x2048xi32>
        %lt3A_67 = arith.constant 0 : i32
        %lt3A_68 = vector.broadcast %lt3A_67 : i32 to vector<8x2048xi32>
        %lt3A_69 = arith.cmpi slt, %and3A_66, %lt3A_68 : vector<8x2048xi32>
        %add3A_70 = arith.constant 128 : i32
        %add3A_71 = vector.broadcast %add3A_70 : i32 to vector<8x2048xi32>
        %add3A_72 = arith.addi %and3A_66, %add3A_71 : vector<8x2048xi32>
        %select_n3A_73 = arith.select %lt3A_69, %add3A_72, %and3A_66 : vector<8x2048xi1>, vector<8x2048xi32>
        %reshape3A = vector.shape_cast %select_n3A_73 : vector<8x2048xi32> to vector<8x2048x1xi32>
        %gather3A = vector.shape_cast %reshape3A : vector<8x2048x1xi32> to vector<8x2048xi32>
        %gather3A_74 = tpu.dynamic_gather %get3A_36[%gather3A] in [1] : vector<8x128xf32>, vector<8x2048xi32> -> vector<8x2048xf32>
        %lt3A_75 = arith.constant 0 : i32
        %lt3A_76 = vector.broadcast %lt3A_75 : i32 to vector<8x2048xi32>
        %lt3A_77 = arith.cmpi slt, %and3A_66, %lt3A_76 : vector<8x2048xi32>
        %add3A_78 = arith.constant 128 : i32
        %add3A_79 = vector.broadcast %add3A_78 : i32 to vector<8x2048xi32>
        %add3A_80 = arith.addi %and3A_66, %add3A_79 : vector<8x2048xi32>
        %select_n3A_81 = arith.select %lt3A_77, %add3A_80, %and3A_66 : vector<8x2048xi1>, vector<8x2048xi32>
        %reshape3A_82 = vector.shape_cast %select_n3A_81 : vector<8x2048xi32> to vector<8x2048x1xi32>
        %gather3A_83 = vector.shape_cast %reshape3A_82 : vector<8x2048x1xi32> to vector<8x2048xi32>
        %gather3A_84 = tpu.dynamic_gather %get3A_39[%gather3A_83] in [1] : vector<8x128xf32>, vector<8x2048xi32> -> vector<8x2048xf32>
        %lt3A_85 = arith.constant 128 : i32
        %lt3A_86 = vector.broadcast %lt3A_85 : i32 to vector<8x2048xi32>
        %lt3A_87 = arith.cmpi slt, %convert_element_type3A_64, %lt3A_86 : vector<8x2048xi32>
        %select_n3A_88 = arith.select %lt3A_87, %gather3A_74, %gather3A_84 : vector<8x2048xi1>, vector<8x2048xf32>
        %sub3A_89 = arith.subf %get3A_57, %select_n3A_88 : vector<8x2048xf32>
        %mul3A_90 = arith.mulf %sub3A_89, %sub3A_89 : vector<8x2048xf32>
        %reduce_sum3A_91 = vector.shape_cast %mul3A_90 : vector<8x2048xf32> to vector<1x8x2048xf32>
        %reduce_sum3A_92 = arith.constant dense<0.000000e+00> : vector<1xf32>
        %reduce_sum3A_93 = vector.multi_reduction <add>, %reduce_sum3A_91, %reduce_sum3A_92 [1, 2] : vector<1x8x2048xf32> to vector<1xf32>
        %reduce_sum3A_94 = vector.shape_cast %reduce_sum3A_93 : vector<1xf32> to vector<1x1x1xf32>
        %reduce_sum3A_95 = vector.extract %reduce_sum3A_94[0, 0, 0] : f32 from vector<1x1x1xf32>
        %add3A_96 = arith.addf %scan3A_52, %reduce_sum3A_95 : f32
        scf.yield %add3A_96 : f32
      }
      %scan3A_47 = arith.constant 64 : i32
      %add3A_48 = arith.addf %get3A_41, %scan3A_46 : f32
      %swap3A_49 = arith.constant 0 : index
      %swap3A_50 = memref.load %arg4[%swap3A_49] : memref<1xf32, #tpu.memory_space<smem>>
      memref.store %add3A_48, %arg4[%swap3A_49] : memref<1xf32, #tpu.memory_space<smem>>
    } else {
    }
    %eq3A_29 = arith.constant 31 : i32
    %eq3A_30 = arith.cmpi eq, %arg0, %eq3A_29 : i32
    %convert_element_type3A_31 = arith.extui %eq3A_30 : i1 to i32
    %cond3A_32 = arith.constant 0 : i32
    %cond3A_33 = arith.cmpi ne, %convert_element_type3A_31, %cond3A_32 : i32
    scf.if %cond3A_33 {
      %get3A_34 = arith.constant 0 : index
      %get3A_35 = memref.load %arg4[%get3A_34] : memref<1xf32, #tpu.memory_space<smem>>
      %swap3A_36 = arith.constant 0 : index
      %swap3A_37 = memref.load %arg3[%swap3A_36] : memref<1xf32, #tpu.memory_space<smem>>
      memref.store %get3A_35, %arg3[%swap3A_36] : memref<1xf32, #tpu.memory_space<smem>>
    } else {
    }
    return
  }
  func.func @transform_0(%arg0: i32) -> (i32, i32, i32) {
    %c0_i32 = arith.constant 0 : i32
    %c0_i32_0 = arith.constant 0 : i32
    %c0_i32_1 = arith.constant 0 : i32
    return %arg0, %c0_i32, %c0_i32_0 : i32, i32, i32
  }
  func.func @transform_1(%arg0: i32) -> (i32, i32) {
    %c0_i32 = arith.constant 0 : i32
    %c0_i32_0 = arith.constant 0 : i32
    %c0_i32_1 = arith.constant 0 : i32
    return %c0_i32, %c0_i32_0 : i32, i32
  }
  func.func @transform_2(%arg0: i32) -> i32 {
    %c0_i32 = arith.constant 0 : i32
    %c0_i32_0 = arith.constant 0 : i32
    return %c0_i32 : i32
  }
}

</mosaic_0001>

<sc_bundles>
// kernel: kernel.4.cloned.1.call-start
scs
__scs_entry_jumppad:
0x0: {  	(pc) =	sbr.rel $0x88, $3  }
0x1: {  	(tag) =	ssettag $0x0;
	lr =	simm.s32 $0x1  }
0x2: {  	[smem:$0x3F9F] =	sst lr;
	_ =	strace $0xD0000000  }
0x3: {  	_ = 	snop  }
0x4: {  	_ = 	snop  }
0x5: {  	_ = 	snop  }
0x6: {  	_ = 	snop  }
0x7: {  	_ = 	snop  }
__scs_overlays_trampoline_lowered:
0x8: {  	[smem:$0x3FAE] =	sst s0  }
0x9: {  	[smem:$0x3FAF] =	sst s1  }
0xa: {  	[smem:$0x3FB0] =	sst s2  }
0xb: {  	[smem:$0x3FB1] =	sst s3  }
0xc: {  	[smem:$0x3FB2] =	sst s4  }
0xd: {  	[smem:$0x3FB3] =	sst s5  }
0xe: {  	[smem:$0x3FB4] =	sst s6  }
0xf: {  	[smem:$0x3FB5] =	sst s7  }
0x10: {  	[smem:$0x3FB6] =	sst s8  }
0x11: {  	[smem:$0x3FB7] =	sst s9;
	s0 =	simm.s32 @!p0 $0x0  }
0x12: {  	s1 =	sld [smem:$0x3F9D];
	s0 =	simm.s32 @p0 $0x1  }
0x13: {  	[smem:$0x3FB8] =	sst s0;
	s0 =	simm.s32 @!p1 $0x0  }
0x14: {  	s2 =	sld [smem:$0x3F9C];
	s0 =	simm.s32 @p1 $0x1  }
0x15: {  	[smem:$0x3FB9] =	sst s0;
	s0 =	simm.s32 @!p2 $0x0  }
0x16: {  	s3 =	sld [smem:$0x3FDB];
	s0 =	simm.s32 @p2 $0x1  }
0x17: {  	s4 =	simm.s32 $0x1BF5;
	[smem:$0x3FBB] =	sst s0  }
0x18: {  	s0 =	sld [smem:$0x3F9E];
	_ =	swait.ge [sflag:s4], $0x0  }
0x19: {  	s7 =	sld [smem:$0x3F9F]  }
0x1a: {  	s8 =	sadd.s32 $0xFFFFE003, lr  }
0x1b: {  	s9 =	sadd.s32 $0xFFFFFEF7, lr;
	s5 =	simm.s32 $0xFFFFFFFF;
	p2 =	slt.u32 s8, $0xFFFFF086  }
0x1c: {  	p1 =	slt.u32 s9, $0xF7A;
	s5 =	simm.s32 @!p2 $0x0  }
0x1d: {  	s5 =	simm.s32 @p1 $0x1;
	p0 =	seq.s32 s7, s2  }
0x1e: {  	s7 =	smul.u32 @!p0 $0xF7A, s2;
	p2 =	seq.s32 @!p0 s5, $0x0  }
0x1f: {  	s9 =	smul.u32 $0xF7A, s1;
	s8 =	simm.s32 @!p0 $0x1BF5;
	p2 =	por !p2, p0  }
0x20: {  	[sflag:s8] =	ssyncset.s32 @!p0 $0xFFFFF086;
	s6 =	sadd.s32 @!p0 s3, s7;
	s7 =	simm.s32 @!p0 $0x108  }
0x21: {  	s3 =	sadd.s32 s3, s9;
	s6 =	sadd.s32 @!p0 $0x88, s6;
	s7 =	simm.s32 @p2 $0x1082  }
0x22: {  	[simem:s7], [sflag:s8] =	dma.local @!p0 [hbm:s6], $0xF7A  }
0x23: {  	s9 =	sor.u32 $0xD0000000, s2;
	s6 =	simm.s32 $0x108;
	_ =	swait.ge @!p0 [sflag:s8], $0x0  }
0x24: {  	s3 =	sadd.s32 $0x88, s3;
	s6 =	simm.s32 @!p1 $0x1082;
	[sflag:s4] =	ssyncset.s32 $0xFFFFF086  }
0x25: {  	[simem:s6], [sflag:s4] =	dma.local [hbm:s3], $0xF7A  }
0x26: {  	[smem:$0x3F9F] =	sst s1;
	(tag) =	ssettag s2;
	_ =	strace s9  }
0x27: {  	s1 =	sld [smem:$0x3FAF]  }
0x28: {  	s2 =	sld [smem:$0x3FB0]  }
0x29: {  	s4 =	sld [smem:$0x3FB2]  }
0x2a: {  	p0 =	seq.s32 s5, $0x0;
	s5 =	sld [smem:$0x3FB3]  }
0x2b: {  	s6 =	sld [smem:$0x3FB4]  }
0x2c: {  	s7 =	sld [smem:$0x3FB5]  }
0x2d: {  	s3 =	simm.s32 $0x108;
	s8 =	sld [smem:$0x3FB6]  }
0x2e: {  	s3 =	simm.s32 @!p0 $0x1082;
	s9 =	sld [smem:$0x3FB7]  }
0x2f: {  	lr =	sadd.s32 s0, s3;
	s0 =	sld [smem:$0x3FAE]  }
0x30: {  	s3 =	sld [smem:$0x3FB1]  }
0x31: {  	[smem:$0x3FBA] =	sst s10  }
0x32: {  	s10 =	sld [smem:$0x3FB8];
	_ =	sdelay $0x3  }
0x33: {  	p0 =	seq.s32 s10, $0x1;
	s10 =	sld [smem:$0x3FBA];
	_ =	sdelay $0x3  }
0x34: {  	[smem:$0x3FBA] =	sst s10  }
0x35: {  	s10 =	sld [smem:$0x3FB9];
	_ =	sdelay $0x3  }
0x36: {  	p1 =	seq.s32 s10, $0x1;
	s10 =	sld [smem:$0x3FBA];
	_ =	sdelay $0x3  }
0x37: {  	[smem:$0x3FBA] =	sst s10  }
0x38: {  	s10 =	sld [smem:$0x3FBB]  }
0x39: {  	_ = 	snop;
	(pc) =	sbr.ind lr, $3  }
0x3a: {  	_ = 	snop  }
0x3b: {  	_ = 	snop  }
0x3c: {  	p2 =	seq.s32 s10, $0x1;
	s10 =	sld [smem:$0x3FBA]  }
0x3d: {  	_ =	shalt  }
0x3e: {  	_ =	shalt  }
0x3f: {  	_ =	shalt  }
0x40: {  	_ =	shalt  }
0x41: {  	_ =	shalt  }
0x42: {  	_ =	shalt  }
0x43: {  	_ =	shalt  }
0x44: {  	_ =	shalt  }
0x45: {  	_ =	shalt  }
0x46: {  	_ =	shalt  }
0x47: {  	_ =	shalt  }
0x48: {  	_ =	shalt  }
0x49: {  	_ =	shalt  }
0x4a: {  	_ =	shalt  }
0x4b: {  	_ =	shalt  }
0x4c: {  	_ =	shalt  }
0x4d: {  	_ =	shalt  }
0x4e: {  	_ =	shalt  }
0x4f: {  	_ =	shalt  }
0x50: {  	_ =	shalt  }
0x51: {  	_ =	shalt  }
0x52: {  	_ =	shalt  }
0x53: {  	_ =	shalt  }
0x54: {  	_ =	shalt  }
0x55: {  	_ =	shalt  }
0x56: {  	_ =	shalt  }
0x57: {  	_ =	shalt  }
0x58: {  	_ =	shalt  }
0x59: {  	_ =	shalt  }
0x5a: {  	_ =	shalt  }
0x5b: {  	_ =	shalt  }
0x5c: {  	_ =	shalt  }
0x5d: {  	_ =	shalt  }
0x5e: {  	_ =	shalt  }
0x5f: {  	_ =	shalt  }
0x60: {  	_ =	shalt  }
0x61: {  	_ =	shalt  }
0x62: {  	_ =	shalt  }
0x63: {  	_ =	shalt  }
0x64: {  	_ =	shalt  }
0x65: {  	_ =	shalt  }
0x66: {  	_ =	shalt  }
0x67: {  	_ =	shalt  }
0x68: {  	_ =	shalt  }
0x69: {  	_ =	shalt  }
0x6a: {  	_ =	shalt  }
0x6b: {  	_ =	shalt  }
0x6c: {  	_ =	shalt  }
0x6d: {  	_ =	shalt  }
0x6e: {  	_ =	shalt  }
0x6f: {  	_ =	shalt  }
0x70: {  	_ =	shalt  }
0x71: {  	_ =	shalt  }
0x72: {  	_ =	shalt  }
0x73: {  	_ =	shalt  }
0x74: {  	_ =	shalt  }
0x75: {  	_ =	shalt  }
0x76: {  	_ =	shalt  }
0x77: {  	_ =	shalt  }
0x78: {  	_ =	shalt  }
0x79: {  	_ =	shalt  }
0x7a: {  	_ =	shalt  }
0x7b: {  	_ =	shalt  }
0x7c: {  	_ =	shalt  }
0x7d: {  	_ =	shalt  }
0x7e: {  	_ =	shalt  }
0x7f: {  	_ =	shalt  }
0x80: {  	_ =	shalt  }
0x81: {  	_ =	shalt  }
0x82: {  	_ =	shalt  }
0x83: {  	_ =	shalt  }
0x84: {  	_ =	shalt  }
0x85: {  	_ =	shalt  }
0x86: {  	_ =	shalt  }
0x87: {  	_ =	shalt  }
.Lfunc_end0:
.L_simem_size_0:
called_computation_lowered:
.L_overlay_start_0:
0x88: {  	s2 =	sld [smem:$0x3FD9]  }
0x89: {  	s3 =	sld [smem:$0x3FFE];
	_ =	sdelay $0x1  }
0x8a: {  	s1 =	srdreg.scid  }
0x8b: {  	s0 =	sand.u32 $0x1, s1  }
0x8c: {  	s17 =	sshll.u32 s0, $0xA;
	s2 =	sadd.s32 s3, s2  }
0x8d: {  	s2 =	sadd.s32 s2, s17  }
0x8e: {  	[smem:$0x3FC6] =	sst s2  }
0x8f: {  	_ = 	snop  }
0x90: {  	s2 =	sld [smem:$0x3FC9]  }
0x91: {  	s18 =	sld [smem:$0x3FC8];
	(tm) =	ssettm $0x1  }
0x92: {  	s4 =	sld [smem:$0x3FFB];
	_ =	sdelay $0x3  }
0x93: {  	_ =	strace s4  }
0x94: {  	s4 =	sld [smem:$0x3FFC];
	_ =	sdelay $0x3  }
0x95: {  	_ =	strace s4  }
0x96: {  	s4 =	sld [smem:$0x3FFD];
	_ =	sdelay $0x3  }
0x97: {  	_ =	strace s4  }
0x98: {  	_ =	strace $0x8FFFFFFF  }
0x99: {  	s19 =	sld [smem:$0x3FDB];
	_ =	sdelay $0x1  }
0x9a: {  	s5 =	simm.s32 $_scs_section_size  }
0x9b: {  	s6 =	simm.s32 $_size__tile_overlayer_lowered;
	s7 =	simm.s32 $_tile_overlayer_lowered  }
0x9c: {  	s22 =	simm.s32 $0x1BFF;
	s21 =	sshll.u32 s7, $0x1;
	s4 =	sadd.s32 s5, s19  }
0x9d: {  	s8 =	simm.s32 $0x0;
	s20 =	sshll.u32 s6, $0x1;
	s6 =	sadd.s32 s21, s4  }
0x9e: {  	[timem:s8], [sflag:s22] =	dma.local [hbm:s6], s20  }
0x9f: {  	_ =	swait.ge [sflag:s22], s20  }
0xa0: {  	s5 =	ssub.s32 $0x0, s20;
	[sflag:s22] =	ssyncset.done $0x0  }
0xa1: {  	[sflag:s22] =	ssyncadd.s32 s5;
	_ =	sdelay $0x1  }
0xa2: {  	s23 =	simm.s32 $0x1B8B  }
0xa3: {  	_ =	swait.ge [sflag:s23], $0x1  }
0xa4: {  	[sflag:s23] =	ssyncset.done $0x0  }
0xa5: {  	s25 =	simm.s32 $0x1B8E;
	s24 =	sld [smem:$0x3FFE];
	[sflag:s23] =	ssyncadd.s32 $0xFFFFFFFF  }
0xa6: {  	s26 =	simm.s32 $execute0_lowered;
	[smem:$0x3FD2] =	sst s25  }
0xa7: {  	s6 =	sshll.u32 s26, $0x1;
	_ =	strace $0x80000046;
	[dreg:$0x1] =	wrdreg $0xFFFFFFFF  }
0xa8: {  	s28 =	simm.s32 $_size_execute0_lowered;
	s4 =	sadd.s32 s4, s6;
	[dreg:$0x0] =	wrdreg $0x0  }
0xa9: {  	s6 =	sshll.u32 s28, $0x1;
	[dreg:$0x2] =	wrdreg s4  }
0xaa: {  	[dreg:$0x3] =	wrdreg s6  }
0xab: {  	[dreg:$0x4] =	wrdreg $0xC0  }
0xac: {  	_ =	task [dreg:s8], $0x5FFFF  }
0xad: {  	[dreg:$0x1] =	wrdreg $0xFFFFFFFF  }
0xae: {  	[dreg:$0x0] =	wrdreg $0x60  }
0xaf: {  	[dreg:$0x2] =	wrdreg s2  }
0xb0: {  	[dreg:$0x3] =	wrdreg s18  }
0xb1: {  	[dreg:$0x4] =	wrdreg s24  }
0xb2: {  	[dreg:$0x5] =	wrdreg $0x9  }
0xb3: {  	_ =	task.clear_ibuf [dreg:s8], $0x6FFFF;
	_ =	strace $0x90000046  }
0xb4: {  	s29 =	simm.s32 $0x9;
	_ =	strace $0x80000048  }
0xb5: {  	_ =	swait.ge [sflag:s29], $0x1  }
0xb6: {  	[sflag:s29] =	ssyncadd.s32 $0xFFFFFFFF  }
0xb7: {  	_ =	strace $0x90000048  }
0xb8: {  	_ =	sfence  }
0xb9: {  	s30 =	sld [smem:$0x0];
	_ =	sdelay $0x2  }
0xba: {  	s31 =	sshll.u32 s1, $0xD;
	s1 =	sshrl.u32 s1, $0x2  }
0xbb: {  	s3 =	sand.u32 $0x4000, s31;
	s1 =	sadd.s32 s1, s30  }
0xbc: {  	s0 =	sor.u32 s3, s0;
	s1 =	sshll.u32 s1, $0x11  }
0xbd: {  	s0 =	sor.u32 s1, s0  }
0xbe: {  	s0 =	sadd.s32 $0x8F2B, s0  }
0xbf: {  	[sflag:s0] =	ssyncadd.remote.s32 $0x1  }
0xc0: {  	_ =	sfence.sel $0xFFFF  }
0xc1: {  	[dreg:$0x0] =	wrdreg $0xFFFFFFFF;
	(pc) =	sbr.abs _section_cstart, $3  }
0xc2: {  	[dreg:$0x1] =	wrdreg $0xFFFFFFFF  }
0xc3: {  	_ =	task.clear_ibuf [dreg:s8], $0x2FFFF;
	_ =	strace $0x9FFFFFFF  }
0xc4: {  	(tm) =	ssettm $0x7FFFFFFF  }
0xc5: {  	_ =	shalt  }
tec
execute0_lowered:
.L_overlay_start_1:
0x0: {  	(tag) =	ssettag $0x1  }
0x1: {  	s1 =	rddreg [dreg:$0x0]  }
0x2: {  	s3 =	rddreg [dreg:$0x1]  }
0x3: {  	s5 =	rddreg [dreg:$0x2]  }
0x4: {  	s0 =	rddreg [dreg:$0x3]  }
0x5: {  	s6 =	srdreg.scid;
	s2 =	stileid.u32;
	s4 =	simm.s32 $0x0  }
0x6: {  	s11 =	simm.s32 $0x3;
	s12 =	simm.s32 $0x100;
	s13 =	simm.s32 $0x4100  }
0x7: {  	s14 =	simm.s32 $0x1;
	s6 =	sand.u32 $0x1, s6;
	s7 =	sshll.u32 s2, $0x1  }
0x8: {  	s15 =	simm.s32 $0x2;
	s16 =	simm.s32 $0x8100;
	s7 =	sor.u32 s6, s7  }
0x9: {  	s17 =	simm.s32 $0x0;
	[smem:$0x7FF] =	sst s4;
	s8 =	smul.u32 $0x1B0, s7  }
0xa: {  	s6 =	ssub.s32 $0x2, s6;
	s9 =	sshll.u32 s7, $0x4;
	s7 =	smul.u32 $0xD8000, s7  }
0xb: {  	_ =	strace $0x80000047;
	s29 =	sshrl.u32 s6, $0x1;
	s9 =	sadd.s32 s9, s5  }
0xc: {  	s10 =	ssub.s32 s6, s29;
	s8 =	sadd.s32 $0xA00, s8;
	s31 =	sshrl.u32 s7, $0x3  }
0xd: {  	s9 =	sadd.s32 $0x200, s9;
	s10 =	smax.u32 s10, $0x1;
	s30 =	sshll.u32 s8, $0x8  }
0xe: {  	s6 =	sadd.s32 s1, s31;
	s8 =	sshrl.u32 s8, $0x3;
	s5 =	sadd.s32 s1, s30  }
0xf: {  	s6 =	sadd.s32 $0xA0800, s6;
	s7 =	sadd.s32 $0x2, s8;
	s8 =	sadd.s32 $0x3, s8  }
.LBB2_1:
0x10: {  	[tilespmem:s4], [sflag:$0x3] =	stream.linear.gather [hbm4b:s3+s4], $0x100, $0x38;
	[tilespmem:$0x8180] =	vst v63  }
0x11: {  	_ =	swait.ge [sflag:s11], $0x100  }
0x12: {  	[sflag:s11] =	ssyncset.done $0x0  }
0x13: {  	[sflag:s11] =	ssyncadd.s32 $0xFFFFFF00  }
0x14: {  	[tilespmem:s12], [sflag:$0x1] =	stream.linear.gather [hbm4b:s5+s4], $0x4000, $0x38;
	[tilespmem:$0x8180] =	vst v63  }
0x15: {  	s18 =	simm.s32 $0x0  }
0x16: {  	v6 =	vimm.f32 $0.0e+00;
	[tilespmem:s13], [sflag:$0x2] =	stream.linear.gather [hbm4b:s6+s4], $0x4000, $0x38;
	[tilespmem:$0x8180] =	vst v63  }
.LBB2_2:
0x17: {  	_ =	swait.ge [sflag:s14], $0x4000  }
0x18: {  	[sflag:s14] =	ssyncset.done $0x0  }
0x19: {  	s19 =	simm.s32 $0x140;
	[sflag:s14] =	ssyncadd.s32 $0xFFFFC000  }
0x1a: {  	v7 =	vld [tilespmem:s19+$0xFFFFFFC0];
	_ =	sdelay $0x1  }
0x1b: {  	v8 =	vld [tilespmem:s19+$0xFFFFFFD0];
	_ =	sdelay $0x1  }
0x1c: {  	v9 =	vld [tilespmem:s19+$0xFFFFFFE0]  }
0x1d: {  	v0 =	vmul.f32 $2.550000000e+02, v7  }
0x1e: {  	v10 =	vld [tilespmem:s19+$0xFFFFFFF0]  }
0x1f: {  	v11 =	vld [tilespmem:s19+$0x0];
	v1 =	vmul.f32 $2.550000000e+02, v8;
	v0 =	vmax.f32 v0, $0.0e+00  }
0x20: {  	v0 =	vmin.f32 v0, $2.550000000e+02  }
0x21: {  	v2 =	vmul.f32 $2.550000000e+02, v9;
	v1 =	vmax.f32 v1, $0.0e+00;
	v0 =	vtrunc.f32 v0  }
0x22: {  	v12 =	vld [tilespmem:s19+$0x10];
	v1 =	vmin.f32 v1, $2.550000000e+02;
	v4 =	vcvt.f32.s32 v0  }
0x23: {  	v5 =	vld [tilespmem:s19+$0x30];
	v3 =	vmul.f32 $2.550000000e+02, v10;
	v2 =	vmax.f32 v2, $0.0e+00;
	v1 =	vtrunc.f32 v1  }
0x24: {  	v13 =	vld [tilespmem:s19+$0x20];
	v2 =	vmin.f32 v2, $2.550000000e+02;
	v0 =	vmul.f32 $2.550000000e+02, v11;
	v14 =	vcvt.f32.s32 v1  }
0x25: {  	s31 =	simm.s32 $0x540;
	v1 =	vtrunc.f32 v2;
	v2 =	vmax.f32 v3, $0.0e+00  }
0x26: {  	v15 =	vcvt.f32.s32 v1;
	v1 =	vmin.f32 v2, $2.550000000e+02;
	v2 =	vmax.f32 v0, $0.0e+00;
	v0 =	vld [tilespmem:s31+$0x0]  }
0x27: {  	v16 =	vmul.f32 $2.550000000e+02, v12;
	v3 =	vtrunc.f32 v1;
	v1 =	vld [tilespmem:s31+$0xFFFFFFF0]  }
0x28: {  	v20 =	vmul.f32 $2.550000000e+02, v5;
	v2 =	vmin.f32 v2, $2.550000000e+02;
	v17 =	vcvt.f32.s32 v3;
	v18 =	vld.idx.msk [tilespmem:v4+s4+$0x0], $0xffff  }
0x29: {  	v3 =	vtrunc.f32 v2;
	v2 =	vld [tilespmem:s31+$0xFFFFFFC0];
	v4 =	vmax.f32 v16, $0.0e+00;
	v16 =	vmul.f32 $2.550000000e+02, v13  }
0x2a: {  	v20 =	vmax.f32 v20, $0.0e+00;
	v19 =	vcvt.f32.s32 v3;
	v14 =	vld.idx.msk [tilespmem:v14+s4+$0x0], $0xffff;
	v3 =	vmin.f32 v4, $2.550000000e+02  }
0x2b: {  	v20 =	vmin.f32 v20, $2.550000000e+02;
	v4 =	vtrunc.f32 v3;
	v16 =	vmax.f32 v16, $0.0e+00;
	v3 =	vld [tilespmem:s31+$0xFFFFFFD0]  }
0x2c: {  	v20 =	vtrunc.f32 v20;
	v15 =	vld.idx.msk [tilespmem:v15+s4+$0x0], $0xffff;
	v21 =	vcvt.f32.s32 v4;
	v4 =	vmin.f32 v16, $2.550000000e+02  }
0x2d: {  	v23 =	vmul.f32 $2.550000000e+02, v1;
	v22 =	vtrunc.f32 v4;
	v4 =	vld [tilespmem:s31+$0xFFFFFFE0];
	v7 =	vsub.f32 v7, v18  }
0x2e: {  	v17 =	vld.idx.msk [tilespmem:v17+s4+$0x0], $0xffff;
	v58 =	vmul.f32 $2.550000000e+02, v2;
	v18 =	vcvt.f32.s32 v22  }
0x2f: {  	v16 =	vmul.f32 $2.550000000e+02, v0;
	v8 =	vsub.f32 v8, v14;
	v7 =	vmul.f32 v7, v7  }
0x30: {  	v14 =	vcvt.f32.s32 v20;
	v19 =	vld.idx.msk [tilespmem:v19+s4+$0x0], $0xffff;
	v59 =	vmax.f32 v58, $0.0e+00;
	v60 =	vmul.f32 $2.550000000e+02, v3  }
0x31: {  	v6 =	vadd.f32 v7, v6;
	v7 =	vmul.f32 v8, v8;
	v8 =	vsub.f32 v9, v15  }
0x32: {  	v15 =	vld.idx.msk [tilespmem:v21+s4+$0x0], $0xffff;
	v9 =	vmin.f32 v59, $2.550000000e+02;
	v61 =	vmax.f32 v60, $0.0e+00;
	v62 =	vmul.f32 $2.550000000e+02, v4  }
0x33: {  	v6 =	vadd.f32 v7, v6;
	v7 =	vmul.f32 v8, v8;
	v8 =	vsub.f32 v10, v17  }
0x34: {  	v9 =	vtrunc.f32 v9;
	v17 =	vld.idx.msk [tilespmem:v18+s4+$0x0], $0xffff;
	v18 =	vmin.f32 v61, $2.550000000e+02;
	v63 =	vmax.f32 v62, $0.0e+00  }
0x35: {  	v6 =	vadd.f32 v7, v6;
	v7 =	vmul.f32 v8, v8;
	v8 =	vsub.f32 v11, v19  }
0x36: {  	v10 =	vcvt.f32.s32 v9;
	v9 =	vld.idx.msk [tilespmem:v14+s4+$0x0], $0xffff;
	v11 =	vtrunc.f32 v18;
	v18 =	vmin.f32 v63, $2.550000000e+02  }
0x37: {  	v15 =	vsub.f32 v12, v15;
	v14 =	vadd.f32 v7, v6;
	v8 =	vmul.f32 v8, v8;
	v7 =	vld [tilespmem:s31+$0x10]  }
0x38: {  	v12 =	vcvt.f32.s32 v11;
	v11 =	vtrunc.f32 v18;
	v18 =	vmax.f32 v23, $0.0e+00  }
0x39: {  	v6 =	vld [tilespmem:s31+$0x20];
	v15 =	vmul.f32 v15, v15;
	v13 =	vsub.f32 v13, v17;
	v14 =	vadd.f32 v8, v14  }
0x3a: {  	s20 =	simm.s32 $0x8;
	s21 =	simm.s32 $0x940;
	v16 =	vmax.f32 v16, $0.0e+00;
	v11 =	vcvt.f32.s32 v11;
	v17 =	vmin.f32 v18, $2.550000000e+02;
	v8 =	vld [tilespmem:s31+$0x30]  }
.LBB2_3:
0x3b: {  	v18 =	vld [tilespmem:s21+$0x0];
	v14 =	vadd.f32 v15, v14;
	v13 =	vmul.f32 v13, v13;
	v5 =	vsub.f32 v5, v9  }
0x3c: {  	v15 =	vtrunc.f32 v17;
	v16 =	vmin.f32 v16, $2.550000000e+02;
	v9 =	vld [tilespmem:s21+$0xFFFFFFF0];
	v17 =	vmul.f32 $2.550000000e+02, v7  }
0x3d: {  	v15 =	vcvt.f32.s32 v15;
	v10 =	vld.idx.msk [tilespmem:v10+s4+$0x0], $0xffff;
	v13 =	vadd.f32 v13, v14;
	v20 =	vmul.f32 v5, v5  }
0x3e: {  	v16 =	vtrunc.f32 v16;
	v14 =	vld [tilespmem:s21+$0xFFFFFFC0];
	v17 =	vmax.f32 v17, $0.0e+00;
	v19 =	vmul.f32 $2.550000000e+02, v6  }
0x3f: {  	s19 =	simm.s32 $0x1F0;
	v16 =	vcvt.f32.s32 v16;
	v12 =	vld.idx.msk [tilespmem:v12+s4+$0x0], $0xffff;
	v17 =	vmin.f32 v17, $2.550000000e+02;
	v13 =	vadd.f32 v20, v13;
	v5 =	vmovc v8  }
0x40: {  	v8 =	vld [tilespmem:s21+$0xFFFFFFD0];
	v17 =	vtrunc.f32 v17;
	v19 =	vmax.f32 v19, $0.0e+00;
	v20 =	vmul.f32 $2.550000000e+02, v5  }
0x41: {  	v11 =	vld.idx.msk [tilespmem:v11+s4+$0x0], $0xffff;
	v17 =	vcvt.f32.s32 v17;
	v19 =	vmin.f32 v19, $2.550000000e+02  }
0x42: {  	v22 =	vmul.f32 $2.550000000e+02, v18;
	v21 =	vld [tilespmem:s21+$0xFFFFFFE0];
	v19 =	vtrunc.f32 v19;
	v20 =	vmax.f32 v20, $0.0e+00  }
0x43: {  	s20 =	sadd.s32 $0x8, s20;
	v10 =	vsub.f32 v2, v10;
	v15 =	vld.idx.msk [tilespmem:v15+s4+$0x0], $0xffff;
	v19 =	vcvt.f32.s32 v19;
	v20 =	vmin.f32 v20, $2.550000000e+02;
	v2 =	vmovc v14  }
0x44: {  	p0 =	slt.u32 s20, $0x78;
	v14 =	vmul.f32 $2.550000000e+02, v2;
	v20 =	vtrunc.f32 v20  }
0x45: {  	v10 =	vmul.f32 v10, v10;
	v12 =	vsub.f32 v3, v12;
	v16 =	vld.idx.msk [tilespmem:v16+s4+$0x0], $0xffff;
	v20 =	vcvt.f32.s32 v20;
	v3 =	vmovc v8  }
0x46: {  	v23 =	vmul.f32 $2.550000000e+02, v9;
	v8 =	vmax.f32 v14, $0.0e+00;
	v14 =	vmul.f32 $2.550000000e+02, v3  }
0x47: {  	v10 =	vadd.f32 v10, v13;
	v12 =	vmul.f32 v12, v12;
	v11 =	vsub.f32 v4, v11;
	v13 =	vld.idx.msk [tilespmem:v17+s4+$0x0], $0xffff  }
0x48: {  	v8 =	vmin.f32 v8, $2.550000000e+02;
	v17 =	vmul.f32 $2.550000000e+02, v21;
	v4 =	vmovc v21;
	v14 =	vmax.f32 v14, $0.0e+00  }
0x49: {  	v10 =	vadd.f32 v12, v10;
	v11 =	vmul.f32 v11, v11;
	v12 =	vsub.f32 v1, v15;
	v19 =	vld.idx.msk [tilespmem:v19+s4+$0x0], $0xffff  }
0x4a: {  	v8 =	vtrunc.f32 v8;
	v1 =	vmovc v9;
	v14 =	vmin.f32 v14, $2.550000000e+02;
	v15 =	vmax.f32 v17, $0.0e+00  }
0x4b: {  	v11 =	vadd.f32 v11, v10;
	v12 =	vmul.f32 v12, v12;
	v16 =	vsub.f32 v0, v16;
	v9 =	vld.idx.msk [tilespmem:v20+s4+$0x0], $0xffff  }
.Ltmp0:
0x4c: {  	v10 =	vcvt.f32.s32 v8;
	v8 =	vtrunc.f32 v14;
	v14 =	vmin.f32 v15, $2.550000000e+02;
	v0 =	vmovc v18;
	(pc) =	sbr.rel @p0 .LBB2_3-.Ltmp0, $4  }
0x4d: {  	v11 =	vadd.f32 v12, v11;
	v15 =	vmul.f32 v16, v16;
	v13 =	vsub.f32 v7, v13;
	v7 =	vld [tilespmem:s21+$0x10]  }
0x4e: {  	v12 =	vcvt.f32.s32 v8;
	v8 =	vtrunc.f32 v14;
	v16 =	vmax.f32 v23, $0.0e+00  }
0x4f: {  	v14 =	vadd.f32 v15, v11;
	v15 =	vmul.f32 v13, v13;
	v13 =	vsub.f32 v6, v19;
	v6 =	vld [tilespmem:s21+$0x20]  }
0x50: {  	v17 =	vmin.f32 v16, $2.550000000e+02;
	v16 =	vmax.f32 v22, $0.0e+00;
	v11 =	vcvt.f32.s32 v8;
	v8 =	vld [tilespmem:s21+$0x30];
	s21 =	sadd.s32 $0x400, s21  }
0x51: {  	_ =	sdelay $0x3  }
0x52: {  	v17 =	vtrunc.f32 v17;
	v14 =	vadd.f32 v15, v14;
	v10 =	vld.idx.msk [tilespmem:v10+s4+$0x0], $0xffff;
	v18 =	vmul.f32 $2.550000000e+02, v7  }
0x53: {  	v15 =	vmin.f32 v16, $2.550000000e+02;
	v13 =	vmul.f32 v13, v13;
	v16 =	vcvt.f32.s32 v17  }
0x54: {  	v12 =	vld.idx.msk [tilespmem:v12+s4+$0x0], $0xffff;
	v5 =	vsub.f32 v5, v9;
	v15 =	vtrunc.f32 v15;
	v17 =	vmax.f32 v18, $0.0e+00  }
0x55: {  	v15 =	vcvt.f32.s32 v15;
	v18 =	vmul.f32 $2.550000000e+02, v6;
	v17 =	vmin.f32 v17, $2.550000000e+02  }
0x56: {  	v11 =	vld.idx.msk [tilespmem:v11+s4+$0x0], $0xffff;
	v13 =	vadd.f32 v13, v14;
	v5 =	vmul.f32 v5, v5;
	v9 =	vtrunc.f32 v17  }
0x57: {  	v17 =	vmax.f32 v18, $0.0e+00;
	v2 =	vsub.f32 v2, v10;
	v9 =	vcvt.f32.s32 v9  }
0x58: {  	v5 =	vadd.f32 v5, v13;
	v14 =	vmin.f32 v17, $2.550000000e+02  }
0x59: {  	v3 =	vsub.f32 v3, v12;
	v14 =	vtrunc.f32 v14;
	v16 =	vld.idx.msk [tilespmem:v16+s4+$0x0], $0xffff;
	v2 =	vmul.f32 v2, v2  }
0x5a: {  	v10 =	vmul.f32 $2.550000000e+02, v8;
	v14 =	vcvt.f32.s32 v14  }
0x5b: {  	v4 =	vsub.f32 v4, v11;
	v3 =	vmul.f32 v3, v3;
	v12 =	vld.idx.msk [tilespmem:v15+s4+$0x0], $0xffff;
	v2 =	vadd.f32 v2, v5  }
0x5c: {  	v13 =	vld [tilespmem:s19+$0xFFFFFFE0]  }
0x5d: {  	v10 =	vmax.f32 v10, $0.0e+00;
	v2 =	vadd.f32 v3, v2;
	v3 =	vmul.f32 v4, v4;
	v9 =	vld.idx.msk [tilespmem:v9+s4+$0x0], $0xffff  }
0x5e: {  	v5 =	vmin.f32 v10, $2.550000000e+02;
	v10 =	vld [tilespmem:s19+$0xFFFFFF90];
	v1 =	vsub.f32 v1, v16  }
0x5f: {  	v11 =	vld [tilespmem:s19+$0xFFFFFFA0];
	v4 =	vtrunc.f32 v5;
	v2 =	vadd.f32 v3, v2  }
0x60: {  	v0 =	vsub.f32 v0, v12;
	v3 =	vcvt.f32.s32 v4;
	v5 =	vld.idx.msk [tilespmem:v14+s4+$0x0], $0xffff;
	v1 =	vmul.f32 v1, v1  }
0x61: {  	v12 =	vld [tilespmem:s19+$0xFFFFFFB0]  }
0x62: {  	v0 =	vmul.f32 v0, v0;
	v1 =	vadd.f32 v1, v2;
	v2 =	vsub.f32 v7, v9  }
0x63: {  	v4 =	vmul.f32 $2.550000000e+02, v10;
	v7 =	vld [tilespmem:s19+$0xFFFFFFC0]  }
0x64: {  	v19 =	vmul.f32 $2.550000000e+02, v13;
	v9 =	vld [tilespmem:s19+$0xFFFFFFD0];
	v0 =	vadd.f32 v0, v1;
	v1 =	vmul.f32 v2, v2  }
0x65: {  	v4 =	vmax.f32 v4, $0.0e+00;
	v2 =	vsub.f32 v6, v5;
	v5 =	vmul.f32 $2.550000000e+02, v11  }
0x66: {  	v3 =	vld.idx.msk [tilespmem:v3+s4+$0x0], $0xffff;
	v6 =	vadd.f32 v1, v0;
	v0 =	vmin.f32 v4, $2.550000000e+02;
	v1 =	vmul.f32 $2.550000000e+02, v12  }
0x67: {  	v5 =	vmax.f32 v5, $0.0e+00;
	v2 =	vmul.f32 v2, v2;
	v0 =	vtrunc.f32 v0  }
0x68: {  	v4 =	vmul.f32 $2.550000000e+02, v7;
	v5 =	vmin.f32 v5, $2.550000000e+02;
	v14 =	vcvt.f32.s32 v0  }
0x69: {  	v1 =	vmax.f32 v1, $0.0e+00;
	v0 =	vmul.f32 $2.550000000e+02, v9;
	v5 =	vtrunc.f32 v5  }
0x6a: {  	s31 =	simm.s32 $0x5F0;
	v16 =	vld [tilespmem:s19+$0xFFFFFFF0];
	v6 =	vadd.f32 v2, v6;
	v1 =	vmin.f32 v1, $2.550000000e+02;
	v15 =	vcvt.f32.s32 v5  }
0x6b: {  	v2 =	vld [tilespmem:s31+$0xFFFFFF90];
	v4 =	vmax.f32 v4, $0.0e+00;
	v3 =	vsub.f32 v8, v3;
	v1 =	vtrunc.f32 v1  }
0x6c: {  	v5 =	vld [tilespmem:s19+$0x0];
	v17 =	vcvt.f32.s32 v1;
	v1 =	vmin.f32 v4, $2.550000000e+02;
	v4 =	vmax.f32 v0, $0.0e+00  }
0x6d: {  	v0 =	vld [tilespmem:s31+$0xFFFFFFD0];
	v21 =	vmul.f32 v3, v3;
	v18 =	vtrunc.f32 v1;
	v4 =	vmin.f32 v4, $2.550000000e+02  }
0x6e: {  	v8 =	vcvt.f32.s32 v18;
	v4 =	vtrunc.f32 v4;
	v14 =	vld.idx.msk [tilespmem:v14+s4+$0x0], $0xffff  }
0x6f: {  	v3 =	vld [tilespmem:s31+$0xFFFFFFA0];
	v18 =	vmax.f32 v19, $0.0e+00;
	v19 =	vmul.f32 $2.550000000e+02, v16;
	v6 =	vadd.f32 v21, v6  }
0x70: {  	v58 =	vmul.f32 $2.550000000e+02, v2;
	v20 =	vcvt.f32.s32 v4;
	v4 =	vmin.f32 v18, $2.550000000e+02;
	v15 =	vld.idx.msk [tilespmem:v15+s4+$0x0], $0xffff  }
0x71: {  	v1 =	vld [tilespmem:s31+$0xFFFFFFC0];
	v4 =	vtrunc.f32 v4;
	v18 =	vmax.f32 v19, $0.0e+00;
	v19 =	vmul.f32 $2.550000000e+02, v5  }
0x72: {  	v22 =	vcvt.f32.s32 v4;
	v4 =	vmin.f32 v18, $2.550000000e+02;
	v18 =	vmul.f32 $2.550000000e+02, v0;
	v17 =	vld.idx.msk [tilespmem:v17+s4+$0x0], $0xffff  }
0x73: {  	v23 =	vtrunc.f32 v4;
	v19 =	vmax.f32 v19, $0.0e+00;
	v4 =	vld [tilespmem:s31+$0xFFFFFFB0];
	v10 =	vsub.f32 v10, v14  }
0x74: {  	v60 =	vmul.f32 $2.550000000e+02, v3;
	v19 =	vmin.f32 v19, $2.550000000e+02;
	v14 =	vcvt.f32.s32 v23;
	v8 =	vld.idx.msk [tilespmem:v8+s4+$0x0], $0xffff  }
0x75: {  	v19 =	vtrunc.f32 v19;
	v11 =	vsub.f32 v11, v15;
	v10 =	vmul.f32 v10, v10  }
0x76: {  	v59 =	vmax.f32 v58, $0.0e+00;
	v61 =	vmul.f32 $2.550000000e+02, v1;
	v15 =	vcvt.f32.s32 v19;
	v19 =	vld.idx.msk [tilespmem:v20+s4+$0x0], $0xffff  }
0x77: {  	v6 =	vadd.f32 v10, v6;
	v10 =	vmul.f32 v11, v11;
	v11 =	vsub.f32 v12, v17  }
0x78: {  	v62 =	vmax.f32 v60, $0.0e+00;
	v63 =	vmul.f32 $2.550000000e+02, v4;
	v12 =	vld.idx.msk [tilespmem:v22+s4+$0x0], $0xffff;
	v17 =	vmin.f32 v59, $2.550000000e+02  }
0x79: {  	v7 =	vsub.f32 v7, v8;
	v6 =	vadd.f32 v10, v6;
	v10 =	vmul.f32 v11, v11  }
0x7a: {  	v8 =	vld.idx.msk [tilespmem:v14+s4+$0x0], $0xffff;
	v11 =	vtrunc.f32 v17;
	v14 =	vmin.f32 v62, $2.550000000e+02;
	v17 =	vmax.f32 v63, $0.0e+00  }
0x7b: {  	v19 =	vsub.f32 v9, v19;
	v7 =	vmul.f32 v7, v7;
	v6 =	vadd.f32 v10, v6  }
0x7c: {  	v9 =	vld.idx.msk [tilespmem:v15+s4+$0x0], $0xffff;
	v10 =	vcvt.f32.s32 v11;
	v11 =	vtrunc.f32 v14;
	v14 =	vmin.f32 v17, $2.550000000e+02  }
0x7d: {  	v17 =	vmul.f32 v19, v19;
	v13 =	vsub.f32 v13, v12;
	v15 =	vadd.f32 v7, v6;
	v7 =	vld [tilespmem:s31+$0xFFFFFFE0]  }
0x7e: {  	v19 =	vmax.f32 v61, $0.0e+00;
	v12 =	vcvt.f32.s32 v11;
	v11 =	vtrunc.f32 v14  }
0x7f: {  	v6 =	vld [tilespmem:s31+$0xFFFFFFF0];
	v14 =	vadd.f32 v17, v15;
	v15 =	vmul.f32 v13, v13;
	v13 =	vsub.f32 v16, v8  }
0x80: {  	s20 =	simm.s32 $0x8;
	s21 =	simm.s32 $0x9F0;
	v11 =	vcvt.f32.s32 v11;
	v17 =	vmin.f32 v19, $2.550000000e+02;
	v16 =	vmax.f32 v18, $0.0e+00;
	v8 =	vld [tilespmem:s31+$0x0]  }
.LBB2_5:
0x81: {  	v18 =	vld [tilespmem:s21+$0xFFFFFFD0];
	v14 =	vadd.f32 v15, v14;
	v13 =	vmul.f32 v13, v13;
	v5 =	vsub.f32 v5, v9  }
0x82: {  	v15 =	vtrunc.f32 v17;
	v16 =	vmin.f32 v16, $2.550000000e+02;
	v9 =	vld [tilespmem:s21+$0xFFFFFFC0];
	v17 =	vmul.f32 $2.550000000e+02, v7  }
0x83: {  	v15 =	vcvt.f32.s32 v15;
	v10 =	vld.idx.msk [tilespmem:v10+s4+$0x0], $0xffff;
	v13 =	vadd.f32 v13, v14;
	v20 =	vmul.f32 v5, v5  }
0x84: {  	v16 =	vtrunc.f32 v16;
	v14 =	vld [tilespmem:s21+$0xFFFFFF90];
	v17 =	vmax.f32 v17, $0.0e+00;
	v19 =	vmul.f32 $2.550000000e+02, v6  }
0x85: {  	s19 =	simm.s32 $0x270;
	v16 =	vcvt.f32.s32 v16;
	v12 =	vld.idx.msk [tilespmem:v12+s4+$0x0], $0xffff;
	v17 =	vmin.f32 v17, $2.550000000e+02;
	v13 =	vadd.f32 v20, v13;
	v5 =	vmovc v8  }
0x86: {  	v8 =	vld [tilespmem:s21+$0xFFFFFFA0];
	v17 =	vtrunc.f32 v17;
	v19 =	vmax.f32 v19, $0.0e+00;
	v20 =	vmul.f32 $2.550000000e+02, v5  }
0x87: {  	v11 =	vld.idx.msk [tilespmem:v11+s4+$0x0], $0xffff;
	v17 =	vcvt.f32.s32 v17;
	v19 =	vmin.f32 v19, $2.550000000e+02  }
0x88: {  	v22 =	vmul.f32 $2.550000000e+02, v18;
	v21 =	vld [tilespmem:s21+$0xFFFFFFB0];
	v19 =	vtrunc.f32 v19;
	v20 =	vmax.f32 v20, $0.0e+00  }
0x89: {  	s20 =	sadd.s32 $0x8, s20;
	v10 =	vsub.f32 v2, v10;
	v15 =	vld.idx.msk [tilespmem:v15+s4+$0x0], $0xffff;
	v19 =	vcvt.f32.s32 v19;
	v20 =	vmin.f32 v20, $2.550000000e+02;
	v2 =	vmovc v14  }
0x8a: {  	p0 =	slt.u32 s20, $0x78;
	v14 =	vmul.f32 $2.550000000e+02, v2;
	v20 =	vtrunc.f32 v20  }
0x8b: {  	v10 =	vmul.f32 v10, v10;
	v12 =	vsub.f32 v3, v12;
	v16 =	vld.idx.msk [tilespmem:v16+s4+$0x0], $0xffff;
	v20 =	vcvt.f32.s32 v20;
	v3 =	vmovc v8  }
0x8c: {  	v23 =	vmul.f32 $2.550000000e+02, v9;
	v8 =	vmax.f32 v14, $0.0e+00;
	v14 =	vmul.f32 $2.550000000e+02, v3  }
0x8d: {  	v10 =	vadd.f32 v10, v13;
	v12 =	vmul.f32 v12, v12;
	v11 =	vsub.f32 v4, v11;
	v13 =	vld.idx.msk [tilespmem:v17+s4+$0x0], $0xffff  }
0x8e: {  	v8 =	vmin.f32 v8, $2.550000000e+02;
	v17 =	vmul.f32 $2.550000000e+02, v21;
	v4 =	vmovc v21;
	v14 =	vmax.f32 v14, $0.0e+00  }
0x8f: {  	v10 =	vadd.f32 v12, v10;
	v11 =	vmul.f32 v11, v11;
	v12 =	vsub.f32 v1, v15;
	v19 =	vld.idx.msk [tilespmem:v19+s4+$0x0], $0xffff  }
0x90: {  	v8 =	vtrunc.f32 v8;
	v1 =	vmovc v9;
	v14 =	vmin.f32 v14, $2.550000000e+02;
	v15 =	vmax.f32 v17, $0.0e+00  }
0x91: {  	v11 =	vadd.f32 v11, v10;
	v12 =	vmul.f32 v12, v12;
	v16 =	vsub.f32 v0, v16;
	v9 =	vld.idx.msk [tilespmem:v20+s4+$0x0], $0xffff  }
.Ltmp1:
0x92: {  	v10 =	vcvt.f32.s32 v8;
	v8 =	vtrunc.f32 v14;
	v14 =	vmin.f32 v15, $2.550000000e+02;
	v0 =	vmovc v18;
	(pc) =	sbr.rel @p0 .LBB2_5-.Ltmp1, $4  }
0x93: {  	v11 =	vadd.f32 v12, v11;
	v15 =	vmul.f32 v16, v16;
	v13 =	vsub.f32 v7, v13;
	v7 =	vld [tilespmem:s21+$0xFFFFFFE0]  }
0x94: {  	v12 =	vcvt.f32.s32 v8;
	v8 =	vtrunc.f32 v14;
	v16 =	vmax.f32 v23, $0.0e+00  }
0x95: {  	v14 =	vadd.f32 v15, v11;
	v15 =	vmul.f32 v13, v13;
	v13 =	vsub.f32 v6, v19;
	v6 =	vld [tilespmem:s21+$0xFFFFFFF0]  }
0x96: {  	v17 =	vmin.f32 v16, $2.550000000e+02;
	v16 =	vmax.f32 v22, $0.0e+00;
	v11 =	vcvt.f32.s32 v8;
	v8 =	vld [tilespmem:s21+$0x0];
	s21 =	sadd.s32 $0x400, s21  }
0x97: {  	_ =	sdelay $0x3  }
0x98: {  	v17 =	vtrunc.f32 v17;
	v14 =	vadd.f32 v15, v14;
	v10 =	vld.idx.msk [tilespmem:v10+s4+$0x0], $0xffff;
	v18 =	vmul.f32 $2.550000000e+02, v7  }
0x99: {  	v15 =	vmin.f32 v16, $2.550000000e+02;
	v13 =	vmul.f32 v13, v13;
	v16 =	vcvt.f32.s32 v17  }
0x9a: {  	v12 =	vld.idx.msk [tilespmem:v12+s4+$0x0], $0xffff;
	v5 =	vsub.f32 v5, v9;
	v15 =	vtrunc.f32 v15;
	v17 =	vmax.f32 v18, $0.0e+00  }
0x9b: {  	v15 =	vcvt.f32.s32 v15;
	v18 =	vmul.f32 $2.550000000e+02, v6;
	v17 =	vmin.f32 v17, $2.550000000e+02  }
0x9c: {  	v11 =	vld.idx.msk [tilespmem:v11+s4+$0x0], $0xffff;
	v13 =	vadd.f32 v13, v14;
	v5 =	vmul.f32 v5, v5;
	v9 =	vtrunc.f32 v17  }
0x9d: {  	v17 =	vmax.f32 v18, $0.0e+00;
	v2 =	vsub.f32 v2, v10;
	v9 =	vcvt.f32.s32 v9  }
0x9e: {  	v5 =	vadd.f32 v5, v13;
	v14 =	vmin.f32 v17, $2.550000000e+02  }
0x9f: {  	v3 =	vsub.f32 v3, v12;
	v14 =	vtrunc.f32 v14;
	v16 =	vld.idx.msk [tilespmem:v16+s4+$0x0], $0xffff;
	v2 =	vmul.f32 v2, v2  }
0xa0: {  	v10 =	vmul.f32 $2.550000000e+02, v8;
	v14 =	vcvt.f32.s32 v14  }
0xa1: {  	v4 =	vsub.f32 v4, v11;
	v3 =	vmul.f32 v3, v3;
	v12 =	vld.idx.msk [tilespmem:v15+s4+$0x0], $0xffff;
	v2 =	vadd.f32 v2, v5  }
0xa2: {  	v13 =	vld [tilespmem:s19+$0xFFFFFFE0]  }
0xa3: {  	v10 =	vmax.f32 v10, $0.0e+00;
	v2 =	vadd.f32 v3, v2;
	v3 =	vmul.f32 v4, v4;
	v9 =	vld.idx.msk [tilespmem:v9+s4+$0x0], $0xffff  }
0xa4: {  	v5 =	vmin.f32 v10, $2.550000000e+02;
	v10 =	vld [tilespmem:s19+$0xFFFFFF90];
	v1 =	vsub.f32 v1, v16  }
0xa5: {  	v11 =	vld [tilespmem:s19+$0xFFFFFFA0];
	v4 =	vtrunc.f32 v5;
	v2 =	vadd.f32 v3, v2  }
0xa6: {  	v0 =	vsub.f32 v0, v12;
	v3 =	vcvt.f32.s32 v4;
	v5 =	vld.idx.msk [tilespmem:v14+s4+$0x0], $0xffff;
	v1 =	vmul.f32 v1, v1  }
0xa7: {  	v12 =	vld [tilespmem:s19+$0xFFFFFFB0]  }
0xa8: {  	v0 =	vmul.f32 v0, v0;
	v1 =	vadd.f32 v1, v2;
	v2 =	vsub.f32 v7, v9  }
0xa9: {  	v4 =	vmul.f32 $2.550000000e+02, v10;
	v7 =	vld [tilespmem:s19+$0xFFFFFFC0]  }
0xaa: {  	v19 =	vmul.f32 $2.550000000e+02, v13;
	v9 =	vld [tilespmem:s19+$0xFFFFFFD0];
	v0 =	vadd.f32 v0, v1;
	v1 =	vmul.f32 v2, v2  }
0xab: {  	v4 =	vmax.f32 v4, $0.0e+00;
	v2 =	vsub.f32 v6, v5;
	v5 =	vmul.f32 $2.550000000e+02, v11  }
0xac: {  	v3 =	vld.idx.msk [tilespmem:v3+s4+$0x0], $0xffff;
	v6 =	vadd.f32 v1, v0;
	v0 =	vmin.f32 v4, $2.550000000e+02;
	v1 =	vmul.f32 $2.550000000e+02, v12  }
0xad: {  	v5 =	vmax.f32 v5, $0.0e+00;
	v2 =	vmul.f32 v2, v2;
	v0 =	vtrunc.f32 v0  }
0xae: {  	v4 =	vmul.f32 $2.550000000e+02, v7;
	v5 =	vmin.f32 v5, $2.550000000e+02;
	v14 =	vcvt.f32.s32 v0  }
0xaf: {  	v1 =	vmax.f32 v1, $0.0e+00;
	v0 =	vmul.f32 $2.550000000e+02, v9;
	v5 =	vtrunc.f32 v5  }
0xb0: {  	s31 =	simm.s32 $0x670;
	v16 =	vld [tilespmem:s19+$0xFFFFFFF0];
	v6 =	vadd.f32 v2, v6;
	v1 =	vmin.f32 v1, $2.550000000e+02;
	v15 =	vcvt.f32.s32 v5  }
0xb1: {  	v2 =	vld [tilespmem:s31+$0xFFFFFF90];
	v4 =	vmax.f32 v4, $0.0e+00;
	v3 =	vsub.f32 v8, v3;
	v1 =	vtrunc.f32 v1  }
0xb2: {  	v5 =	vld [tilespmem:s19+$0x0];
	v17 =	vcvt.f32.s32 v1;
	v1 =	vmin.f32 v4, $2.550000000e+02;
	v4 =	vmax.f32 v0, $0.0e+00  }
0xb3: {  	v0 =	vld [tilespmem:s31+$0xFFFFFFD0];
	v21 =	vmul.f32 v3, v3;
	v18 =	vtrunc.f32 v1;
	v4 =	vmin.f32 v4, $2.550000000e+02  }
0xb4: {  	v8 =	vcvt.f32.s32 v18;
	v4 =	vtrunc.f32 v4;
	v14 =	vld.idx.msk [tilespmem:v14+s4+$0x0], $0xffff  }
0xb5: {  	v3 =	vld [tilespmem:s31+$0xFFFFFFA0];
	v18 =	vmax.f32 v19, $0.0e+00;
	v19 =	vmul.f32 $2.550000000e+02, v16;
	v6 =	vadd.f32 v21, v6  }
0xb6: {  	v58 =	vmul.f32 $2.550000000e+02, v2;
	v20 =	vcvt.f32.s32 v4;
	v4 =	vmin.f32 v18, $2.550000000e+02;
	v15 =	vld.idx.msk [tilespmem:v15+s4+$0x0], $0xffff  }
0xb7: {  	v1 =	vld [tilespmem:s31+$0xFFFFFFC0];
	v4 =	vtrunc.f32 v4;
	v18 =	vmax.f32 v19, $0.0e+00;
	v19 =	vmul.f32 $2.550000000e+02, v5  }
0xb8: {  	v22 =	vcvt.f32.s32 v4;
	v4 =	vmin.f32 v18, $2.550000000e+02;
	v18 =	vmul.f32 $2.550000000e+02, v0;
	v17 =	vld.idx.msk [tilespmem:v17+s4+$0x0], $0xffff  }
0xb9: {  	v23 =	vtrunc.f32 v4;
	v19 =	vmax.f32 v19, $0.0e+00;
	v4 =	vld [tilespmem:s31+$0xFFFFFFB0];
	v10 =	vsub.f32 v10, v14  }
0xba: {  	v60 =	vmul.f32 $2.550000000e+02, v3;
	v19 =	vmin.f32 v19, $2.550000000e+02;
	v14 =	vcvt.f32.s32 v23;
	v8 =	vld.idx.msk [tilespmem:v8+s4+$0x0], $0xffff  }
0xbb: {  	v19 =	vtrunc.f32 v19;
	v11 =	vsub.f32 v11, v15;
	v10 =	vmul.f32 v10, v10  }
0xbc: {  	v59 =	vmax.f32 v58, $0.0e+00;
	v61 =	vmul.f32 $2.550000000e+02, v1;
	v15 =	vcvt.f32.s32 v19;
	v19 =	vld.idx.msk [tilespmem:v20+s4+$0x0], $0xffff  }
0xbd: {  	v6 =	vadd.f32 v10, v6;
	v10 =	vmul.f32 v11, v11;
	v11 =	vsub.f32 v12, v17  }
0xbe: {  	v62 =	vmax.f32 v60, $0.0e+00;
	v63 =	vmul.f32 $2.550000000e+02, v4;
	v12 =	vld.idx.msk [tilespmem:v22+s4+$0x0], $0xffff;
	v17 =	vmin.f32 v59, $2.550000000e+02  }
0xbf: {  	v7 =	vsub.f32 v7, v8;
	v6 =	vadd.f32 v10, v6;
	v10 =	vmul.f32 v11, v11  }
0xc0: {  	v8 =	vld.idx.msk [tilespmem:v14+s4+$0x0], $0xffff;
	v11 =	vtrunc.f32 v17;
	v14 =	vmin.f32 v62, $2.550000000e+02;
	v17 =	vmax.f32 v63, $0.0e+00  }
0xc1: {  	v19 =	vsub.f32 v9, v19;
	v7 =	vmul.f32 v7, v7;
	v6 =	vadd.f32 v10, v6  }
0xc2: {  	v9 =	vld.idx.msk [tilespmem:v15+s4+$0x0], $0xffff;
	v10 =	vcvt.f32.s32 v11;
	v11 =	vtrunc.f32 v14;
	v14 =	vmin.f32 v17, $2.550000000e+02  }
0xc3: {  	v17 =	vmul.f32 v19, v19;
	v13 =	vsub.f32 v13, v12;
	v15 =	vadd.f32 v7, v6;
	v7 =	vld [tilespmem:s31+$0xFFFFFFE0]  }
0xc4: {  	v19 =	vmax.f32 v61, $0.0e+00;
	v12 =	vcvt.f32.s32 v11;
	v11 =	vtrunc.f32 v14  }
0xc5: {  	v6 =	vld [tilespmem:s31+$0xFFFFFFF0];
	v14 =	vadd.f32 v17, v15;
	v15 =	vmul.f32 v13, v13;
	v13 =	vsub.f32 v16, v8  }
0xc6: {  	s20 =	simm.s32 $0x8;
	s21 =	simm.s32 $0xA70;
	v11 =	vcvt.f32.s32 v11;
	v17 =	vmin.f32 v19, $2.550000000e+02;
	v16 =	vmax.f32 v18, $0.0e+00;
	v8 =	vld [tilespmem:s31+$0x0]  }
.LBB2_7:
0xc7: {  	v18 =	vld [tilespmem:s21+$0xFFFFFFD0];
	v14 =	vadd.f32 v15, v14;
	v13 =	vmul.f32 v13, v13;
	v5 =	vsub.f32 v5, v9  }
0xc8: {  	v15 =	vtrunc.f32 v17;
	v16 =	vmin.f32 v16, $2.550000000e+02;
	v9 =	vld [tilespmem:s21+$0xFFFFFFC0];
	v17 =	vmul.f32 $2.550000000e+02, v7  }
0xc9: {  	v15 =	vcvt.f32.s32 v15;
	v10 =	vld.idx.msk [tilespmem:v10+s4+$0x0], $0xffff;
	v13 =	vadd.f32 v13, v14;
	v20 =	vmul.f32 v5, v5  }
0xca: {  	v16 =	vtrunc.f32 v16;
	v14 =	vld [tilespmem:s21+$0xFFFFFF90];
	v17 =	vmax.f32 v17, $0.0e+00;
	v19 =	vmul.f32 $2.550000000e+02, v6  }
0xcb: {  	s19 =	simm.s32 $0x2F0;
	v16 =	vcvt.f32.s32 v16;
	v12 =	vld.idx.msk [tilespmem:v12+s4+$0x0], $0xffff;
	v17 =	vmin.f32 v17, $2.550000000e+02;
	v13 =	vadd.f32 v20, v13;
	v5 =	vmovc v8  }
0xcc: {  	v8 =	vld [tilespmem:s21+$0xFFFFFFA0];
	v17 =	vtrunc.f32 v17;
	v19 =	vmax.f32 v19, $0.0e+00;
	v20 =	vmul.f32 $2.550000000e+02, v5  }
0xcd: {  	v11 =	vld.idx.msk [tilespmem:v11+s4+$0x0], $0xffff;
	v17 =	vcvt.f32.s32 v17;
	v19 =	vmin.f32 v19, $2.550000000e+02  }
0xce: {  	v22 =	vmul.f32 $2.550000000e+02, v18;
	v21 =	vld [tilespmem:s21+$0xFFFFFFB0];
	v19 =	vtrunc.f32 v19;
	v20 =	vmax.f32 v20, $0.0e+00  }
0xcf: {  	s20 =	sadd.s32 $0x8, s20;
	v10 =	vsub.f32 v2, v10;
	v15 =	vld.idx.msk [tilespmem:v15+s4+$0x0], $0xffff;
	v19 =	vcvt.f32.s32 v19;
	v20 =	vmin.f32 v20, $2.550000000e+02;
	v2 =	vmovc v14  }
0xd0: {  	p0 =	slt.u32 s20, $0x78;
	v14 =	vmul.f32 $2.550000000e+02, v2;
	v20 =	vtrunc.f32 v20  }
0xd1: {  	v10 =	vmul.f32 v10, v10;
	v12 =	vsub.f32 v3, v12;
	v16 =	vld.idx.msk [tilespmem:v16+s4+$0x0], $0xffff;
	v20 =	vcvt.f32.s32 v20;
	v3 =	vmovc v8  }
0xd2: {  	v23 =	vmul.f32 $2.550000000e+02, v9;
	v8 =	vmax.f32 v14, $0.0e+00;
	v14 =	vmul.f32 $2.550000000e+02, v3  }
0xd3: {  	v10 =	vadd.f32 v10, v13;
	v12 =	vmul.f32 v12, v12;
	v11 =	vsub.f32 v4, v11;
	v13 =	vld.idx.msk [tilespmem:v17+s4+$0x0], $0xffff  }
0xd4: {  	v8 =	vmin.f32 v8, $2.550000000e+02;
	v17 =	vmul.f32 $2.550000000e+02, v21;
	v4 =	vmovc v21;
	v14 =	vmax.f32 v14, $0.0e+00  }
0xd5: {  	v10 =	vadd.f32 v12, v10;
	v11 =	vmul.f32 v11, v11;
	v12 =	vsub.f32 v1, v15;
	v19 =	vld.idx.msk [tilespmem:v19+s4+$0x0], $0xffff  }
0xd6: {  	v8 =	vtrunc.f32 v8;
	v1 =	vmovc v9;
	v14 =	vmin.f32 v14, $2.550000000e+02;
	v15 =	vmax.f32 v17, $0.0e+00  }
0xd7: {  	v11 =	vadd.f32 v11, v10;
	v12 =	vmul.f32 v12, v12;
	v16 =	vsub.f32 v0, v16;
	v9 =	vld.idx.msk [tilespmem:v20+s4+$0x0], $0xffff  }
.Ltmp2:
0xd8: {  	v10 =	vcvt.f32.s32 v8;
	v8 =	vtrunc.f32 v14;
	v14 =	vmin.f32 v15, $2.550000000e+02;
	v0 =	vmovc v18;
	(pc) =	sbr.rel @p0 .LBB2_7-.Ltmp2, $4  }
0xd9: {  	v11 =	vadd.f32 v12, v11;
	v15 =	vmul.f32 v16, v16;
	v13 =	vsub.f32 v7, v13;
	v7 =	vld [tilespmem:s21+$0xFFFFFFE0]  }
0xda: {  	v12 =	vcvt.f32.s32 v8;
	v8 =	vtrunc.f32 v14;
	v16 =	vmax.f32 v23, $0.0e+00  }
0xdb: {  	v14 =	vadd.f32 v15, v11;
	v15 =	vmul.f32 v13, v13;
	v13 =	vsub.f32 v6, v19;
	v6 =	vld [tilespmem:s21+$0xFFFFFFF0]  }
0xdc: {  	v17 =	vmin.f32 v16, $2.550000000e+02;
	v16 =	vmax.f32 v22, $0.0e+00;
	v11 =	vcvt.f32.s32 v8;
	v8 =	vld [tilespmem:s21+$0x0];
	s21 =	sadd.s32 $0x400, s21  }
0xdd: {  	_ =	sdelay $0x3  }
0xde: {  	v17 =	vtrunc.f32 v17;
	v14 =	vadd.f32 v15, v14;
	v10 =	vld.idx.msk [tilespmem:v10+s4+$0x0], $0xffff;
	v18 =	vmul.f32 $2.550000000e+02, v7  }
0xdf: {  	v15 =	vmin.f32 v16, $2.550000000e+02;
	v13 =	vmul.f32 v13, v13;
	v16 =	vcvt.f32.s32 v17  }
0xe0: {  	v12 =	vld.idx.msk [tilespmem:v12+s4+$0x0], $0xffff;
	v5 =	vsub.f32 v5, v9;
	v15 =	vtrunc.f32 v15;
	v17 =	vmax.f32 v18, $0.0e+00  }
0xe1: {  	v15 =	vcvt.f32.s32 v15;
	v18 =	vmul.f32 $2.550000000e+02, v6;
	v17 =	vmin.f32 v17, $2.550000000e+02  }
0xe2: {  	v11 =	vld.idx.msk [tilespmem:v11+s4+$0x0], $0xffff;
	v13 =	vadd.f32 v13, v14;
	v5 =	vmul.f32 v5, v5;
	v9 =	vtrunc.f32 v17  }
0xe3: {  	v17 =	vmax.f32 v18, $0.0e+00;
	v2 =	vsub.f32 v2, v10;
	v9 =	vcvt.f32.s32 v9  }
0xe4: {  	v5 =	vadd.f32 v5, v13;
	v14 =	vmin.f32 v17, $2.550000000e+02  }
0xe5: {  	v3 =	vsub.f32 v3, v12;
	v14 =	vtrunc.f32 v14;
	v16 =	vld.idx.msk [tilespmem:v16+s4+$0x0], $0xffff;
	v2 =	vmul.f32 v2, v2  }
0xe6: {  	v10 =	vmul.f32 $2.550000000e+02, v8;
	v14 =	vcvt.f32.s32 v14  }
0xe7: {  	v4 =	vsub.f32 v4, v11;
	v3 =	vmul.f32 v3, v3;
	v12 =	vld.idx.msk [tilespmem:v15+s4+$0x0], $0xffff;
	v2 =	vadd.f32 v2, v5  }
0xe8: {  	v13 =	vld [tilespmem:s19+$0xFFFFFFE0]  }
0xe9: {  	v10 =	vmax.f32 v10, $0.0e+00;
	v2 =	vadd.f32 v3, v2;
	v3 =	vmul.f32 v4, v4;
	v9 =	vld.idx.msk [tilespmem:v9+s4+$0x0], $0xffff  }
0xea: {  	v5 =	vmin.f32 v10, $2.550000000e+02;
	v10 =	vld [tilespmem:s19+$0xFFFFFF90];
	v1 =	vsub.f32 v1, v16  }
0xeb: {  	v11 =	vld [tilespmem:s19+$0xFFFFFFA0];
	v4 =	vtrunc.f32 v5;
	v2 =	vadd.f32 v3, v2  }
0xec: {  	v0 =	vsub.f32 v0, v12;
	v3 =	vcvt.f32.s32 v4;
	v5 =	vld.idx.msk [tilespmem:v14+s4+$0x0], $0xffff;
	v1 =	vmul.f32 v1, v1  }
0xed: {  	v12 =	vld [tilespmem:s19+$0xFFFFFFB0]  }
0xee: {  	v0 =	vmul.f32 v0, v0;
	v1 =	vadd.f32 v1, v2;
	v2 =	vsub.f32 v7, v9  }
0xef: {  	v4 =	vmul.f32 $2.550000000e+02, v10;
	v7 =	vld [tilespmem:s19+$0xFFFFFFC0]  }
0xf0: {  	v19 =	vmul.f32 $2.550000000e+02, v13;
	v9 =	vld [tilespmem:s19+$0xFFFFFFD0];
	v0 =	vadd.f32 v0, v1;
	v1 =	vmul.f32 v2, v2  }
0xf1: {  	v4 =	vmax.f32 v4, $0.0e+00;
	v2 =	vsub.f32 v6, v5;
	v5 =	vmul.f32 $2.550000000e+02, v11  }
0xf2: {  	v3 =	vld.idx.msk [tilespmem:v3+s4+$0x0], $0xffff;
	v6 =	vadd.f32 v1, v0;
	v0 =	vmin.f32 v4, $2.550000000e+02;
	v1 =	vmul.f32 $2.550000000e+02, v12  }
0xf3: {  	v5 =	vmax.f32 v5, $0.0e+00;
	v2 =	vmul.f32 v2, v2;
	v0 =	vtrunc.f32 v0  }
0xf4: {  	v4 =	vmul.f32 $2.550000000e+02, v7;
	v5 =	vmin.f32 v5, $2.550000000e+02;
	v14 =	vcvt.f32.s32 v0  }
0xf5: {  	v1 =	vmax.f32 v1, $0.0e+00;
	v0 =	vmul.f32 $2.550000000e+02, v9;
	v5 =	vtrunc.f32 v5  }
0xf6: {  	s31 =	simm.s32 $0x6F0;
	v16 =	vld [tilespmem:s19+$0xFFFFFFF0];
	v6 =	vadd.f32 v2, v6;
	v1 =	vmin.f32 v1, $2.550000000e+02;
	v15 =	vcvt.f32.s32 v5  }
0xf7: {  	v2 =	vld [tilespmem:s31+$0xFFFFFF90];
	v4 =	vmax.f32 v4, $0.0e+00;
	v3 =	vsub.f32 v8, v3;
	v1 =	vtrunc.f32 v1  }
0xf8: {  	v5 =	vld [tilespmem:s19+$0x0];
	v17 =	vcvt.f32.s32 v1;
	v1 =	vmin.f32 v4, $2.550000000e+02;
	v4 =	vmax.f32 v0, $0.0e+00  }
0xf9: {  	v0 =	vld [tilespmem:s31+$0xFFFFFFD0];
	v21 =	vmul.f32 v3, v3;
	v18 =	vtrunc.f32 v1;
	v4 =	vmin.f32 v4, $2.550000000e+02  }
0xfa: {  	v8 =	vcvt.f32.s32 v18;
	v4 =	vtrunc.f32 v4;
	v14 =	vld.idx.msk [tilespmem:v14+s4+$0x0], $0xffff  }
0xfb: {  	v3 =	vld [tilespmem:s31+$0xFFFFFFA0];
	v18 =	vmax.f32 v19, $0.0e+00;
	v19 =	vmul.f32 $2.550000000e+02, v16;
	v6 =	vadd.f32 v21, v6  }
0xfc: {  	v58 =	vmul.f32 $2.550000000e+02, v2;
	v20 =	vcvt.f32.s32 v4;
	v4 =	vmin.f32 v18, $2.550000000e+02;
	v15 =	vld.idx.msk [tilespmem:v15+s4+$0x0], $0xffff  }
0xfd: {  	v1 =	vld [tilespmem:s31+$0xFFFFFFC0];
	v4 =	vtrunc.f32 v4;
	v18 =	vmax.f32 v19, $0.0e+00;
	v19 =	vmul.f32 $2.550000000e+02, v5  }
0xfe: {  	v22 =	vcvt.f32.s32 v4;
	v4 =	vmin.f32 v18, $2.550000000e+02;
	v18 =	vmul.f32 $2.550000000e+02, v0;
	v17 =	vld.idx.msk [tilespmem:v17+s4+$0x0], $0xffff  }
0xff: {  	v23 =	vtrunc.f32 v4;
	v19 =	vmax.f32 v19, $0.0e+00;
	v4 =	vld [tilespmem:s31+$0xFFFFFFB0];
	v10 =	vsub.f32 v10, v14  }
0x100: {  	v60 =	vmul.f32 $2.550000000e+02, v3;
	v19 =	vmin.f32 v19, $2.550000000e+02;
	v14 =	vcvt.f32.s32 v23;
	v8 =	vld.idx.msk [tilespmem:v8+s4+$0x0], $0xffff  }
0x101: {  	v19 =	vtrunc.f32 v19;
	v11 =	vsub.f32 v11, v15;
	v10 =	vmul.f32 v10, v10  }
0x102: {  	v59 =	vmax.f32 v58, $0.0e+00;
	v61 =	vmul.f32 $2.550000000e+02, v1;
	v15 =	vcvt.f32.s32 v19;
	v19 =	vld.idx.msk [tilespmem:v20+s4+$0x0], $0xffff  }
0x103: {  	v6 =	vadd.f32 v10, v6;
	v10 =	vmul.f32 v11, v11;
	v11 =	vsub.f32 v12, v17  }
0x104: {  	v62 =	vmax.f32 v60, $0.0e+00;
	v63 =	vmul.f32 $2.550000000e+02, v4;
	v12 =	vld.idx.msk [tilespmem:v22+s4+$0x0], $0xffff;
	v17 =	vmin.f32 v59, $2.550000000e+02  }
0x105: {  	v7 =	vsub.f32 v7, v8;
	v6 =	vadd.f32 v10, v6;
	v10 =	vmul.f32 v11, v11  }
0x106: {  	v8 =	vld.idx.msk [tilespmem:v14+s4+$0x0], $0xffff;
	v11 =	vtrunc.f32 v17;
	v14 =	vmin.f32 v62, $2.550000000e+02;
	v17 =	vmax.f32 v63, $0.0e+00  }
0x107: {  	v19 =	vsub.f32 v9, v19;
	v7 =	vmul.f32 v7, v7;
	v6 =	vadd.f32 v10, v6  }
0x108: {  	v9 =	vld.idx.msk [tilespmem:v15+s4+$0x0], $0xffff;
	v10 =	vcvt.f32.s32 v11;
	v11 =	vtrunc.f32 v14;
	v14 =	vmin.f32 v17, $2.550000000e+02  }
0x109: {  	v17 =	vmul.f32 v19, v19;
	v13 =	vsub.f32 v13, v12;
	v15 =	vadd.f32 v7, v6;
	v7 =	vld [tilespmem:s31+$0xFFFFFFE0]  }
0x10a: {  	v19 =	vmax.f32 v61, $0.0e+00;
	v12 =	vcvt.f32.s32 v11;
	v11 =	vtrunc.f32 v14  }
0x10b: {  	v6 =	vld [tilespmem:s31+$0xFFFFFFF0];
	v14 =	vadd.f32 v17, v15;
	v15 =	vmul.f32 v13, v13;
	v13 =	vsub.f32 v16, v8  }
0x10c: {  	s20 =	simm.s32 $0x8;
	s21 =	simm.s32 $0xAF0;
	v11 =	vcvt.f32.s32 v11;
	v17 =	vmin.f32 v19, $2.550000000e+02;
	v16 =	vmax.f32 v18, $0.0e+00;
	v8 =	vld [tilespmem:s31+$0x0]  }
.LBB2_9:
0x10d: {  	v18 =	vld [tilespmem:s21+$0xFFFFFFD0];
	v14 =	vadd.f32 v15, v14;
	v13 =	vmul.f32 v13, v13;
	v5 =	vsub.f32 v5, v9  }
0x10e: {  	v15 =	vtrunc.f32 v17;
	v16 =	vmin.f32 v16, $2.550000000e+02;
	v9 =	vld [tilespmem:s21+$0xFFFFFFC0];
	v17 =	vmul.f32 $2.550000000e+02, v7  }
0x10f: {  	v15 =	vcvt.f32.s32 v15;
	v10 =	vld.idx.msk [tilespmem:v10+s4+$0x0], $0xffff;
	v13 =	vadd.f32 v13, v14;
	v20 =	vmul.f32 v5, v5  }
0x110: {  	v16 =	vtrunc.f32 v16;
	v14 =	vld [tilespmem:s21+$0xFFFFFF90];
	v17 =	vmax.f32 v17, $0.0e+00;
	v19 =	vmul.f32 $2.550000000e+02, v6  }
0x111: {  	s19 =	simm.s32 $0x370;
	v16 =	vcvt.f32.s32 v16;
	v12 =	vld.idx.msk [tilespmem:v12+s4+$0x0], $0xffff;
	v17 =	vmin.f32 v17, $2.550000000e+02;
	v13 =	vadd.f32 v20, v13;
	v5 =	vmovc v8  }
0x112: {  	v8 =	vld [tilespmem:s21+$0xFFFFFFA0];
	v17 =	vtrunc.f32 v17;
	v19 =	vmax.f32 v19, $0.0e+00;
	v20 =	vmul.f32 $2.550000000e+02, v5  }
0x113: {  	v11 =	vld.idx.msk [tilespmem:v11+s4+$0x0], $0xffff;
	v17 =	vcvt.f32.s32 v17;
	v19 =	vmin.f32 v19, $2.550000000e+02  }
0x114: {  	v22 =	vmul.f32 $2.550000000e+02, v18;
	v21 =	vld [tilespmem:s21+$0xFFFFFFB0];
	v19 =	vtrunc.f32 v19;
	v20 =	vmax.f32 v20, $0.0e+00  }
0x115: {  	s20 =	sadd.s32 $0x8, s20;
	v10 =	vsub.f32 v2, v10;
	v15 =	vld.idx.msk [tilespmem:v15+s4+$0x0], $0xffff;
	v19 =	vcvt.f32.s32 v19;
	v20 =	vmin.f32 v20, $2.550000000e+02;
	v2 =	vmovc v14  }
0x116: {  	p0 =	slt.u32 s20, $0x78;
	v14 =	vmul.f32 $2.550000000e+02, v2;
	v20 =	vtrunc.f32 v20  }
0x117: {  	v10 =	vmul.f32 v10, v10;
	v12 =	vsub.f32 v3, v12;
	v16 =	vld.idx.msk [tilespmem:v16+s4+$0x0], $0xffff;
	v20 =	vcvt.f32.s32 v20;
	v3 =	vmovc v8  }
0x118: {  	v23 =	vmul.f32 $2.550000000e+02, v9;
	v8 =	vmax.f32 v14, $0.0e+00;
	v14 =	vmul.f32 $2.550000000e+02, v3  }
0x119: {  	v10 =	vadd.f32 v10, v13;
	v12 =	vmul.f32 v12, v12;
	v11 =	vsub.f32 v4, v11;
	v13 =	vld.idx.msk [tilespmem:v17+s4+$0x0], $0xffff  }
0x11a: {  	v8 =	vmin.f32 v8, $2.550000000e+02;
	v17 =	vmul.f32 $2.550000000e+02, v21;
	v4 =	vmovc v21;
	v14 =	vmax.f32 v14, $0.0e+00  }
0x11b: {  	v10 =	vadd.f32 v12, v10;
	v11 =	vmul.f32 v11, v11;
	v12 =	vsub.f32 v1, v15;
	v19 =	vld.idx.msk [tilespmem:v19+s4+$0x0], $0xffff  }
0x11c: {  	v8 =	vtrunc.f32 v8;
	v1 =	vmovc v9;
	v14 =	vmin.f32 v14, $2.550000000e+02;
	v15 =	vmax.f32 v17, $0.0e+00  }
0x11d: {  	v11 =	vadd.f32 v11, v10;
	v12 =	vmul.f32 v12, v12;
	v16 =	vsub.f32 v0, v16;
	v9 =	vld.idx.msk [tilespmem:v20+s4+$0x0], $0xffff  }
.Ltmp3:
0x11e: {  	v10 =	vcvt.f32.s32 v8;
	v8 =	vtrunc.f32 v14;
	v14 =	vmin.f32 v15, $2.550000000e+02;
	v0 =	vmovc v18;
	(pc) =	sbr.rel @p0 .LBB2_9-.Ltmp3, $4  }
0x11f: {  	v11 =	vadd.f32 v12, v11;
	v15 =	vmul.f32 v16, v16;
	v13 =	vsub.f32 v7, v13;
	v7 =	vld [tilespmem:s21+$0xFFFFFFE0]  }
0x120: {  	v12 =	vcvt.f32.s32 v8;
	v8 =	vtrunc.f32 v14;
	v16 =	vmax.f32 v23, $0.0e+00  }
0x121: {  	v14 =	vadd.f32 v15, v11;
	v15 =	vmul.f32 v13, v13;
	v13 =	vsub.f32 v6, v19;
	v6 =	vld [tilespmem:s21+$0xFFFFFFF0]  }
0x122: {  	v17 =	vmin.f32 v16, $2.550000000e+02;
	v16 =	vmax.f32 v22, $0.0e+00;
	v11 =	vcvt.f32.s32 v8;
	v8 =	vld [tilespmem:s21+$0x0];
	s21 =	sadd.s32 $0x400, s21  }
0x123: {  	_ =	sdelay $0x3  }
0x124: {  	v17 =	vtrunc.f32 v17;
	v14 =	vadd.f32 v15, v14;
	v10 =	vld.idx.msk [tilespmem:v10+s4+$0x0], $0xffff;
	v18 =	vmul.f32 $2.550000000e+02, v7  }
0x125: {  	v15 =	vmin.f32 v16, $2.550000000e+02;
	v13 =	vmul.f32 v13, v13;
	v16 =	vcvt.f32.s32 v17  }
0x126: {  	v12 =	vld.idx.msk [tilespmem:v12+s4+$0x0], $0xffff;
	v5 =	vsub.f32 v5, v9;
	v15 =	vtrunc.f32 v15;
	v17 =	vmax.f32 v18, $0.0e+00  }
0x127: {  	v15 =	vcvt.f32.s32 v15;
	v18 =	vmul.f32 $2.550000000e+02, v6;
	v17 =	vmin.f32 v17, $2.550000000e+02  }
0x128: {  	v11 =	vld.idx.msk [tilespmem:v11+s4+$0x0], $0xffff;
	v13 =	vadd.f32 v13, v14;
	v5 =	vmul.f32 v5, v5;
	v9 =	vtrunc.f32 v17  }
0x129: {  	v17 =	vmax.f32 v18, $0.0e+00;
	v2 =	vsub.f32 v2, v10;
	v9 =	vcvt.f32.s32 v9  }
0x12a: {  	v5 =	vadd.f32 v5, v13;
	v14 =	vmin.f32 v17, $2.550000000e+02  }
0x12b: {  	v3 =	vsub.f32 v3, v12;
	v14 =	vtrunc.f32 v14;
	v16 =	vld.idx.msk [tilespmem:v16+s4+$0x0], $0xffff;
	v2 =	vmul.f32 v2, v2  }
0x12c: {  	v10 =	vmul.f32 $2.550000000e+02, v8;
	v14 =	vcvt.f32.s32 v14  }
0x12d: {  	v4 =	vsub.f32 v4, v11;
	v3 =	vmul.f32 v3, v3;
	v12 =	vld.idx.msk [tilespmem:v15+s4+$0x0], $0xffff;
	v2 =	vadd.f32 v2, v5  }
0x12e: {  	v13 =	vld [tilespmem:s19+$0xFFFFFFE0]  }
0x12f: {  	v10 =	vmax.f32 v10, $0.0e+00;
	v2 =	vadd.f32 v3, v2;
	v3 =	vmul.f32 v4, v4;
	v9 =	vld.idx.msk [tilespmem:v9+s4+$0x0], $0xffff  }
0x130: {  	v5 =	vmin.f32 v10, $2.550000000e+02;
	v10 =	vld [tilespmem:s19+$0xFFFFFF90];
	v1 =	vsub.f32 v1, v16  }
0x131: {  	v11 =	vld [tilespmem:s19+$0xFFFFFFA0];
	v4 =	vtrunc.f32 v5;
	v2 =	vadd.f32 v3, v2  }
0x132: {  	v0 =	vsub.f32 v0, v12;
	v3 =	vcvt.f32.s32 v4;
	v5 =	vld.idx.msk [tilespmem:v14+s4+$0x0], $0xffff;
	v1 =	vmul.f32 v1, v1  }
0x133: {  	v12 =	vld [tilespmem:s19+$0xFFFFFFB0]  }
0x134: {  	v0 =	vmul.f32 v0, v0;
	v1 =	vadd.f32 v1, v2;
	v2 =	vsub.f32 v7, v9  }
0x135: {  	v4 =	vmul.f32 $2.550000000e+02, v10;
	v7 =	vld [tilespmem:s19+$0xFFFFFFC0]  }
0x136: {  	v19 =	vmul.f32 $2.550000000e+02, v13;
	v9 =	vld [tilespmem:s19+$0xFFFFFFD0];
	v0 =	vadd.f32 v0, v1;
	v1 =	vmul.f32 v2, v2  }
0x137: {  	v4 =	vmax.f32 v4, $0.0e+00;
	v2 =	vsub.f32 v6, v5;
	v5 =	vmul.f32 $2.550000000e+02, v11  }
0x138: {  	v3 =	vld.idx.msk [tilespmem:v3+s4+$0x0], $0xffff;
	v6 =	vadd.f32 v1, v0;
	v0 =	vmin.f32 v4, $2.550000000e+02;
	v1 =	vmul.f32 $2.550000000e+02, v12  }
0x139: {  	v5 =	vmax.f32 v5, $0.0e+00;
	v2 =	vmul.f32 v2, v2;
	v0 =	vtrunc.f32 v0  }
0x13a: {  	v4 =	vmul.f32 $2.550000000e+02, v7;
	v5 =	vmin.f32 v5, $2.550000000e+02;
	v14 =	vcvt.f32.s32 v0  }
0x13b: {  	v1 =	vmax.f32 v1, $0.0e+00;
	v0 =	vmul.f32 $2.550000000e+02, v9;
	v5 =	vtrunc.f32 v5  }
0x13c: {  	s31 =	simm.s32 $0x770;
	v16 =	vld [tilespmem:s19+$0xFFFFFFF0];
	v6 =	vadd.f32 v2, v6;
	v1 =	vmin.f32 v1, $2.550000000e+02;
	v15 =	vcvt.f32.s32 v5  }
0x13d: {  	v2 =	vld [tilespmem:s31+$0xFFFFFF90];
	v4 =	vmax.f32 v4, $0.0e+00;
	v3 =	vsub.f32 v8, v3;
	v1 =	vtrunc.f32 v1  }
0x13e: {  	v5 =	vld [tilespmem:s19+$0x0];
	v17 =	vcvt.f32.s32 v1;
	v1 =	vmin.f32 v4, $2.550000000e+02;
	v4 =	vmax.f32 v0, $0.0e+00  }
0x13f: {  	v0 =	vld [tilespmem:s31+$0xFFFFFFD0];
	v21 =	vmul.f32 v3, v3;
	v18 =	vtrunc.f32 v1;
	v4 =	vmin.f32 v4, $2.550000000e+02  }
0x140: {  	v8 =	vcvt.f32.s32 v18;
	v4 =	vtrunc.f32 v4;
	v14 =	vld.idx.msk [tilespmem:v14+s4+$0x0], $0xffff  }
0x141: {  	v3 =	vld [tilespmem:s31+$0xFFFFFFA0];
	v18 =	vmax.f32 v19, $0.0e+00;
	v19 =	vmul.f32 $2.550000000e+02, v16;
	v6 =	vadd.f32 v21, v6  }
0x142: {  	v58 =	vmul.f32 $2.550000000e+02, v2;
	v20 =	vcvt.f32.s32 v4;
	v4 =	vmin.f32 v18, $2.550000000e+02;
	v15 =	vld.idx.msk [tilespmem:v15+s4+$0x0], $0xffff  }
0x143: {  	v1 =	vld [tilespmem:s31+$0xFFFFFFC0];
	v4 =	vtrunc.f32 v4;
	v18 =	vmax.f32 v19, $0.0e+00;
	v19 =	vmul.f32 $2.550000000e+02, v5  }
0x144: {  	v22 =	vcvt.f32.s32 v4;
	v4 =	vmin.f32 v18, $2.550000000e+02;
	v18 =	vmul.f32 $2.550000000e+02, v0;
	v17 =	vld.idx.msk [tilespmem:v17+s4+$0x0], $0xffff  }
0x145: {  	v23 =	vtrunc.f32 v4;
	v19 =	vmax.f32 v19, $0.0e+00;
	v4 =	vld [tilespmem:s31+$0xFFFFFFB0];
	v10 =	vsub.f32 v10, v14  }
0x146: {  	v60 =	vmul.f32 $2.550000000e+02, v3;
	v19 =	vmin.f32 v19, $2.550000000e+02;
	v14 =	vcvt.f32.s32 v23;
	v8 =	vld.idx.msk [tilespmem:v8+s4+$0x0], $0xffff  }
0x147: {  	v19 =	vtrunc.f32 v19;
	v11 =	vsub.f32 v11, v15;
	v10 =	vmul.f32 v10, v10  }
0x148: {  	v59 =	vmax.f32 v58, $0.0e+00;
	v61 =	vmul.f32 $2.550000000e+02, v1;
	v15 =	vcvt.f32.s32 v19;
	v19 =	vld.idx.msk [tilespmem:v20+s4+$0x0], $0xffff  }
0x149: {  	v6 =	vadd.f32 v10, v6;
	v10 =	vmul.f32 v11, v11;
	v11 =	vsub.f32 v12, v17  }
0x14a: {  	v62 =	vmax.f32 v60, $0.0e+00;
	v63 =	vmul.f32 $2.550000000e+02, v4;
	v12 =	vld.idx.msk [tilespmem:v22+s4+$0x0], $0xffff;
	v17 =	vmin.f32 v59, $2.550000000e+02  }
0x14b: {  	v7 =	vsub.f32 v7, v8;
	v6 =	vadd.f32 v10, v6;
	v10 =	vmul.f32 v11, v11  }
0x14c: {  	v8 =	vld.idx.msk [tilespmem:v14+s4+$0x0], $0xffff;
	v11 =	vtrunc.f32 v17;
	v14 =	vmin.f32 v62, $2.550000000e+02;
	v17 =	vmax.f32 v63, $0.0e+00  }
0x14d: {  	v19 =	vsub.f32 v9, v19;
	v7 =	vmul.f32 v7, v7;
	v6 =	vadd.f32 v10, v6  }
0x14e: {  	v9 =	vld.idx.msk [tilespmem:v15+s4+$0x0], $0xffff;
	v10 =	vcvt.f32.s32 v11;
	v11 =	vtrunc.f32 v14;
	v14 =	vmin.f32 v17, $2.550000000e+02  }
0x14f: {  	v17 =	vmul.f32 v19, v19;
	v13 =	vsub.f32 v13, v12;
	v15 =	vadd.f32 v7, v6;
	v7 =	vld [tilespmem:s31+$0xFFFFFFE0]  }
0x150: {  	v19 =	vmax.f32 v61, $0.0e+00;
	v12 =	vcvt.f32.s32 v11;
	v11 =	vtrunc.f32 v14  }
0x151: {  	v6 =	vld [tilespmem:s31+$0xFFFFFFF0];
	v14 =	vadd.f32 v17, v15;
	v15 =	vmul.f32 v13, v13;
	v13 =	vsub.f32 v16, v8  }
0x152: {  	s20 =	simm.s32 $0x8;
	s21 =	simm.s32 $0xB70;
	v11 =	vcvt.f32.s32 v11;
	v17 =	vmin.f32 v19, $2.550000000e+02;
	v16 =	vmax.f32 v18, $0.0e+00;
	v8 =	vld [tilespmem:s31+$0x0]  }
.LBB2_11:
0x153: {  	v18 =	vld [tilespmem:s21+$0xFFFFFFD0];
	v14 =	vadd.f32 v15, v14;
	v13 =	vmul.f32 v13, v13;
	v5 =	vsub.f32 v5, v9  }
0x154: {  	v15 =	vtrunc.f32 v17;
	v16 =	vmin.f32 v16, $2.550000000e+02;
	v9 =	vld [tilespmem:s21+$0xFFFFFFC0];
	v17 =	vmul.f32 $2.550000000e+02, v7  }
0x155: {  	v15 =	vcvt.f32.s32 v15;
	v10 =	vld.idx.msk [tilespmem:v10+s4+$0x0], $0xffff;
	v13 =	vadd.f32 v13, v14;
	v20 =	vmul.f32 v5, v5  }
0x156: {  	v16 =	vtrunc.f32 v16;
	v14 =	vld [tilespmem:s21+$0xFFFFFF90];
	v17 =	vmax.f32 v17, $0.0e+00;
	v19 =	vmul.f32 $2.550000000e+02, v6  }
0x157: {  	s19 =	simm.s32 $0x3F0;
	v16 =	vcvt.f32.s32 v16;
	v12 =	vld.idx.msk [tilespmem:v12+s4+$0x0], $0xffff;
	v17 =	vmin.f32 v17, $2.550000000e+02;
	v13 =	vadd.f32 v20, v13;
	v5 =	vmovc v8  }
0x158: {  	v8 =	vld [tilespmem:s21+$0xFFFFFFA0];
	v17 =	vtrunc.f32 v17;
	v19 =	vmax.f32 v19, $0.0e+00;
	v20 =	vmul.f32 $2.550000000e+02, v5  }
0x159: {  	v11 =	vld.idx.msk [tilespmem:v11+s4+$0x0], $0xffff;
	v17 =	vcvt.f32.s32 v17;
	v19 =	vmin.f32 v19, $2.550000000e+02  }
0x15a: {  	v22 =	vmul.f32 $2.550000000e+02, v18;
	v21 =	vld [tilespmem:s21+$0xFFFFFFB0];
	v19 =	vtrunc.f32 v19;
	v20 =	vmax.f32 v20, $0.0e+00  }
0x15b: {  	s20 =	sadd.s32 $0x8, s20;
	v10 =	vsub.f32 v2, v10;
	v15 =	vld.idx.msk [tilespmem:v15+s4+$0x0], $0xffff;
	v19 =	vcvt.f32.s32 v19;
	v20 =	vmin.f32 v20, $2.550000000e+02;
	v2 =	vmovc v14  }
0x15c: {  	p0 =	slt.u32 s20, $0x78;
	v14 =	vmul.f32 $2.550000000e+02, v2;
	v20 =	vtrunc.f32 v20  }
0x15d: {  	v10 =	vmul.f32 v10, v10;
	v12 =	vsub.f32 v3, v12;
	v16 =	vld.idx.msk [tilespmem:v16+s4+$0x0], $0xffff;
	v20 =	vcvt.f32.s32 v20;
	v3 =	vmovc v8  }
0x15e: {  	v23 =	vmul.f32 $2.550000000e+02, v9;
	v8 =	vmax.f32 v14, $0.0e+00;
	v14 =	vmul.f32 $2.550000000e+02, v3  }
0x15f: {  	v10 =	vadd.f32 v10, v13;
	v12 =	vmul.f32 v12, v12;
	v11 =	vsub.f32 v4, v11;
	v13 =	vld.idx.msk [tilespmem:v17+s4+$0x0], $0xffff  }
0x160: {  	v8 =	vmin.f32 v8, $2.550000000e+02;
	v17 =	vmul.f32 $2.550000000e+02, v21;
	v4 =	vmovc v21;
	v14 =	vmax.f32 v14, $0.0e+00  }
0x161: {  	v10 =	vadd.f32 v12, v10;
	v11 =	vmul.f32 v11, v11;
	v12 =	vsub.f32 v1, v15;
	v19 =	vld.idx.msk [tilespmem:v19+s4+$0x0], $0xffff  }
0x162: {  	v8 =	vtrunc.f32 v8;
	v1 =	vmovc v9;
	v14 =	vmin.f32 v14, $2.550000000e+02;
	v15 =	vmax.f32 v17, $0.0e+00  }
0x163: {  	v11 =	vadd.f32 v11, v10;
	v12 =	vmul.f32 v12, v12;
	v16 =	vsub.f32 v0, v16;
	v9 =	vld.idx.msk [tilespmem:v20+s4+$0x0], $0xffff  }
.Ltmp4:
0x164: {  	v10 =	vcvt.f32.s32 v8;
	v8 =	vtrunc.f32 v14;
	v14 =	vmin.f32 v15, $2.550000000e+02;
	v0 =	vmovc v18;
	(pc) =	sbr.rel @p0 .LBB2_11-.Ltmp4, $4  }
0x165: {  	v11 =	vadd.f32 v12, v11;
	v15 =	vmul.f32 v16, v16;
	v13 =	vsub.f32 v7, v13;
	v7 =	vld [tilespmem:s21+$0xFFFFFFE0]  }
0x166: {  	v12 =	vcvt.f32.s32 v8;
	v8 =	vtrunc.f32 v14;
	v16 =	vmax.f32 v23, $0.0e+00  }
0x167: {  	v14 =	vadd.f32 v15, v11;
	v15 =	vmul.f32 v13, v13;
	v13 =	vsub.f32 v6, v19;
	v6 =	vld [tilespmem:s21+$0xFFFFFFF0]  }
0x168: {  	v17 =	vmin.f32 v16, $2.550000000e+02;
	v16 =	vmax.f32 v22, $0.0e+00;
	v11 =	vcvt.f32.s32 v8;
	v8 =	vld [tilespmem:s21+$0x0];
	s21 =	sadd.s32 $0x400, s21  }
0x169: {  	_ =	sdelay $0x3  }
0x16a: {  	v17 =	vtrunc.f32 v17;
	v14 =	vadd.f32 v15, v14;
	v10 =	vld.idx.msk [tilespmem:v10+s4+$0x0], $0xffff;
	v18 =	vmul.f32 $2.550000000e+02, v7  }
0x16b: {  	v15 =	vmin.f32 v16, $2.550000000e+02;
	v13 =	vmul.f32 v13, v13;
	v16 =	vcvt.f32.s32 v17  }
0x16c: {  	v12 =	vld.idx.msk [tilespmem:v12+s4+$0x0], $0xffff;
	v5 =	vsub.f32 v5, v9;
	v15 =	vtrunc.f32 v15;
	v17 =	vmax.f32 v18, $0.0e+00  }
0x16d: {  	v15 =	vcvt.f32.s32 v15;
	v18 =	vmul.f32 $2.550000000e+02, v6;
	v17 =	vmin.f32 v17, $2.550000000e+02  }
0x16e: {  	v11 =	vld.idx.msk [tilespmem:v11+s4+$0x0], $0xffff;
	v13 =	vadd.f32 v13, v14;
	v5 =	vmul.f32 v5, v5;
	v9 =	vtrunc.f32 v17  }
0x16f: {  	v17 =	vmax.f32 v18, $0.0e+00;
	v2 =	vsub.f32 v2, v10;
	v9 =	vcvt.f32.s32 v9  }
0x170: {  	v5 =	vadd.f32 v5, v13;
	v14 =	vmin.f32 v17, $2.550000000e+02  }
0x171: {  	v3 =	vsub.f32 v3, v12;
	v14 =	vtrunc.f32 v14;
	v16 =	vld.idx.msk [tilespmem:v16+s4+$0x0], $0xffff;
	v2 =	vmul.f32 v2, v2  }
0x172: {  	v10 =	vmul.f32 $2.550000000e+02, v8;
	v14 =	vcvt.f32.s32 v14  }
0x173: {  	v4 =	vsub.f32 v4, v11;
	v3 =	vmul.f32 v3, v3;
	v12 =	vld.idx.msk [tilespmem:v15+s4+$0x0], $0xffff;
	v2 =	vadd.f32 v2, v5  }
0x174: {  	v13 =	vld [tilespmem:s19+$0xFFFFFFE0]  }
0x175: {  	v10 =	vmax.f32 v10, $0.0e+00;
	v2 =	vadd.f32 v3, v2;
	v3 =	vmul.f32 v4, v4;
	v9 =	vld.idx.msk [tilespmem:v9+s4+$0x0], $0xffff  }
0x176: {  	v5 =	vmin.f32 v10, $2.550000000e+02;
	v10 =	vld [tilespmem:s19+$0xFFFFFF90];
	v1 =	vsub.f32 v1, v16  }
0x177: {  	v11 =	vld [tilespmem:s19+$0xFFFFFFA0];
	v4 =	vtrunc.f32 v5;
	v2 =	vadd.f32 v3, v2  }
0x178: {  	v0 =	vsub.f32 v0, v12;
	v3 =	vcvt.f32.s32 v4;
	v5 =	vld.idx.msk [tilespmem:v14+s4+$0x0], $0xffff;
	v1 =	vmul.f32 v1, v1  }
0x179: {  	v12 =	vld [tilespmem:s19+$0xFFFFFFB0]  }
0x17a: {  	v0 =	vmul.f32 v0, v0;
	v1 =	vadd.f32 v1, v2;
	v2 =	vsub.f32 v7, v9  }
0x17b: {  	v4 =	vmul.f32 $2.550000000e+02, v10;
	v7 =	vld [tilespmem:s19+$0xFFFFFFC0]  }
0x17c: {  	v19 =	vmul.f32 $2.550000000e+02, v13;
	v9 =	vld [tilespmem:s19+$0xFFFFFFD0];
	v0 =	vadd.f32 v0, v1;
	v1 =	vmul.f32 v2, v2  }
0x17d: {  	v4 =	vmax.f32 v4, $0.0e+00;
	v2 =	vsub.f32 v6, v5;
	v5 =	vmul.f32 $2.550000000e+02, v11  }
0x17e: {  	v3 =	vld.idx.msk [tilespmem:v3+s4+$0x0], $0xffff;
	v6 =	vadd.f32 v1, v0;
	v0 =	vmin.f32 v4, $2.550000000e+02;
	v1 =	vmul.f32 $2.550000000e+02, v12  }
0x17f: {  	v5 =	vmax.f32 v5, $0.0e+00;
	v2 =	vmul.f32 v2, v2;
	v0 =	vtrunc.f32 v0  }
0x180: {  	v4 =	vmul.f32 $2.550000000e+02, v7;
	v5 =	vmin.f32 v5, $2.550000000e+02;
	v14 =	vcvt.f32.s32 v0  }
0x181: {  	v1 =	vmax.f32 v1, $0.0e+00;
	v0 =	vmul.f32 $2.550000000e+02, v9;
	v5 =	vtrunc.f32 v5  }
0x182: {  	s31 =	simm.s32 $0x7F0;
	v16 =	vld [tilespmem:s19+$0xFFFFFFF0];
	v6 =	vadd.f32 v2, v6;
	v1 =	vmin.f32 v1, $2.550000000e+02;
	v15 =	vcvt.f32.s32 v5  }
0x183: {  	v2 =	vld [tilespmem:s31+$0xFFFFFF90];
	v4 =	vmax.f32 v4, $0.0e+00;
	v3 =	vsub.f32 v8, v3;
	v1 =	vtrunc.f32 v1  }
0x184: {  	v5 =	vld [tilespmem:s19+$0x0];
	v17 =	vcvt.f32.s32 v1;
	v1 =	vmin.f32 v4, $2.550000000e+02;
	v4 =	vmax.f32 v0, $0.0e+00  }
0x185: {  	v0 =	vld [tilespmem:s31+$0xFFFFFFD0];
	v21 =	vmul.f32 v3, v3;
	v18 =	vtrunc.f32 v1;
	v4 =	vmin.f32 v4, $2.550000000e+02  }
0x186: {  	v8 =	vcvt.f32.s32 v18;
	v4 =	vtrunc.f32 v4;
	v14 =	vld.idx.msk [tilespmem:v14+s4+$0x0], $0xffff  }
0x187: {  	v3 =	vld [tilespmem:s31+$0xFFFFFFA0];
	v18 =	vmax.f32 v19, $0.0e+00;
	v19 =	vmul.f32 $2.550000000e+02, v16;
	v6 =	vadd.f32 v21, v6  }
0x188: {  	v58 =	vmul.f32 $2.550000000e+02, v2;
	v20 =	vcvt.f32.s32 v4;
	v4 =	vmin.f32 v18, $2.550000000e+02;
	v15 =	vld.idx.msk [tilespmem:v15+s4+$0x0], $0xffff  }
0x189: {  	v1 =	vld [tilespmem:s31+$0xFFFFFFC0];
	v4 =	vtrunc.f32 v4;
	v18 =	vmax.f32 v19, $0.0e+00;
	v19 =	vmul.f32 $2.550000000e+02, v5  }
0x18a: {  	v22 =	vcvt.f32.s32 v4;
	v4 =	vmin.f32 v18, $2.550000000e+02;
	v18 =	vmul.f32 $2.550000000e+02, v0;
	v17 =	vld.idx.msk [tilespmem:v17+s4+$0x0], $0xffff  }
0x18b: {  	v23 =	vtrunc.f32 v4;
	v19 =	vmax.f32 v19, $0.0e+00;
	v4 =	vld [tilespmem:s31+$0xFFFFFFB0];
	v10 =	vsub.f32 v10, v14  }
0x18c: {  	v60 =	vmul.f32 $2.550000000e+02, v3;
	v19 =	vmin.f32 v19, $2.550000000e+02;
	v14 =	vcvt.f32.s32 v23;
	v8 =	vld.idx.msk [tilespmem:v8+s4+$0x0], $0xffff  }
0x18d: {  	v19 =	vtrunc.f32 v19;
	v11 =	vsub.f32 v11, v15;
	v10 =	vmul.f32 v10, v10  }
0x18e: {  	v59 =	vmax.f32 v58, $0.0e+00;
	v61 =	vmul.f32 $2.550000000e+02, v1;
	v15 =	vcvt.f32.s32 v19;
	v19 =	vld.idx.msk [tilespmem:v20+s4+$0x0], $0xffff  }
0x18f: {  	v6 =	vadd.f32 v10, v6;
	v10 =	vmul.f32 v11, v11;
	v11 =	vsub.f32 v12, v17  }
0x190: {  	v62 =	vmax.f32 v60, $0.0e+00;
	v63 =	vmul.f32 $2.550000000e+02, v4;
	v12 =	vld.idx.msk [tilespmem:v22+s4+$0x0], $0xffff;
	v17 =	vmin.f32 v59, $2.550000000e+02  }
0x191: {  	v7 =	vsub.f32 v7, v8;
	v6 =	vadd.f32 v10, v6;
	v10 =	vmul.f32 v11, v11  }
0x192: {  	v8 =	vld.idx.msk [tilespmem:v14+s4+$0x0], $0xffff;
	v11 =	vtrunc.f32 v17;
	v14 =	vmin.f32 v62, $2.550000000e+02;
	v17 =	vmax.f32 v63, $0.0e+00  }
0x193: {  	v19 =	vsub.f32 v9, v19;
	v7 =	vmul.f32 v7, v7;
	v6 =	vadd.f32 v10, v6  }
0x194: {  	v9 =	vld.idx.msk [tilespmem:v15+s4+$0x0], $0xffff;
	v10 =	vcvt.f32.s32 v11;
	v11 =	vtrunc.f32 v14;
	v14 =	vmin.f32 v17, $2.550000000e+02  }
0x195: {  	v17 =	vmul.f32 v19, v19;
	v13 =	vsub.f32 v13, v12;
	v15 =	vadd.f32 v7, v6;
	v7 =	vld [tilespmem:s31+$0xFFFFFFE0]  }
0x196: {  	v19 =	vmax.f32 v61, $0.0e+00;
	v12 =	vcvt.f32.s32 v11;
	v11 =	vtrunc.f32 v14  }
0x197: {  	v6 =	vld [tilespmem:s31+$0xFFFFFFF0];
	v14 =	vadd.f32 v17, v15;
	v15 =	vmul.f32 v13, v13;
	v13 =	vsub.f32 v16, v8  }
0x198: {  	s20 =	simm.s32 $0x8;
	s21 =	simm.s32 $0xBF0;
	v11 =	vcvt.f32.s32 v11;
	v17 =	vmin.f32 v19, $2.550000000e+02;
	v16 =	vmax.f32 v18, $0.0e+00;
	v8 =	vld [tilespmem:s31+$0x0]  }
.LBB2_13:
0x199: {  	v18 =	vld [tilespmem:s21+$0xFFFFFFD0];
	v14 =	vadd.f32 v15, v14;
	v13 =	vmul.f32 v13, v13;
	v5 =	vsub.f32 v5, v9  }
0x19a: {  	v15 =	vtrunc.f32 v17;
	v16 =	vmin.f32 v16, $2.550000000e+02;
	v9 =	vld [tilespmem:s21+$0xFFFFFFC0];
	v17 =	vmul.f32 $2.550000000e+02, v7  }
0x19b: {  	v15 =	vcvt.f32.s32 v15;
	v10 =	vld.idx.msk [tilespmem:v10+s4+$0x0], $0xffff;
	v13 =	vadd.f32 v13, v14;
	v20 =	vmul.f32 v5, v5  }
0x19c: {  	v16 =	vtrunc.f32 v16;
	v14 =	vld [tilespmem:s21+$0xFFFFFF90];
	v17 =	vmax.f32 v17, $0.0e+00;
	v19 =	vmul.f32 $2.550000000e+02, v6  }
0x19d: {  	s19 =	simm.s32 $0x470;
	v16 =	vcvt.f32.s32 v16;
	v12 =	vld.idx.msk [tilespmem:v12+s4+$0x0], $0xffff;
	v17 =	vmin.f32 v17, $2.550000000e+02;
	v13 =	vadd.f32 v20, v13;
	v5 =	vmovc v8  }
0x19e: {  	v8 =	vld [tilespmem:s21+$0xFFFFFFA0];
	v17 =	vtrunc.f32 v17;
	v19 =	vmax.f32 v19, $0.0e+00;
	v20 =	vmul.f32 $2.550000000e+02, v5  }
0x19f: {  	v11 =	vld.idx.msk [tilespmem:v11+s4+$0x0], $0xffff;
	v17 =	vcvt.f32.s32 v17;
	v19 =	vmin.f32 v19, $2.550000000e+02  }
0x1a0: {  	v22 =	vmul.f32 $2.550000000e+02, v18;
	v21 =	vld [tilespmem:s21+$0xFFFFFFB0];
	v19 =	vtrunc.f32 v19;
	v20 =	vmax.f32 v20, $0.0e+00  }
0x1a1: {  	s20 =	sadd.s32 $0x8, s20;
	v10 =	vsub.f32 v2, v10;
	v15 =	vld.idx.msk [tilespmem:v15+s4+$0x0], $0xffff;
	v19 =	vcvt.f32.s32 v19;
	v20 =	vmin.f32 v20, $2.550000000e+02;
	v2 =	vmovc v14  }
0x1a2: {  	p0 =	slt.u32 s20, $0x78;
	v14 =	vmul.f32 $2.550000000e+02, v2;
	v20 =	vtrunc.f32 v20  }
0x1a3: {  	v10 =	vmul.f32 v10, v10;
	v12 =	vsub.f32 v3, v12;
	v16 =	vld.idx.msk [tilespmem:v16+s4+$0x0], $0xffff;
	v20 =	vcvt.f32.s32 v20;
	v3 =	vmovc v8  }
0x1a4: {  	v23 =	vmul.f32 $2.550000000e+02, v9;
	v8 =	vmax.f32 v14, $0.0e+00;
	v14 =	vmul.f32 $2.550000000e+02, v3  }
0x1a5: {  	v10 =	vadd.f32 v10, v13;
	v12 =	vmul.f32 v12, v12;
	v11 =	vsub.f32 v4, v11;
	v13 =	vld.idx.msk [tilespmem:v17+s4+$0x0], $0xffff  }
0x1a6: {  	v8 =	vmin.f32 v8, $2.550000000e+02;
	v17 =	vmul.f32 $2.550000000e+02, v21;
	v4 =	vmovc v21;
	v14 =	vmax.f32 v14, $0.0e+00  }
0x1a7: {  	v10 =	vadd.f32 v12, v10;
	v11 =	vmul.f32 v11, v11;
	v12 =	vsub.f32 v1, v15;
	v19 =	vld.idx.msk [tilespmem:v19+s4+$0x0], $0xffff  }
0x1a8: {  	v8 =	vtrunc.f32 v8;
	v1 =	vmovc v9;
	v14 =	vmin.f32 v14, $2.550000000e+02;
	v15 =	vmax.f32 v17, $0.0e+00  }
0x1a9: {  	v11 =	vadd.f32 v11, v10;
	v12 =	vmul.f32 v12, v12;
	v16 =	vsub.f32 v0, v16;
	v9 =	vld.idx.msk [tilespmem:v20+s4+$0x0], $0xffff  }
.Ltmp5:
0x1aa: {  	v10 =	vcvt.f32.s32 v8;
	v8 =	vtrunc.f32 v14;
	v14 =	vmin.f32 v15, $2.550000000e+02;
	v0 =	vmovc v18;
	(pc) =	sbr.rel @p0 .LBB2_13-.Ltmp5, $4  }
0x1ab: {  	v11 =	vadd.f32 v12, v11;
	v15 =	vmul.f32 v16, v16;
	v13 =	vsub.f32 v7, v13;
	v7 =	vld [tilespmem:s21+$0xFFFFFFE0]  }
0x1ac: {  	v12 =	vcvt.f32.s32 v8;
	v8 =	vtrunc.f32 v14;
	v16 =	vmax.f32 v23, $0.0e+00  }
0x1ad: {  	v14 =	vadd.f32 v15, v11;
	v15 =	vmul.f32 v13, v13;
	v13 =	vsub.f32 v6, v19;
	v6 =	vld [tilespmem:s21+$0xFFFFFFF0]  }
0x1ae: {  	v17 =	vmin.f32 v16, $2.550000000e+02;
	v16 =	vmax.f32 v22, $0.0e+00;
	v11 =	vcvt.f32.s32 v8;
	v8 =	vld [tilespmem:s21+$0x0];
	s21 =	sadd.s32 $0x400, s21  }
0x1af: {  	_ =	sdelay $0x3  }
0x1b0: {  	v17 =	vtrunc.f32 v17;
	v14 =	vadd.f32 v15, v14;
	v10 =	vld.idx.msk [tilespmem:v10+s4+$0x0], $0xffff;
	v18 =	vmul.f32 $2.550000000e+02, v7  }
0x1b1: {  	v15 =	vmin.f32 v16, $2.550000000e+02;
	v13 =	vmul.f32 v13, v13;
	v16 =	vcvt.f32.s32 v17  }
0x1b2: {  	v12 =	vld.idx.msk [tilespmem:v12+s4+$0x0], $0xffff;
	v5 =	vsub.f32 v5, v9;
	v15 =	vtrunc.f32 v15;
	v17 =	vmax.f32 v18, $0.0e+00  }
0x1b3: {  	v15 =	vcvt.f32.s32 v15;
	v18 =	vmul.f32 $2.550000000e+02, v6;
	v17 =	vmin.f32 v17, $2.550000000e+02  }
0x1b4: {  	v11 =	vld.idx.msk [tilespmem:v11+s4+$0x0], $0xffff;
	v13 =	vadd.f32 v13, v14;
	v5 =	vmul.f32 v5, v5;
	v9 =	vtrunc.f32 v17  }
0x1b5: {  	v17 =	vmax.f32 v18, $0.0e+00;
	v2 =	vsub.f32 v2, v10;
	v9 =	vcvt.f32.s32 v9  }
0x1b6: {  	v5 =	vadd.f32 v5, v13;
	v14 =	vmin.f32 v17, $2.550000000e+02  }
0x1b7: {  	v3 =	vsub.f32 v3, v12;
	v14 =	vtrunc.f32 v14;
	v16 =	vld.idx.msk [tilespmem:v16+s4+$0x0], $0xffff;
	v2 =	vmul.f32 v2, v2  }
0x1b8: {  	v10 =	vmul.f32 $2.550000000e+02, v8;
	v14 =	vcvt.f32.s32 v14  }
0x1b9: {  	v4 =	vsub.f32 v4, v11;
	v3 =	vmul.f32 v3, v3;
	v12 =	vld.idx.msk [tilespmem:v15+s4+$0x0], $0xffff;
	v2 =	vadd.f32 v2, v5  }
0x1ba: {  	v13 =	vld [tilespmem:s19+$0xFFFFFFE0]  }
0x1bb: {  	v10 =	vmax.f32 v10, $0.0e+00;
	v2 =	vadd.f32 v3, v2;
	v3 =	vmul.f32 v4, v4;
	v9 =	vld.idx.msk [tilespmem:v9+s4+$0x0], $0xffff  }
0x1bc: {  	v5 =	vmin.f32 v10, $2.550000000e+02;
	v10 =	vld [tilespmem:s19+$0xFFFFFF90];
	v1 =	vsub.f32 v1, v16  }
0x1bd: {  	v11 =	vld [tilespmem:s19+$0xFFFFFFA0];
	v4 =	vtrunc.f32 v5;
	v2 =	vadd.f32 v3, v2  }
0x1be: {  	v0 =	vsub.f32 v0, v12;
	v3 =	vcvt.f32.s32 v4;
	v5 =	vld.idx.msk [tilespmem:v14+s4+$0x0], $0xffff;
	v1 =	vmul.f32 v1, v1  }
0x1bf: {  	v12 =	vld [tilespmem:s19+$0xFFFFFFB0]  }
0x1c0: {  	v0 =	vmul.f32 v0, v0;
	v1 =	vadd.f32 v1, v2;
	v2 =	vsub.f32 v7, v9  }
0x1c1: {  	v4 =	vmul.f32 $2.550000000e+02, v10;
	v7 =	vld [tilespmem:s19+$0xFFFFFFC0]  }
0x1c2: {  	v19 =	vmul.f32 $2.550000000e+02, v13;
	v9 =	vld [tilespmem:s19+$0xFFFFFFD0];
	v0 =	vadd.f32 v0, v1;
	v1 =	vmul.f32 v2, v2  }
0x1c3: {  	v4 =	vmax.f32 v4, $0.0e+00;
	v2 =	vsub.f32 v6, v5;
	v5 =	vmul.f32 $2.550000000e+02, v11  }
0x1c4: {  	v3 =	vld.idx.msk [tilespmem:v3+s4+$0x0], $0xffff;
	v6 =	vadd.f32 v1, v0;
	v0 =	vmin.f32 v4, $2.550000000e+02;
	v1 =	vmul.f32 $2.550000000e+02, v12  }
0x1c5: {  	v5 =	vmax.f32 v5, $0.0e+00;
	v2 =	vmul.f32 v2, v2;
	v0 =	vtrunc.f32 v0  }
0x1c6: {  	v4 =	vmul.f32 $2.550000000e+02, v7;
	v5 =	vmin.f32 v5, $2.550000000e+02;
	v14 =	vcvt.f32.s32 v0  }
0x1c7: {  	v1 =	vmax.f32 v1, $0.0e+00;
	v0 =	vmul.f32 $2.550000000e+02, v9;
	v5 =	vtrunc.f32 v5  }
0x1c8: {  	s31 =	simm.s32 $0x870;
	v16 =	vld [tilespmem:s19+$0xFFFFFFF0];
	v6 =	vadd.f32 v2, v6;
	v1 =	vmin.f32 v1, $2.550000000e+02;
	v15 =	vcvt.f32.s32 v5  }
0x1c9: {  	v2 =	vld [tilespmem:s31+$0xFFFFFF90];
	v4 =	vmax.f32 v4, $0.0e+00;
	v3 =	vsub.f32 v8, v3;
	v1 =	vtrunc.f32 v1  }
0x1ca: {  	v5 =	vld [tilespmem:s19+$0x0];
	v17 =	vcvt.f32.s32 v1;
	v1 =	vmin.f32 v4, $2.550000000e+02;
	v4 =	vmax.f32 v0, $0.0e+00  }
0x1cb: {  	v0 =	vld [tilespmem:s31+$0xFFFFFFD0];
	v21 =	vmul.f32 v3, v3;
	v18 =	vtrunc.f32 v1;
	v4 =	vmin.f32 v4, $2.550000000e+02  }
0x1cc: {  	v8 =	vcvt.f32.s32 v18;
	v4 =	vtrunc.f32 v4;
	v14 =	vld.idx.msk [tilespmem:v14+s4+$0x0], $0xffff  }
0x1cd: {  	v3 =	vld [tilespmem:s31+$0xFFFFFFA0];
	v18 =	vmax.f32 v19, $0.0e+00;
	v19 =	vmul.f32 $2.550000000e+02, v16;
	v6 =	vadd.f32 v21, v6  }
0x1ce: {  	v58 =	vmul.f32 $2.550000000e+02, v2;
	v20 =	vcvt.f32.s32 v4;
	v4 =	vmin.f32 v18, $2.550000000e+02;
	v15 =	vld.idx.msk [tilespmem:v15+s4+$0x0], $0xffff  }
0x1cf: {  	v1 =	vld [tilespmem:s31+$0xFFFFFFC0];
	v4 =	vtrunc.f32 v4;
	v18 =	vmax.f32 v19, $0.0e+00;
	v19 =	vmul.f32 $2.550000000e+02, v5  }
0x1d0: {  	v22 =	vcvt.f32.s32 v4;
	v4 =	vmin.f32 v18, $2.550000000e+02;
	v18 =	vmul.f32 $2.550000000e+02, v0;
	v17 =	vld.idx.msk [tilespmem:v17+s4+$0x0], $0xffff  }
0x1d1: {  	v23 =	vtrunc.f32 v4;
	v19 =	vmax.f32 v19, $0.0e+00;
	v4 =	vld [tilespmem:s31+$0xFFFFFFB0];
	v10 =	vsub.f32 v10, v14  }
0x1d2: {  	v60 =	vmul.f32 $2.550000000e+02, v3;
	v19 =	vmin.f32 v19, $2.550000000e+02;
	v14 =	vcvt.f32.s32 v23;
	v8 =	vld.idx.msk [tilespmem:v8+s4+$0x0], $0xffff  }
0x1d3: {  	v19 =	vtrunc.f32 v19;
	v11 =	vsub.f32 v11, v15;
	v10 =	vmul.f32 v10, v10  }
0x1d4: {  	v59 =	vmax.f32 v58, $0.0e+00;
	v61 =	vmul.f32 $2.550000000e+02, v1;
	v15 =	vcvt.f32.s32 v19;
	v19 =	vld.idx.msk [tilespmem:v20+s4+$0x0], $0xffff  }
0x1d5: {  	v6 =	vadd.f32 v10, v6;
	v10 =	vmul.f32 v11, v11;
	v11 =	vsub.f32 v12, v17  }
0x1d6: {  	v62 =	vmax.f32 v60, $0.0e+00;
	v63 =	vmul.f32 $2.550000000e+02, v4;
	v12 =	vld.idx.msk [tilespmem:v22+s4+$0x0], $0xffff;
	v17 =	vmin.f32 v59, $2.550000000e+02  }
0x1d7: {  	v7 =	vsub.f32 v7, v8;
	v6 =	vadd.f32 v10, v6;
	v10 =	vmul.f32 v11, v11  }
0x1d8: {  	v8 =	vld.idx.msk [tilespmem:v14+s4+$0x0], $0xffff;
	v11 =	vtrunc.f32 v17;
	v14 =	vmin.f32 v62, $2.550000000e+02;
	v17 =	vmax.f32 v63, $0.0e+00  }
0x1d9: {  	v19 =	vsub.f32 v9, v19;
	v7 =	vmul.f32 v7, v7;
	v6 =	vadd.f32 v10, v6  }
0x1da: {  	v9 =	vld.idx.msk [tilespmem:v15+s4+$0x0], $0xffff;
	v10 =	vcvt.f32.s32 v11;
	v11 =	vtrunc.f32 v14;
	v14 =	vmin.f32 v17, $2.550000000e+02  }
0x1db: {  	v17 =	vmul.f32 v19, v19;
	v13 =	vsub.f32 v13, v12;
	v15 =	vadd.f32 v7, v6;
	v7 =	vld [tilespmem:s31+$0xFFFFFFE0]  }
0x1dc: {  	v19 =	vmax.f32 v61, $0.0e+00;
	v12 =	vcvt.f32.s32 v11;
	v11 =	vtrunc.f32 v14  }
0x1dd: {  	v6 =	vld [tilespmem:s31+$0xFFFFFFF0];
	v14 =	vadd.f32 v17, v15;
	v15 =	vmul.f32 v13, v13;
	v13 =	vsub.f32 v16, v8  }
0x1de: {  	s20 =	simm.s32 $0x8;
	s21 =	simm.s32 $0xC70;
	v11 =	vcvt.f32.s32 v11;
	v17 =	vmin.f32 v19, $2.550000000e+02;
	v16 =	vmax.f32 v18, $0.0e+00;
	v8 =	vld [tilespmem:s31+$0x0]  }
.LBB2_15:
0x1df: {  	v18 =	vld [tilespmem:s21+$0xFFFFFFD0];
	v14 =	vadd.f32 v15, v14;
	v13 =	vmul.f32 v13, v13;
	v5 =	vsub.f32 v5, v9  }
0x1e0: {  	v15 =	vtrunc.f32 v17;
	v16 =	vmin.f32 v16, $2.550000000e+02;
	v9 =	vld [tilespmem:s21+$0xFFFFFFC0];
	v17 =	vmul.f32 $2.550000000e+02, v7  }
0x1e1: {  	v15 =	vcvt.f32.s32 v15;
	v10 =	vld.idx.msk [tilespmem:v10+s4+$0x0], $0xffff;
	v13 =	vadd.f32 v13, v14;
	v20 =	vmul.f32 v5, v5  }
0x1e2: {  	v16 =	vtrunc.f32 v16;
	v14 =	vld [tilespmem:s21+$0xFFFFFF90];
	v17 =	vmax.f32 v17, $0.0e+00;
	v19 =	vmul.f32 $2.550000000e+02, v6  }
0x1e3: {  	s19 =	simm.s32 $0x4F0;
	v16 =	vcvt.f32.s32 v16;
	v12 =	vld.idx.msk [tilespmem:v12+s4+$0x0], $0xffff;
	v17 =	vmin.f32 v17, $2.550000000e+02;
	v13 =	vadd.f32 v20, v13;
	v5 =	vmovc v8  }
0x1e4: {  	v8 =	vld [tilespmem:s21+$0xFFFFFFA0];
	v17 =	vtrunc.f32 v17;
	v19 =	vmax.f32 v19, $0.0e+00;
	v20 =	vmul.f32 $2.550000000e+02, v5  }
0x1e5: {  	v11 =	vld.idx.msk [tilespmem:v11+s4+$0x0], $0xffff;
	v17 =	vcvt.f32.s32 v17;
	v19 =	vmin.f32 v19, $2.550000000e+02  }
0x1e6: {  	v22 =	vmul.f32 $2.550000000e+02, v18;
	v21 =	vld [tilespmem:s21+$0xFFFFFFB0];
	v19 =	vtrunc.f32 v19;
	v20 =	vmax.f32 v20, $0.0e+00  }
0x1e7: {  	s20 =	sadd.s32 $0x8, s20;
	v10 =	vsub.f32 v2, v10;
	v15 =	vld.idx.msk [tilespmem:v15+s4+$0x0], $0xffff;
	v19 =	vcvt.f32.s32 v19;
	v20 =	vmin.f32 v20, $2.550000000e+02;
	v2 =	vmovc v14  }
0x1e8: {  	p0 =	slt.u32 s20, $0x78;
	v14 =	vmul.f32 $2.550000000e+02, v2;
	v20 =	vtrunc.f32 v20  }
0x1e9: {  	v10 =	vmul.f32 v10, v10;
	v12 =	vsub.f32 v3, v12;
	v16 =	vld.idx.msk [tilespmem:v16+s4+$0x0], $0xffff;
	v20 =	vcvt.f32.s32 v20;
	v3 =	vmovc v8  }
0x1ea: {  	v23 =	vmul.f32 $2.550000000e+02, v9;
	v8 =	vmax.f32 v14, $0.0e+00;
	v14 =	vmul.f32 $2.550000000e+02, v3  }
0x1eb: {  	v10 =	vadd.f32 v10, v13;
	v12 =	vmul.f32 v12, v12;
	v11 =	vsub.f32 v4, v11;
	v13 =	vld.idx.msk [tilespmem:v17+s4+$0x0], $0xffff  }
0x1ec: {  	v8 =	vmin.f32 v8, $2.550000000e+02;
	v17 =	vmul.f32 $2.550000000e+02, v21;
	v4 =	vmovc v21;
	v14 =	vmax.f32 v14, $0.0e+00  }
0x1ed: {  	v10 =	vadd.f32 v12, v10;
	v11 =	vmul.f32 v11, v11;
	v12 =	vsub.f32 v1, v15;
	v19 =	vld.idx.msk [tilespmem:v19+s4+$0x0], $0xffff  }
0x1ee: {  	v8 =	vtrunc.f32 v8;
	v1 =	vmovc v9;
	v14 =	vmin.f32 v14, $2.550000000e+02;
	v15 =	vmax.f32 v17, $0.0e+00  }
0x1ef: {  	v11 =	vadd.f32 v11, v10;
	v12 =	vmul.f32 v12, v12;
	v16 =	vsub.f32 v0, v16;
	v9 =	vld.idx.msk [tilespmem:v20+s4+$0x0], $0xffff  }
.Ltmp6:
0x1f0: {  	v10 =	vcvt.f32.s32 v8;
	v8 =	vtrunc.f32 v14;
	v14 =	vmin.f32 v15, $2.550000000e+02;
	v0 =	vmovc v18;
	(pc) =	sbr.rel @p0 .LBB2_15-.Ltmp6, $4  }
0x1f1: {  	v11 =	vadd.f32 v12, v11;
	v15 =	vmul.f32 v16, v16;
	v13 =	vsub.f32 v7, v13;
	v7 =	vld [tilespmem:s21+$0xFFFFFFE0]  }
0x1f2: {  	v12 =	vcvt.f32.s32 v8;
	v8 =	vtrunc.f32 v14;
	v16 =	vmax.f32 v23, $0.0e+00  }
0x1f3: {  	v14 =	vadd.f32 v15, v11;
	v15 =	vmul.f32 v13, v13;
	v13 =	vsub.f32 v6, v19;
	v6 =	vld [tilespmem:s21+$0xFFFFFFF0]  }
0x1f4: {  	v17 =	vmin.f32 v16, $2.550000000e+02;
	v16 =	vmax.f32 v22, $0.0e+00;
	v11 =	vcvt.f32.s32 v8;
	v8 =	vld [tilespmem:s21+$0x0];
	s21 =	sadd.s32 $0x400, s21  }
0x1f5: {  	_ =	sdelay $0x3  }
0x1f6: {  	v17 =	vtrunc.f32 v17;
	v14 =	vadd.f32 v15, v14;
	v10 =	vld.idx.msk [tilespmem:v10+s4+$0x0], $0xffff;
	v18 =	vmul.f32 $2.550000000e+02, v7  }
0x1f7: {  	v15 =	vmin.f32 v16, $2.550000000e+02;
	v13 =	vmul.f32 v13, v13;
	v16 =	vcvt.f32.s32 v17  }
0x1f8: {  	v12 =	vld.idx.msk [tilespmem:v12+s4+$0x0], $0xffff;
	v5 =	vsub.f32 v5, v9;
	v15 =	vtrunc.f32 v15;
	v17 =	vmax.f32 v18, $0.0e+00  }
0x1f9: {  	v15 =	vcvt.f32.s32 v15;
	v18 =	vmul.f32 $2.550000000e+02, v6;
	v17 =	vmin.f32 v17, $2.550000000e+02  }
0x1fa: {  	v11 =	vld.idx.msk [tilespmem:v11+s4+$0x0], $0xffff;
	v13 =	vadd.f32 v13, v14;
	v5 =	vmul.f32 v5, v5;
	v9 =	vtrunc.f32 v17  }
0x1fb: {  	v17 =	vmax.f32 v18, $0.0e+00;
	v2 =	vsub.f32 v2, v10;
	v9 =	vcvt.f32.s32 v9  }
0x1fc: {  	v5 =	vadd.f32 v5, v13;
	v14 =	vmin.f32 v17, $2.550000000e+02  }
0x1fd: {  	v3 =	vsub.f32 v3, v12;
	v14 =	vtrunc.f32 v14;
	v16 =	vld.idx.msk [tilespmem:v16+s4+$0x0], $0xffff;
	v2 =	vmul.f32 v2, v2  }
0x1fe: {  	v10 =	vmul.f32 $2.550000000e+02, v8;
	v14 =	vcvt.f32.s32 v14  }
0x1ff: {  	v4 =	vsub.f32 v4, v11;
	v3 =	vmul.f32 v3, v3;
	v12 =	vld.idx.msk [tilespmem:v15+s4+$0x0], $0xffff;
	v2 =	vadd.f32 v2, v5  }
0x200: {  	v13 =	vld [tilespmem:s19+$0xFFFFFFE0]  }
0x201: {  	v10 =	vmax.f32 v10, $0.0e+00;
	v2 =	vadd.f32 v3, v2;
	v3 =	vmul.f32 v4, v4;
	v9 =	vld.idx.msk [tilespmem:v9+s4+$0x0], $0xffff  }
0x202: {  	v5 =	vmin.f32 v10, $2.550000000e+02;
	v10 =	vld [tilespmem:s19+$0xFFFFFF90];
	v1 =	vsub.f32 v1, v16  }
0x203: {  	v11 =	vld [tilespmem:s19+$0xFFFFFFA0];
	v4 =	vtrunc.f32 v5;
	v2 =	vadd.f32 v3, v2  }
0x204: {  	v0 =	vsub.f32 v0, v12;
	v3 =	vcvt.f32.s32 v4;
	v5 =	vld.idx.msk [tilespmem:v14+s4+$0x0], $0xffff;
	v1 =	vmul.f32 v1, v1  }
0x205: {  	v12 =	vld [tilespmem:s19+$0xFFFFFFB0]  }
0x206: {  	v0 =	vmul.f32 v0, v0;
	v1 =	vadd.f32 v1, v2;
	v2 =	vsub.f32 v7, v9  }
0x207: {  	v4 =	vmul.f32 $2.550000000e+02, v10;
	v7 =	vld [tilespmem:s19+$0xFFFFFFC0]  }
0x208: {  	v19 =	vmul.f32 $2.550000000e+02, v13;
	v9 =	vld [tilespmem:s19+$0xFFFFFFD0];
	v0 =	vadd.f32 v0, v1;
	v1 =	vmul.f32 v2, v2  }
0x209: {  	v4 =	vmax.f32 v4, $0.0e+00;
	v2 =	vsub.f32 v6, v5;
	v5 =	vmul.f32 $2.550000000e+02, v11  }
0x20a: {  	v3 =	vld.idx.msk [tilespmem:v3+s4+$0x0], $0xffff;
	v6 =	vadd.f32 v1, v0;
	v0 =	vmin.f32 v4, $2.550000000e+02;
	v1 =	vmul.f32 $2.550000000e+02, v12  }
0x20b: {  	v5 =	vmax.f32 v5, $0.0e+00;
	v2 =	vmul.f32 v2, v2;
	v0 =	vtrunc.f32 v0  }
0x20c: {  	v4 =	vmul.f32 $2.550000000e+02, v7;
	v5 =	vmin.f32 v5, $2.550000000e+02;
	v14 =	vcvt.f32.s32 v0  }
0x20d: {  	v1 =	vmax.f32 v1, $0.0e+00;
	v0 =	vmul.f32 $2.550000000e+02, v9;
	v5 =	vtrunc.f32 v5  }
0x20e: {  	s20 =	simm.s32 $0x8F0;
	v15 =	vld [tilespmem:s19+$0xFFFFFFF0];
	v6 =	vadd.f32 v2, v6;
	v1 =	vmin.f32 v1, $2.550000000e+02;
	v16 =	vcvt.f32.s32 v5  }
0x20f: {  	v2 =	vld [tilespmem:s20+$0xFFFFFF90];
	v4 =	vmax.f32 v4, $0.0e+00;
	v3 =	vsub.f32 v8, v3;
	v1 =	vtrunc.f32 v1  }
0x210: {  	v5 =	vld [tilespmem:s19+$0x0];
	v17 =	vcvt.f32.s32 v1;
	v1 =	vmin.f32 v4, $2.550000000e+02;
	v4 =	vmax.f32 v0, $0.0e+00  }
0x211: {  	v0 =	vld [tilespmem:s20+$0xFFFFFFD0];
	v21 =	vmul.f32 v3, v3;
	v18 =	vtrunc.f32 v1;
	v4 =	vmin.f32 v4, $2.550000000e+02  }
0x212: {  	v8 =	vcvt.f32.s32 v18;
	v4 =	vtrunc.f32 v4;
	v14 =	vld.idx.msk [tilespmem:v14+s4+$0x0], $0xffff  }
0x213: {  	v3 =	vld [tilespmem:s20+$0xFFFFFFA0];
	v18 =	vmax.f32 v19, $0.0e+00;
	v19 =	vmul.f32 $2.550000000e+02, v15;
	v6 =	vadd.f32 v21, v6  }
0x214: {  	v57 =	vmul.f32 $2.550000000e+02, v2;
	v20 =	vcvt.f32.s32 v4;
	v4 =	vmin.f32 v18, $2.550000000e+02;
	v16 =	vld.idx.msk [tilespmem:v16+s4+$0x0], $0xffff  }
0x215: {  	v1 =	vld [tilespmem:s20+$0xFFFFFFC0];
	v4 =	vtrunc.f32 v4;
	v18 =	vmax.f32 v19, $0.0e+00;
	v19 =	vmul.f32 $2.550000000e+02, v5  }
0x216: {  	v22 =	vcvt.f32.s32 v4;
	v4 =	vmin.f32 v18, $2.550000000e+02;
	v18 =	vmul.f32 $2.550000000e+02, v0;
	v17 =	vld.idx.msk [tilespmem:v17+s4+$0x0], $0xffff  }
0x217: {  	v23 =	vtrunc.f32 v4;
	v19 =	vmax.f32 v19, $0.0e+00;
	v4 =	vld [tilespmem:s20+$0xFFFFFFB0];
	v10 =	vsub.f32 v10, v14  }
0x218: {  	v59 =	vmul.f32 $2.550000000e+02, v3;
	v19 =	vmin.f32 v19, $2.550000000e+02;
	v14 =	vcvt.f32.s32 v23;
	v8 =	vld.idx.msk [tilespmem:v8+s4+$0x0], $0xffff  }
0x219: {  	v19 =	vtrunc.f32 v19;
	v11 =	vsub.f32 v11, v16;
	v10 =	vmul.f32 v10, v10  }
0x21a: {  	v58 =	vmax.f32 v57, $0.0e+00;
	v60 =	vmul.f32 $2.550000000e+02, v1;
	v16 =	vcvt.f32.s32 v19;
	v19 =	vld.idx.msk [tilespmem:v20+s4+$0x0], $0xffff  }
0x21b: {  	v6 =	vadd.f32 v10, v6;
	v10 =	vmul.f32 v11, v11;
	v11 =	vsub.f32 v12, v17  }
0x21c: {  	v61 =	vmax.f32 v59, $0.0e+00;
	v62 =	vmul.f32 $2.550000000e+02, v4;
	v12 =	vld.idx.msk [tilespmem:v22+s4+$0x0], $0xffff;
	v17 =	vmin.f32 v58, $2.550000000e+02  }
0x21d: {  	v7 =	vsub.f32 v7, v8;
	v6 =	vadd.f32 v10, v6;
	v10 =	vmul.f32 v11, v11  }
0x21e: {  	v8 =	vld.idx.msk [tilespmem:v14+s4+$0x0], $0xffff;
	v11 =	vtrunc.f32 v17;
	v14 =	vmin.f32 v61, $2.550000000e+02;
	v17 =	vmax.f32 v62, $0.0e+00  }
0x21f: {  	v19 =	vsub.f32 v9, v19;
	v7 =	vmul.f32 v7, v7;
	v6 =	vadd.f32 v10, v6  }
0x220: {  	v9 =	vld.idx.msk [tilespmem:v16+s4+$0x0], $0xffff;
	v10 =	vcvt.f32.s32 v11;
	v11 =	vtrunc.f32 v14;
	v14 =	vmin.f32 v17, $2.550000000e+02  }
0x221: {  	v17 =	vmul.f32 v19, v19;
	v12 =	vsub.f32 v13, v12;
	v16 =	vadd.f32 v7, v6;
	v7 =	vld [tilespmem:s20+$0xFFFFFFE0]  }
0x222: {  	v63 =	vmax.f32 v60, $0.0e+00;
	v11 =	vcvt.f32.s32 v11;
	v19 =	vtrunc.f32 v14  }
0x223: {  	v6 =	vld [tilespmem:s20+$0xFFFFFFF0];
	v14 =	vmul.f32 v12, v12;
	v15 =	vsub.f32 v15, v8;
	v13 =	vadd.f32 v17, v16  }
0x224: {  	s19 =	simm.s32 $0x8;
	v12 =	vcvt.f32.s32 v19;
	v8 =	vld [tilespmem:s20+$0x0];
	s20 =	simm.s32 $0xCF0;
	v17 =	vmin.f32 v63, $2.550000000e+02;
	v16 =	vmax.f32 v18, $0.0e+00  }
.LBB2_17:
0x225: {  	v18 =	vld [tilespmem:s20+$0xFFFFFFD0];
	v13 =	vadd.f32 v14, v13;
	v14 =	vmul.f32 v15, v15;
	v5 =	vsub.f32 v5, v9  }
0x226: {  	v15 =	vtrunc.f32 v17;
	v16 =	vmin.f32 v16, $2.550000000e+02;
	v9 =	vld [tilespmem:s20+$0xFFFFFFC0];
	v17 =	vmul.f32 $2.550000000e+02, v7  }
0x227: {  	v15 =	vcvt.f32.s32 v15;
	v10 =	vld.idx.msk [tilespmem:v10+s4+$0x0], $0xffff;
	v13 =	vadd.f32 v14, v13;
	v20 =	vmul.f32 v5, v5  }
0x228: {  	v16 =	vtrunc.f32 v16;
	v14 =	vld [tilespmem:s20+$0xFFFFFF90];
	v17 =	vmax.f32 v17, $0.0e+00;
	v19 =	vmul.f32 $2.550000000e+02, v6  }
0x229: {  	v16 =	vcvt.f32.s32 v16;
	v11 =	vld.idx.msk [tilespmem:v11+s4+$0x0], $0xffff;
	v17 =	vmin.f32 v17, $2.550000000e+02;
	v13 =	vadd.f32 v20, v13;
	v5 =	vmovc v8  }
0x22a: {  	v8 =	vld [tilespmem:s20+$0xFFFFFFA0];
	v17 =	vtrunc.f32 v17;
	v19 =	vmax.f32 v19, $0.0e+00;
	v20 =	vmul.f32 $2.550000000e+02, v5  }
0x22b: {  	v12 =	vld.idx.msk [tilespmem:v12+s4+$0x0], $0xffff;
	v17 =	vcvt.f32.s32 v17;
	v19 =	vmin.f32 v19, $2.550000000e+02  }
0x22c: {  	v22 =	vmul.f32 $2.550000000e+02, v18;
	v21 =	vld [tilespmem:s20+$0xFFFFFFB0];
	v19 =	vtrunc.f32 v19;
	v20 =	vmax.f32 v20, $0.0e+00  }
0x22d: {  	s19 =	sadd.s32 $0x8, s19;
	v10 =	vsub.f32 v2, v10;
	v15 =	vld.idx.msk [tilespmem:v15+s4+$0x0], $0xffff;
	v19 =	vcvt.f32.s32 v19;
	v20 =	vmin.f32 v20, $2.550000000e+02;
	v2 =	vmovc v14  }
0x22e: {  	p0 =	slt.u32 s19, $0x78;
	v14 =	vmul.f32 $2.550000000e+02, v2;
	v20 =	vtrunc.f32 v20  }
0x22f: {  	v10 =	vmul.f32 v10, v10;
	v11 =	vsub.f32 v3, v11;
	v16 =	vld.idx.msk [tilespmem:v16+s4+$0x0], $0xffff;
	v20 =	vcvt.f32.s32 v20;
	v3 =	vmovc v8  }
0x230: {  	v23 =	vmul.f32 $2.550000000e+02, v9;
	v8 =	vmax.f32 v14, $0.0e+00;
	v14 =	vmul.f32 $2.550000000e+02, v3  }
0x231: {  	v10 =	vadd.f32 v10, v13;
	v11 =	vmul.f32 v11, v11;
	v12 =	vsub.f32 v4, v12;
	v13 =	vld.idx.msk [tilespmem:v17+s4+$0x0], $0xffff  }
0x232: {  	v8 =	vmin.f32 v8, $2.550000000e+02;
	v17 =	vmul.f32 $2.550000000e+02, v21;
	v4 =	vmovc v21;
	v14 =	vmax.f32 v14, $0.0e+00  }
0x233: {  	v10 =	vadd.f32 v11, v10;
	v11 =	vmul.f32 v12, v12;
	v12 =	vsub.f32 v1, v15;
	v15 =	vld.idx.msk [tilespmem:v19+s4+$0x0], $0xffff  }
0x234: {  	v8 =	vtrunc.f32 v8;
	v1 =	vmovc v9;
	v14 =	vmin.f32 v14, $2.550000000e+02;
	v17 =	vmax.f32 v17, $0.0e+00  }
0x235: {  	v11 =	vadd.f32 v11, v10;
	v12 =	vmul.f32 v12, v12;
	v16 =	vsub.f32 v0, v16;
	v9 =	vld.idx.msk [tilespmem:v20+s4+$0x0], $0xffff  }
.Ltmp7:
0x236: {  	v10 =	vcvt.f32.s32 v8;
	v8 =	vtrunc.f32 v14;
	v14 =	vmin.f32 v17, $2.550000000e+02;
	v0 =	vmovc v18;
	(pc) =	sbr.rel @p0 .LBB2_17-.Ltmp7, $4  }
0x237: {  	v12 =	vadd.f32 v12, v11;
	v16 =	vmul.f32 v16, v16;
	v17 =	vsub.f32 v7, v13;
	v7 =	vld [tilespmem:s20+$0xFFFFFFE0]  }
0x238: {  	v18 =	vmax.f32 v23, $0.0e+00;
	v11 =	vcvt.f32.s32 v8;
	v8 =	vtrunc.f32 v14  }
0x239: {  	v13 =	vadd.f32 v16, v12;
	v14 =	vmul.f32 v17, v17;
	v15 =	vsub.f32 v6, v15;
	v6 =	vld [tilespmem:s20+$0xFFFFFFF0]  }
0x23a: {  	v12 =	vcvt.f32.s32 v8;
	v17 =	vmin.f32 v18, $2.550000000e+02;
	v16 =	vmax.f32 v22, $0.0e+00;
	v8 =	vld [tilespmem:s20+$0x0];
	s20 =	sadd.s32 $0x400, s20  }
0x23b: {  	_ =	sdelay $0x1  }
0x23c: {  	v17 =	vtrunc.f32 v17;
	v18 =	vmul.f32 $2.550000000e+02, v7  }
0x23d: {  	v16 =	vmin.f32 v16, $2.550000000e+02;
	v17 =	vcvt.f32.s32 v17;
	v19 =	vmul.f32 $2.550000000e+02, v6  }
0x23e: {  	v16 =	vtrunc.f32 v16;
	v18 =	vmax.f32 v18, $0.0e+00;
	v20 =	vmul.f32 $2.550000000e+02, v8  }
0x23f: {  	v16 =	vcvt.f32.s32 v16;
	v18 =	vmin.f32 v18, $2.550000000e+02;
	v19 =	vmax.f32 v19, $0.0e+00  }
0x240: {  	v18 =	vtrunc.f32 v18;
	v19 =	vmin.f32 v19, $2.550000000e+02;
	v20 =	vmax.f32 v20, $0.0e+00  }
0x241: {  	v10 =	vld.idx.msk [tilespmem:v10+s4+$0x0], $0xffff;
	v18 =	vcvt.f32.s32 v18;
	v19 =	vtrunc.f32 v19;
	v20 =	vmin.f32 v20, $2.550000000e+02  }
0x242: {  	v19 =	vcvt.f32.s32 v19;
	v20 =	vtrunc.f32 v20  }
0x243: {  	v11 =	vld.idx.msk [tilespmem:v11+s4+$0x0], $0xffff;
	s19 =	sshll.u32 s18, $0x1;
	v20 =	vcvt.f32.s32 v20  }
0x244: {  	v13 =	vadd.f32 v14, v13;
	v14 =	vmul.f32 v15, v15;
	v5 =	vsub.f32 v5, v9;
	v12 =	vld.idx.msk [tilespmem:v12+s4+$0x0], $0xffff;
	s20 =	smin.u32 s19, $0x33  }
0x245: {  	s20 =	sadd.s32 s20, s7;
	v17 =	vld.idx.msk [tilespmem:v17+s4+$0x0], $0xffff  }
0x246: {  	v13 =	vadd.f32 v14, v13;
	v5 =	vmul.f32 v5, v5;
	s20 =	sshll.u32 s20, $0xB;
	v2 =	vsub.f32 v2, v10;
	v9 =	vld.idx.msk [tilespmem:v16+s4+$0x0], $0xffff  }
0x247: {  	s20 =	sand.u32 $0x1FFFF800, s20;
	v15 =	vld.idx.msk [tilespmem:v18+s4+$0x0], $0xffff  }
0x248: {  	v5 =	vadd.f32 v5, v13;
	s20 =	sadd.s32 s1, s20;
	v3 =	vsub.f32 v3, v11;
	v2 =	vmul.f32 v2, v2;
	v10 =	vld.idx.msk [tilespmem:v19+s4+$0x0], $0xffff  }
0x249: {  	v14 =	vld.idx.msk [tilespmem:v20+s4+$0x0], $0xffff;
	[tilespmem:s12], [sflag:$0x1] =	stream.linear.gather [hbm4b:s20+s4], $0x4000, $0x38  }
0x24a: {  	v4 =	vsub.f32 v4, v12;
	v3 =	vmul.f32 v3, v3;
	v2 =	vadd.f32 v2, v5;
	_ =	swait.ge [sflag:s15], $0x4000  }
0x24b: {  	[sflag:s15] =	ssyncset.done $0x0  }
0x24c: {  	s30 =	simm.s32 $0x4140;
	v2 =	vadd.f32 v3, v2;
	v3 =	vmul.f32 v4, v4;
	v1 =	vsub.f32 v1, v17;
	[sflag:s15] =	ssyncadd.s32 $0xFFFFC000  }
0x24d: {  	v11 =	vld [tilespmem:s30+$0xFFFFFFC0]  }
0x24e: {  	v2 =	vadd.f32 v3, v2;
	v0 =	vsub.f32 v0, v9;
	v1 =	vmul.f32 v1, v1;
	v9 =	vld [tilespmem:s30+$0xFFFFFFD0];
	_ =	sdelay $0x1  }
0x24f: {  	v0 =	vmul.f32 v0, v0;
	v1 =	vadd.f32 v1, v2;
	v2 =	vsub.f32 v7, v15;
	v12 =	vld [tilespmem:s30+$0xFFFFFFE0]  }
0x250: {  	v7 =	vld [tilespmem:s30+$0xFFFFFFF0]  }
0x251: {  	v0 =	vadd.f32 v0, v1;
	v1 =	vmul.f32 v2, v2;
	v3 =	vmul.f32 $2.550000000e+02, v11  }
0x252: {  	v4 =	vmul.f32 $2.550000000e+02, v9  }
0x253: {  	v13 =	vld [tilespmem:s30+$0x0];
	v2 =	vsub.f32 v6, v10;
	v6 =	vadd.f32 v1, v0;
	v3 =	vmax.f32 v3, $0.0e+00  }
0x254: {  	v1 =	vmul.f32 $2.550000000e+02, v12;
	v4 =	vmax.f32 v4, $0.0e+00;
	v0 =	vmin.f32 v3, $2.550000000e+02  }
0x255: {  	v15 =	vld [tilespmem:s30+$0x10];
	v3 =	vmul.f32 $2.550000000e+02, v7;
	v4 =	vmin.f32 v4, $2.550000000e+02;
	v0 =	vtrunc.f32 v0  }
0x256: {  	v1 =	vmax.f32 v1, $0.0e+00;
	v4 =	vtrunc.f32 v4;
	v10 =	vcvt.f32.s32 v0  }
0x257: {  	v16 =	vld [tilespmem:s30+$0x20];
	v2 =	vmul.f32 v2, v2;
	v1 =	vmin.f32 v1, $2.550000000e+02;
	v4 =	vcvt.f32.s32 v4  }
0x258: {  	s31 =	simm.s32 $0x4540;
	v5 =	vld [tilespmem:s30+$0x30];
	v1 =	vtrunc.f32 v1;
	v0 =	vmul.f32 $2.550000000e+02, v13;
	v3 =	vmax.f32 v3, $0.0e+00  }
0x259: {  	v6 =	vadd.f32 v2, v6;
	v2 =	vld [tilespmem:s31+$0xFFFFFFC0];
	v17 =	vcvt.f32.s32 v1;
	v1 =	vmin.f32 v3, $2.550000000e+02  }
0x25a: {  	v19 =	vmul.f32 $2.550000000e+02, v15;
	v3 =	vmax.f32 v0, $0.0e+00;
	v0 =	vld [tilespmem:s31+$0x0];
	v18 =	vtrunc.f32 v1  }
0x25b: {  	v8 =	vsub.f32 v8, v14;
	v1 =	vld [tilespmem:s31+$0xFFFFFFF0];
	v3 =	vmin.f32 v3, $2.550000000e+02;
	v14 =	vcvt.f32.s32 v18  }
0x25c: {  	v18 =	vmax.f32 v19, $0.0e+00;
	v19 =	vmul.f32 $2.550000000e+02, v16;
	v3 =	vtrunc.f32 v3;
	v10 =	vld.idx.msk [tilespmem:v10+s4+$0x0], $0xffff  }
0x25d: {  	v21 =	vmul.f32 $2.550000000e+02, v5;
	v60 =	vcvt.f32.s32 v3;
	v3 =	vmin.f32 v18, $2.550000000e+02;
	v18 =	vld.idx.msk [tilespmem:v4+s4+$0x0], $0xffff  }
0x25e: {  	v8 =	vmul.f32 v8, v8;
	v19 =	vmax.f32 v19, $0.0e+00;
	v4 =	vtrunc.f32 v3;
	v3 =	vld [tilespmem:s31+$0xFFFFFFD0]  }
0x25f: {  	v21 =	vmax.f32 v21, $0.0e+00;
	v17 =	vld.idx.msk [tilespmem:v17+s4+$0x0], $0xffff;
	v22 =	vcvt.f32.s32 v4;
	v4 =	vmin.f32 v19, $2.550000000e+02  }
0x260: {  	v6 =	vadd.f32 v8, v6;
	v21 =	vmin.f32 v21, $2.550000000e+02;
	v23 =	vtrunc.f32 v4;
	v4 =	vld [tilespmem:s31+$0xFFFFFFE0]  }
0x261: {  	v21 =	vtrunc.f32 v21;
	v19 =	vmul.f32 $2.550000000e+02, v0;
	v8 =	vld.idx.msk [tilespmem:v14+s4+$0x0], $0xffff;
	v10 =	vsub.f32 v11, v10  }
0x262: {  	v14 =	vmul.f32 $2.550000000e+02, v2;
	v11 =	vcvt.f32.s32 v23  }
0x263: {  	v62 =	vmul.f32 $2.550000000e+02, v1;
	v9 =	vsub.f32 v9, v18;
	v20 =	vld.idx.msk [tilespmem:v60+s4+$0x0], $0xffff;
	v10 =	vmul.f32 v10, v10  }
0x264: {  	v18 =	vcvt.f32.s32 v21;
	v14 =	vmax.f32 v14, $0.0e+00;
	v61 =	vmul.f32 $2.550000000e+02, v3  }
0x265: {  	v9 =	vmul.f32 v9, v9;
	v6 =	vadd.f32 v10, v6;
	v10 =	vsub.f32 v12, v17  }
0x266: {  	v14 =	vmin.f32 v14, $2.550000000e+02;
	v63 =	vmul.f32 $2.550000000e+02, v4;
	v7 =	vsub.f32 v7, v8;
	v12 =	vld.idx.msk [tilespmem:v22+s4+$0x0], $0xffff  }
0x267: {  	v17 =	vmax.f32 v61, $0.0e+00;
	v6 =	vadd.f32 v9, v6;
	v9 =	vmul.f32 v10, v10  }
0x268: {  	v7 =	vmul.f32 v7, v7;
	v13 =	vsub.f32 v13, v20;
	v8 =	vld.idx.msk [tilespmem:v11+s4+$0x0], $0xffff;
	v10 =	vtrunc.f32 v14  }
0x269: {  	v11 =	vmin.f32 v17, $2.550000000e+02;
	v14 =	vmax.f32 v63, $0.0e+00;
	v6 =	vadd.f32 v9, v6  }
0x26a: {  	v10 =	vcvt.f32.s32 v10;
	v11 =	vtrunc.f32 v11;
	v14 =	vmin.f32 v14, $2.550000000e+02;
	v9 =	vld.idx.msk [tilespmem:v18+s4+$0x0], $0xffff  }
0x26b: {  	v13 =	vmul.f32 v13, v13;
	v15 =	vsub.f32 v15, v12;
	v17 =	vadd.f32 v7, v6;
	v7 =	vld [tilespmem:s31+$0x10]  }
0x26c: {  	v18 =	vmax.f32 v62, $0.0e+00;
	v12 =	vcvt.f32.s32 v11;
	v11 =	vtrunc.f32 v14  }
0x26d: {  	v6 =	vld [tilespmem:s31+$0x20];
	v15 =	vmul.f32 v15, v15;
	v14 =	vadd.f32 v13, v17;
	v13 =	vsub.f32 v16, v8  }
0x26e: {  	s21 =	simm.s32 $0x8;
	s22 =	simm.s32 $0x4940;
	v11 =	vcvt.f32.s32 v11;
	v17 =	vmin.f32 v18, $2.550000000e+02;
	v16 =	vmax.f32 v19, $0.0e+00;
	v8 =	vld [tilespmem:s31+$0x30]  }
.LBB2_19:
0x26f: {  	v18 =	vld [tilespmem:s22+$0x0];
	v14 =	vadd.f32 v15, v14;
	v13 =	vmul.f32 v13, v13;
	v5 =	vsub.f32 v5, v9  }
0x270: {  	v15 =	vtrunc.f32 v17;
	v16 =	vmin.f32 v16, $2.550000000e+02;
	v9 =	vld [tilespmem:s22+$0xFFFFFFF0];
	v17 =	vmul.f32 $2.550000000e+02, v7  }
0x271: {  	v15 =	vcvt.f32.s32 v15;
	v10 =	vld.idx.msk [tilespmem:v10+s4+$0x0], $0xffff;
	v13 =	vadd.f32 v13, v14;
	v20 =	vmul.f32 v5, v5  }
0x272: {  	v16 =	vtrunc.f32 v16;
	v14 =	vld [tilespmem:s22+$0xFFFFFFC0];
	v17 =	vmax.f32 v17, $0.0e+00;
	v19 =	vmul.f32 $2.550000000e+02, v6  }
0x273: {  	s20 =	simm.s32 $0x41F0;
	v16 =	vcvt.f32.s32 v16;
	v12 =	vld.idx.msk [tilespmem:v12+s4+$0x0], $0xffff;
	v17 =	vmin.f32 v17, $2.550000000e+02;
	v13 =	vadd.f32 v20, v13;
	v5 =	vmovc v8  }
0x274: {  	v8 =	vld [tilespmem:s22+$0xFFFFFFD0];
	v17 =	vtrunc.f32 v17;
	v19 =	vmax.f32 v19, $0.0e+00;
	v20 =	vmul.f32 $2.550000000e+02, v5  }
0x275: {  	v11 =	vld.idx.msk [tilespmem:v11+s4+$0x0], $0xffff;
	v17 =	vcvt.f32.s32 v17;
	v19 =	vmin.f32 v19, $2.550000000e+02  }
0x276: {  	v22 =	vmul.f32 $2.550000000e+02, v18;
	v21 =	vld [tilespmem:s22+$0xFFFFFFE0];
	v19 =	vtrunc.f32 v19;
	v20 =	vmax.f32 v20, $0.0e+00  }
0x277: {  	s21 =	sadd.s32 $0x8, s21;
	v10 =	vsub.f32 v2, v10;
	v15 =	vld.idx.msk [tilespmem:v15+s4+$0x0], $0xffff;
	v19 =	vcvt.f32.s32 v19;
	v20 =	vmin.f32 v20, $2.550000000e+02;
	v2 =	vmovc v14  }
0x278: {  	p0 =	slt.u32 s21, $0x78;
	v14 =	vmul.f32 $2.550000000e+02, v2;
	v20 =	vtrunc.f32 v20  }
0x279: {  	v10 =	vmul.f32 v10, v10;
	v12 =	vsub.f32 v3, v12;
	v16 =	vld.idx.msk [tilespmem:v16+s4+$0x0], $0xffff;
	v20 =	vcvt.f32.s32 v20;
	v3 =	vmovc v8  }
0x27a: {  	v23 =	vmul.f32 $2.550000000e+02, v9;
	v8 =	vmax.f32 v14, $0.0e+00;
	v14 =	vmul.f32 $2.550000000e+02, v3  }
0x27b: {  	v10 =	vadd.f32 v10, v13;
	v12 =	vmul.f32 v12, v12;
	v11 =	vsub.f32 v4, v11;
	v13 =	vld.idx.msk [tilespmem:v17+s4+$0x0], $0xffff  }
0x27c: {  	v8 =	vmin.f32 v8, $2.550000000e+02;
	v17 =	vmul.f32 $2.550000000e+02, v21;
	v4 =	vmovc v21;
	v14 =	vmax.f32 v14, $0.0e+00  }
0x27d: {  	v10 =	vadd.f32 v12, v10;
	v11 =	vmul.f32 v11, v11;
	v12 =	vsub.f32 v1, v15;
	v19 =	vld.idx.msk [tilespmem:v19+s4+$0x0], $0xffff  }
0x27e: {  	v8 =	vtrunc.f32 v8;
	v1 =	vmovc v9;
	v14 =	vmin.f32 v14, $2.550000000e+02;
	v15 =	vmax.f32 v17, $0.0e+00  }
0x27f: {  	v11 =	vadd.f32 v11, v10;
	v12 =	vmul.f32 v12, v12;
	v16 =	vsub.f32 v0, v16;
	v9 =	vld.idx.msk [tilespmem:v20+s4+$0x0], $0xffff  }
.Ltmp8:
0x280: {  	v10 =	vcvt.f32.s32 v8;
	v8 =	vtrunc.f32 v14;
	v14 =	vmin.f32 v15, $2.550000000e+02;
	v0 =	vmovc v18;
	(pc) =	sbr.rel @p0 .LBB2_19-.Ltmp8, $4  }
0x281: {  	v11 =	vadd.f32 v12, v11;
	v15 =	vmul.f32 v16, v16;
	v13 =	vsub.f32 v7, v13;
	v7 =	vld [tilespmem:s22+$0x10]  }
0x282: {  	v12 =	vcvt.f32.s32 v8;
	v8 =	vtrunc.f32 v14;
	v16 =	vmax.f32 v23, $0.0e+00  }
0x283: {  	v14 =	vadd.f32 v15, v11;
	v15 =	vmul.f32 v13, v13;
	v13 =	vsub.f32 v6, v19;
	v6 =	vld [tilespmem:s22+$0x20]  }
0x284: {  	v17 =	vmin.f32 v16, $2.550000000e+02;
	v16 =	vmax.f32 v22, $0.0e+00;
	v11 =	vcvt.f32.s32 v8;
	v8 =	vld [tilespmem:s22+$0x30];
	s22 =	sadd.s32 $0x400, s22  }
0x285: {  	_ =	sdelay $0x3  }
0x286: {  	v17 =	vtrunc.f32 v17;
	v14 =	vadd.f32 v15, v14;
	v10 =	vld.idx.msk [tilespmem:v10+s4+$0x0], $0xffff;
	v18 =	vmul.f32 $2.550000000e+02, v7  }
0x287: {  	v15 =	vmin.f32 v16, $2.550000000e+02;
	v13 =	vmul.f32 v13, v13;
	v16 =	vcvt.f32.s32 v17  }
0x288: {  	v12 =	vld.idx.msk [tilespmem:v12+s4+$0x0], $0xffff;
	v5 =	vsub.f32 v5, v9;
	v15 =	vtrunc.f32 v15;
	v17 =	vmax.f32 v18, $0.0e+00  }
0x289: {  	v15 =	vcvt.f32.s32 v15;
	v18 =	vmul.f32 $2.550000000e+02, v6;
	v17 =	vmin.f32 v17, $2.550000000e+02  }
0x28a: {  	v11 =	vld.idx.msk [tilespmem:v11+s4+$0x0], $0xffff;
	v13 =	vadd.f32 v13, v14;
	v5 =	vmul.f32 v5, v5;
	v9 =	vtrunc.f32 v17  }
0x28b: {  	v17 =	vmax.f32 v18, $0.0e+00;
	v2 =	vsub.f32 v2, v10;
	v9 =	vcvt.f32.s32 v9  }
0x28c: {  	v5 =	vadd.f32 v5, v13;
	v14 =	vmin.f32 v17, $2.550000000e+02  }
0x28d: {  	v3 =	vsub.f32 v3, v12;
	v14 =	vtrunc.f32 v14;
	v16 =	vld.idx.msk [tilespmem:v16+s4+$0x0], $0xffff;
	v2 =	vmul.f32 v2, v2  }
0x28e: {  	v10 =	vmul.f32 $2.550000000e+02, v8;
	v14 =	vcvt.f32.s32 v14  }
0x28f: {  	v4 =	vsub.f32 v4, v11;
	v3 =	vmul.f32 v3, v3;
	v12 =	vld.idx.msk [tilespmem:v15+s4+$0x0], $0xffff;
	v2 =	vadd.f32 v2, v5  }
0x290: {  	v13 =	vld [tilespmem:s20+$0xFFFFFFE0]  }
0x291: {  	v10 =	vmax.f32 v10, $0.0e+00;
	v2 =	vadd.f32 v3, v2;
	v3 =	vmul.f32 v4, v4;
	v9 =	vld.idx.msk [tilespmem:v9+s4+$0x0], $0xffff  }
0x292: {  	v5 =	vmin.f32 v10, $2.550000000e+02;
	v10 =	vld [tilespmem:s20+$0xFFFFFF90];
	v1 =	vsub.f32 v1, v16  }
0x293: {  	v11 =	vld [tilespmem:s20+$0xFFFFFFA0];
	v4 =	vtrunc.f32 v5;
	v2 =	vadd.f32 v3, v2  }
0x294: {  	v0 =	vsub.f32 v0, v12;
	v3 =	vcvt.f32.s32 v4;
	v5 =	vld.idx.msk [tilespmem:v14+s4+$0x0], $0xffff;
	v1 =	vmul.f32 v1, v1  }
0x295: {  	v12 =	vld [tilespmem:s20+$0xFFFFFFB0]  }
0x296: {  	v0 =	vmul.f32 v0, v0;
	v1 =	vadd.f32 v1, v2;
	v2 =	vsub.f32 v7, v9  }
0x297: {  	v4 =	vmul.f32 $2.550000000e+02, v10;
	v7 =	vld [tilespmem:s20+$0xFFFFFFC0]  }
0x298: {  	v19 =	vmul.f32 $2.550000000e+02, v13;
	v9 =	vld [tilespmem:s20+$0xFFFFFFD0];
	v0 =	vadd.f32 v0, v1;
	v1 =	vmul.f32 v2, v2  }
0x299: {  	v4 =	vmax.f32 v4, $0.0e+00;
	v2 =	vsub.f32 v6, v5;
	v5 =	vmul.f32 $2.550000000e+02, v11  }
0x29a: {  	v3 =	vld.idx.msk [tilespmem:v3+s4+$0x0], $0xffff;
	v6 =	vadd.f32 v1, v0;
	v0 =	vmin.f32 v4, $2.550000000e+02;
	v1 =	vmul.f32 $2.550000000e+02, v12  }
0x29b: {  	v5 =	vmax.f32 v5, $0.0e+00;
	v2 =	vmul.f32 v2, v2;
	v0 =	vtrunc.f32 v0  }
0x29c: {  	v4 =	vmul.f32 $2.550000000e+02, v7;
	v5 =	vmin.f32 v5, $2.550000000e+02;
	v14 =	vcvt.f32.s32 v0  }
0x29d: {  	v1 =	vmax.f32 v1, $0.0e+00;
	v0 =	vmul.f32 $2.550000000e+02, v9;
	v5 =	vtrunc.f32 v5  }
0x29e: {  	s31 =	simm.s32 $0x45F0;
	v16 =	vld [tilespmem:s20+$0xFFFFFFF0];
	v6 =	vadd.f32 v2, v6;
	v1 =	vmin.f32 v1, $2.550000000e+02;
	v15 =	vcvt.f32.s32 v5  }
0x29f: {  	v2 =	vld [tilespmem:s31+$0xFFFFFF90];
	v4 =	vmax.f32 v4, $0.0e+00;
	v3 =	vsub.f32 v8, v3;
	v1 =	vtrunc.f32 v1  }
0x2a0: {  	v5 =	vld [tilespmem:s20+$0x0];
	v17 =	vcvt.f32.s32 v1;
	v1 =	vmin.f32 v4, $2.550000000e+02;
	v4 =	vmax.f32 v0, $0.0e+00  }
0x2a1: {  	v0 =	vld [tilespmem:s31+$0xFFFFFFD0];
	v21 =	vmul.f32 v3, v3;
	v18 =	vtrunc.f32 v1;
	v4 =	vmin.f32 v4, $2.550000000e+02  }
0x2a2: {  	v8 =	vcvt.f32.s32 v18;
	v4 =	vtrunc.f32 v4;
	v14 =	vld.idx.msk [tilespmem:v14+s4+$0x0], $0xffff  }
0x2a3: {  	v3 =	vld [tilespmem:s31+$0xFFFFFFA0];
	v18 =	vmax.f32 v19, $0.0e+00;
	v19 =	vmul.f32 $2.550000000e+02, v16;
	v6 =	vadd.f32 v21, v6  }
0x2a4: {  	v58 =	vmul.f32 $2.550000000e+02, v2;
	v20 =	vcvt.f32.s32 v4;
	v4 =	vmin.f32 v18, $2.550000000e+02;
	v15 =	vld.idx.msk [tilespmem:v15+s4+$0x0], $0xffff  }
0x2a5: {  	v1 =	vld [tilespmem:s31+$0xFFFFFFC0];
	v4 =	vtrunc.f32 v4;
	v18 =	vmax.f32 v19, $0.0e+00;
	v19 =	vmul.f32 $2.550000000e+02, v5  }
0x2a6: {  	v22 =	vcvt.f32.s32 v4;
	v4 =	vmin.f32 v18, $2.550000000e+02;
	v18 =	vmul.f32 $2.550000000e+02, v0;
	v17 =	vld.idx.msk [tilespmem:v17+s4+$0x0], $0xffff  }
0x2a7: {  	v23 =	vtrunc.f32 v4;
	v19 =	vmax.f32 v19, $0.0e+00;
	v4 =	vld [tilespmem:s31+$0xFFFFFFB0];
	v10 =	vsub.f32 v10, v14  }
0x2a8: {  	v60 =	vmul.f32 $2.550000000e+02, v3;
	v19 =	vmin.f32 v19, $2.550000000e+02;
	v14 =	vcvt.f32.s32 v23;
	v8 =	vld.idx.msk [tilespmem:v8+s4+$0x0], $0xffff  }
0x2a9: {  	v19 =	vtrunc.f32 v19;
	v11 =	vsub.f32 v11, v15;
	v10 =	vmul.f32 v10, v10  }
0x2aa: {  	v59 =	vmax.f32 v58, $0.0e+00;
	v61 =	vmul.f32 $2.550000000e+02, v1;
	v15 =	vcvt.f32.s32 v19;
	v19 =	vld.idx.msk [tilespmem:v20+s4+$0x0], $0xffff  }
0x2ab: {  	v6 =	vadd.f32 v10, v6;
	v10 =	vmul.f32 v11, v11;
	v11 =	vsub.f32 v12, v17  }
0x2ac: {  	v62 =	vmax.f32 v60, $0.0e+00;
	v63 =	vmul.f32 $2.550000000e+02, v4;
	v12 =	vld.idx.msk [tilespmem:v22+s4+$0x0], $0xffff;
	v17 =	vmin.f32 v59, $2.550000000e+02  }
0x2ad: {  	v7 =	vsub.f32 v7, v8;
	v6 =	vadd.f32 v10, v6;
	v10 =	vmul.f32 v11, v11  }
0x2ae: {  	v8 =	vld.idx.msk [tilespmem:v14+s4+$0x0], $0xffff;
	v11 =	vtrunc.f32 v17;
	v14 =	vmin.f32 v62, $2.550000000e+02;
	v17 =	vmax.f32 v63, $0.0e+00  }
0x2af: {  	v19 =	vsub.f32 v9, v19;
	v7 =	vmul.f32 v7, v7;
	v6 =	vadd.f32 v10, v6  }
0x2b0: {  	v9 =	vld.idx.msk [tilespmem:v15+s4+$0x0], $0xffff;
	v10 =	vcvt.f32.s32 v11;
	v11 =	vtrunc.f32 v14;
	v14 =	vmin.f32 v17, $2.550000000e+02  }
0x2b1: {  	v17 =	vmul.f32 v19, v19;
	v13 =	vsub.f32 v13, v12;
	v15 =	vadd.f32 v7, v6;
	v7 =	vld [tilespmem:s31+$0xFFFFFFE0]  }
0x2b2: {  	v19 =	vmax.f32 v61, $0.0e+00;
	v12 =	vcvt.f32.s32 v11;
	v11 =	vtrunc.f32 v14  }
0x2b3: {  	v6 =	vld [tilespmem:s31+$0xFFFFFFF0];
	v14 =	vadd.f32 v17, v15;
	v15 =	vmul.f32 v13, v13;
	v13 =	vsub.f32 v16, v8  }
0x2b4: {  	s21 =	simm.s32 $0x8;
	s22 =	simm.s32 $0x49F0;
	v11 =	vcvt.f32.s32 v11;
	v17 =	vmin.f32 v19, $2.550000000e+02;
	v16 =	vmax.f32 v18, $0.0e+00;
	v8 =	vld [tilespmem:s31+$0x0]  }
.LBB2_21:
0x2b5: {  	v18 =	vld [tilespmem:s22+$0xFFFFFFD0];
	v14 =	vadd.f32 v15, v14;
	v13 =	vmul.f32 v13, v13;
	v5 =	vsub.f32 v5, v9  }
0x2b6: {  	v15 =	vtrunc.f32 v17;
	v16 =	vmin.f32 v16, $2.550000000e+02;
	v9 =	vld [tilespmem:s22+$0xFFFFFFC0];
	v17 =	vmul.f32 $2.550000000e+02, v7  }
0x2b7: {  	v15 =	vcvt.f32.s32 v15;
	v10 =	vld.idx.msk [tilespmem:v10+s4+$0x0], $0xffff;
	v13 =	vadd.f32 v13, v14;
	v20 =	vmul.f32 v5, v5  }
0x2b8: {  	v16 =	vtrunc.f32 v16;
	v14 =	vld [tilespmem:s22+$0xFFFFFF90];
	v17 =	vmax.f32 v17, $0.0e+00;
	v19 =	vmul.f32 $2.550000000e+02, v6  }
0x2b9: {  	s20 =	simm.s32 $0x4270;
	v16 =	vcvt.f32.s32 v16;
	v12 =	vld.idx.msk [tilespmem:v12+s4+$0x0], $0xffff;
	v17 =	vmin.f32 v17, $2.550000000e+02;
	v13 =	vadd.f32 v20, v13;
	v5 =	vmovc v8  }
0x2ba: {  	v8 =	vld [tilespmem:s22+$0xFFFFFFA0];
	v17 =	vtrunc.f32 v17;
	v19 =	vmax.f32 v19, $0.0e+00;
	v20 =	vmul.f32 $2.550000000e+02, v5  }
0x2bb: {  	v11 =	vld.idx.msk [tilespmem:v11+s4+$0x0], $0xffff;
	v17 =	vcvt.f32.s32 v17;
	v19 =	vmin.f32 v19, $2.550000000e+02  }
0x2bc: {  	v22 =	vmul.f32 $2.550000000e+02, v18;
	v21 =	vld [tilespmem:s22+$0xFFFFFFB0];
	v19 =	vtrunc.f32 v19;
	v20 =	vmax.f32 v20, $0.0e+00  }
0x2bd: {  	s21 =	sadd.s32 $0x8, s21;
	v10 =	vsub.f32 v2, v10;
	v15 =	vld.idx.msk [tilespmem:v15+s4+$0x0], $0xffff;
	v19 =	vcvt.f32.s32 v19;
	v20 =	vmin.f32 v20, $2.550000000e+02;
	v2 =	vmovc v14  }
0x2be: {  	p0 =	slt.u32 s21, $0x78;
	v14 =	vmul.f32 $2.550000000e+02, v2;
	v20 =	vtrunc.f32 v20  }
0x2bf: {  	v10 =	vmul.f32 v10, v10;
	v12 =	vsub.f32 v3, v12;
	v16 =	vld.idx.msk [tilespmem:v16+s4+$0x0], $0xffff;
	v20 =	vcvt.f32.s32 v20;
	v3 =	vmovc v8  }
0x2c0: {  	v23 =	vmul.f32 $2.550000000e+02, v9;
	v8 =	vmax.f32 v14, $0.0e+00;
	v14 =	vmul.f32 $2.550000000e+02, v3  }
0x2c1: {  	v10 =	vadd.f32 v10, v13;
	v12 =	vmul.f32 v12, v12;
	v11 =	vsub.f32 v4, v11;
	v13 =	vld.idx.msk [tilespmem:v17+s4+$0x0], $0xffff  }
0x2c2: {  	v8 =	vmin.f32 v8, $2.550000000e+02;
	v17 =	vmul.f32 $2.550000000e+02, v21;
	v4 =	vmovc v21;
	v14 =	vmax.f32 v14, $0.0e+00  }
0x2c3: {  	v10 =	vadd.f32 v12, v10;
	v11 =	vmul.f32 v11, v11;
	v12 =	vsub.f32 v1, v15;
	v19 =	vld.idx.msk [tilespmem:v19+s4+$0x0], $0xffff  }
0x2c4: {  	v8 =	vtrunc.f32 v8;
	v1 =	vmovc v9;
	v14 =	vmin.f32 v14, $2.550000000e+02;
	v15 =	vmax.f32 v17, $0.0e+00  }
0x2c5: {  	v11 =	vadd.f32 v11, v10;
	v12 =	vmul.f32 v12, v12;
	v16 =	vsub.f32 v0, v16;
	v9 =	vld.idx.msk [tilespmem:v20+s4+$0x0], $0xffff  }
.Ltmp9:
0x2c6: {  	v10 =	vcvt.f32.s32 v8;
	v8 =	vtrunc.f32 v14;
	v14 =	vmin.f32 v15, $2.550000000e+02;
	v0 =	vmovc v18;
	(pc) =	sbr.rel @p0 .LBB2_21-.Ltmp9, $4  }
0x2c7: {  	v11 =	vadd.f32 v12, v11;
	v15 =	vmul.f32 v16, v16;
	v13 =	vsub.f32 v7, v13;
	v7 =	vld [tilespmem:s22+$0xFFFFFFE0]  }
0x2c8: {  	v12 =	vcvt.f32.s32 v8;
	v8 =	vtrunc.f32 v14;
	v16 =	vmax.f32 v23, $0.0e+00  }
0x2c9: {  	v14 =	vadd.f32 v15, v11;
	v15 =	vmul.f32 v13, v13;
	v13 =	vsub.f32 v6, v19;
	v6 =	vld [tilespmem:s22+$0xFFFFFFF0]  }
0x2ca: {  	v17 =	vmin.f32 v16, $2.550000000e+02;
	v16 =	vmax.f32 v22, $0.0e+00;
	v11 =	vcvt.f32.s32 v8;
	v8 =	vld [tilespmem:s22+$0x0];
	s22 =	sadd.s32 $0x400, s22  }
0x2cb: {  	_ =	sdelay $0x3  }
0x2cc: {  	v17 =	vtrunc.f32 v17;
	v14 =	vadd.f32 v15, v14;
	v10 =	vld.idx.msk [tilespmem:v10+s4+$0x0], $0xffff;
	v18 =	vmul.f32 $2.550000000e+02, v7  }
0x2cd: {  	v15 =	vmin.f32 v16, $2.550000000e+02;
	v13 =	vmul.f32 v13, v13;
	v16 =	vcvt.f32.s32 v17  }
0x2ce: {  	v12 =	vld.idx.msk [tilespmem:v12+s4+$0x0], $0xffff;
	v5 =	vsub.f32 v5, v9;
	v15 =	vtrunc.f32 v15;
	v17 =	vmax.f32 v18, $0.0e+00  }
0x2cf: {  	v15 =	vcvt.f32.s32 v15;
	v18 =	vmul.f32 $2.550000000e+02, v6;
	v17 =	vmin.f32 v17, $2.550000000e+02  }
0x2d0: {  	v11 =	vld.idx.msk [tilespmem:v11+s4+$0x0], $0xffff;
	v13 =	vadd.f32 v13, v14;
	v5 =	vmul.f32 v5, v5;
	v9 =	vtrunc.f32 v17  }
0x2d1: {  	v17 =	vmax.f32 v18, $0.0e+00;
	v2 =	vsub.f32 v2, v10;
	v9 =	vcvt.f32.s32 v9  }
0x2d2: {  	v5 =	vadd.f32 v5, v13;
	v14 =	vmin.f32 v17, $2.550000000e+02  }
0x2d3: {  	v3 =	vsub.f32 v3, v12;
	v14 =	vtrunc.f32 v14;
	v16 =	vld.idx.msk [tilespmem:v16+s4+$0x0], $0xffff;
	v2 =	vmul.f32 v2, v2  }
0x2d4: {  	v10 =	vmul.f32 $2.550000000e+02, v8;
	v14 =	vcvt.f32.s32 v14  }
0x2d5: {  	v4 =	vsub.f32 v4, v11;
	v3 =	vmul.f32 v3, v3;
	v12 =	vld.idx.msk [tilespmem:v15+s4+$0x0], $0xffff;
	v2 =	vadd.f32 v2, v5  }
0x2d6: {  	v13 =	vld [tilespmem:s20+$0xFFFFFFE0]  }
0x2d7: {  	v10 =	vmax.f32 v10, $0.0e+00;
	v2 =	vadd.f32 v3, v2;
	v3 =	vmul.f32 v4, v4;
	v9 =	vld.idx.msk [tilespmem:v9+s4+$0x0], $0xffff  }
0x2d8: {  	v5 =	vmin.f32 v10, $2.550000000e+02;
	v10 =	vld [tilespmem:s20+$0xFFFFFF90];
	v1 =	vsub.f32 v1, v16  }
0x2d9: {  	v11 =	vld [tilespmem:s20+$0xFFFFFFA0];
	v4 =	vtrunc.f32 v5;
	v2 =	vadd.f32 v3, v2  }
0x2da: {  	v0 =	vsub.f32 v0, v12;
	v3 =	vcvt.f32.s32 v4;
	v5 =	vld.idx.msk [tilespmem:v14+s4+$0x0], $0xffff;
	v1 =	vmul.f32 v1, v1  }
0x2db: {  	v12 =	vld [tilespmem:s20+$0xFFFFFFB0]  }
0x2dc: {  	v0 =	vmul.f32 v0, v0;
	v1 =	vadd.f32 v1, v2;
	v2 =	vsub.f32 v7, v9  }
0x2dd: {  	v4 =	vmul.f32 $2.550000000e+02, v10;
	v7 =	vld [tilespmem:s20+$0xFFFFFFC0]  }
0x2de: {  	v19 =	vmul.f32 $2.550000000e+02, v13;
	v9 =	vld [tilespmem:s20+$0xFFFFFFD0];
	v0 =	vadd.f32 v0, v1;
	v1 =	vmul.f32 v2, v2  }
0x2df: {  	v4 =	vmax.f32 v4, $0.0e+00;
	v2 =	vsub.f32 v6, v5;
	v5 =	vmul.f32 $2.550000000e+02, v11  }
0x2e0: {  	v3 =	vld.idx.msk [tilespmem:v3+s4+$0x0], $0xffff;
	v6 =	vadd.f32 v1, v0;
	v0 =	vmin.f32 v4, $2.550000000e+02;
	v1 =	vmul.f32 $2.550000000e+02, v12  }
0x2e1: {  	v5 =	vmax.f32 v5, $0.0e+00;
	v2 =	vmul.f32 v2, v2;
	v0 =	vtrunc.f32 v0  }
0x2e2: {  	v4 =	vmul.f32 $2.550000000e+02, v7;
	v5 =	vmin.f32 v5, $2.550000000e+02;
	v14 =	vcvt.f32.s32 v0  }
0x2e3: {  	v1 =	vmax.f32 v1, $0.0e+00;
	v0 =	vmul.f32 $2.550000000e+02, v9;
	v5 =	vtrunc.f32 v5  }
0x2e4: {  	s31 =	simm.s32 $0x4670;
	v16 =	vld [tilespmem:s20+$0xFFFFFFF0];
	v6 =	vadd.f32 v2, v6;
	v1 =	vmin.f32 v1, $2.550000000e+02;
	v15 =	vcvt.f32.s32 v5  }
0x2e5: {  	v2 =	vld [tilespmem:s31+$0xFFFFFF90];
	v4 =	vmax.f32 v4, $0.0e+00;
	v3 =	vsub.f32 v8, v3;
	v1 =	vtrunc.f32 v1  }
0x2e6: {  	v5 =	vld [tilespmem:s20+$0x0];
	v17 =	vcvt.f32.s32 v1;
	v1 =	vmin.f32 v4, $2.550000000e+02;
	v4 =	vmax.f32 v0, $0.0e+00  }
0x2e7: {  	v0 =	vld [tilespmem:s31+$0xFFFFFFD0];
	v21 =	vmul.f32 v3, v3;
	v18 =	vtrunc.f32 v1;
	v4 =	vmin.f32 v4, $2.550000000e+02  }
0x2e8: {  	v8 =	vcvt.f32.s32 v18;
	v4 =	vtrunc.f32 v4;
	v14 =	vld.idx.msk [tilespmem:v14+s4+$0x0], $0xffff  }
0x2e9: {  	v3 =	vld [tilespmem:s31+$0xFFFFFFA0];
	v18 =	vmax.f32 v19, $0.0e+00;
	v19 =	vmul.f32 $2.550000000e+02, v16;
	v6 =	vadd.f32 v21, v6  }
0x2ea: {  	v58 =	vmul.f32 $2.550000000e+02, v2;
	v20 =	vcvt.f32.s32 v4;
	v4 =	vmin.f32 v18, $2.550000000e+02;
	v15 =	vld.idx.msk [tilespmem:v15+s4+$0x0], $0xffff  }
0x2eb: {  	v1 =	vld [tilespmem:s31+$0xFFFFFFC0];
	v4 =	vtrunc.f32 v4;
	v18 =	vmax.f32 v19, $0.0e+00;
	v19 =	vmul.f32 $2.550000000e+02, v5  }
0x2ec: {  	v22 =	vcvt.f32.s32 v4;
	v4 =	vmin.f32 v18, $2.550000000e+02;
	v18 =	vmul.f32 $2.550000000e+02, v0;
	v17 =	vld.idx.msk [tilespmem:v17+s4+$0x0], $0xffff  }
0x2ed: {  	v23 =	vtrunc.f32 v4;
	v19 =	vmax.f32 v19, $0.0e+00;
	v4 =	vld [tilespmem:s31+$0xFFFFFFB0];
	v10 =	vsub.f32 v10, v14  }
0x2ee: {  	v60 =	vmul.f32 $2.550000000e+02, v3;
	v19 =	vmin.f32 v19, $2.550000000e+02;
	v14 =	vcvt.f32.s32 v23;
	v8 =	vld.idx.msk [tilespmem:v8+s4+$0x0], $0xffff  }
0x2ef: {  	v19 =	vtrunc.f32 v19;
	v11 =	vsub.f32 v11, v15;
	v10 =	vmul.f32 v10, v10  }
0x2f0: {  	v59 =	vmax.f32 v58, $0.0e+00;
	v61 =	vmul.f32 $2.550000000e+02, v1;
	v15 =	vcvt.f32.s32 v19;
	v19 =	vld.idx.msk [tilespmem:v20+s4+$0x0], $0xffff  }
0x2f1: {  	v6 =	vadd.f32 v10, v6;
	v10 =	vmul.f32 v11, v11;
	v11 =	vsub.f32 v12, v17  }
0x2f2: {  	v62 =	vmax.f32 v60, $0.0e+00;
	v63 =	vmul.f32 $2.550000000e+02, v4;
	v12 =	vld.idx.msk [tilespmem:v22+s4+$0x0], $0xffff;
	v17 =	vmin.f32 v59, $2.550000000e+02  }
0x2f3: {  	v7 =	vsub.f32 v7, v8;
	v6 =	vadd.f32 v10, v6;
	v10 =	vmul.f32 v11, v11  }
0x2f4: {  	v8 =	vld.idx.msk [tilespmem:v14+s4+$0x0], $0xffff;
	v11 =	vtrunc.f32 v17;
	v14 =	vmin.f32 v62, $2.550000000e+02;
	v17 =	vmax.f32 v63, $0.0e+00  }
0x2f5: {  	v19 =	vsub.f32 v9, v19;
	v7 =	vmul.f32 v7, v7;
	v6 =	vadd.f32 v10, v6  }
0x2f6: {  	v9 =	vld.idx.msk [tilespmem:v15+s4+$0x0], $0xffff;
	v10 =	vcvt.f32.s32 v11;
	v11 =	vtrunc.f32 v14;
	v14 =	vmin.f32 v17, $2.550000000e+02  }
0x2f7: {  	v17 =	vmul.f32 v19, v19;
	v13 =	vsub.f32 v13, v12;
	v15 =	vadd.f32 v7, v6;
	v7 =	vld [tilespmem:s31+$0xFFFFFFE0]  }
0x2f8: {  	v19 =	vmax.f32 v61, $0.0e+00;
	v12 =	vcvt.f32.s32 v11;
	v11 =	vtrunc.f32 v14  }
0x2f9: {  	v6 =	vld [tilespmem:s31+$0xFFFFFFF0];
	v14 =	vadd.f32 v17, v15;
	v15 =	vmul.f32 v13, v13;
	v13 =	vsub.f32 v16, v8  }
0x2fa: {  	s21 =	simm.s32 $0x8;
	s22 =	simm.s32 $0x4A70;
	v11 =	vcvt.f32.s32 v11;
	v17 =	vmin.f32 v19, $2.550000000e+02;
	v16 =	vmax.f32 v18, $0.0e+00;
	v8 =	vld [tilespmem:s31+$0x0]  }
.LBB2_23:
0x2fb: {  	v18 =	vld [tilespmem:s22+$0xFFFFFFD0];
	v14 =	vadd.f32 v15, v14;
	v13 =	vmul.f32 v13, v13;
	v5 =	vsub.f32 v5, v9  }
0x2fc: {  	v15 =	vtrunc.f32 v17;
	v16 =	vmin.f32 v16, $2.550000000e+02;
	v9 =	vld [tilespmem:s22+$0xFFFFFFC0];
	v17 =	vmul.f32 $2.550000000e+02, v7  }
0x2fd: {  	v15 =	vcvt.f32.s32 v15;
	v10 =	vld.idx.msk [tilespmem:v10+s4+$0x0], $0xffff;
	v13 =	vadd.f32 v13, v14;
	v20 =	vmul.f32 v5, v5  }
0x2fe: {  	v16 =	vtrunc.f32 v16;
	v14 =	vld [tilespmem:s22+$0xFFFFFF90];
	v17 =	vmax.f32 v17, $0.0e+00;
	v19 =	vmul.f32 $2.550000000e+02, v6  }
0x2ff: {  	s20 =	simm.s32 $0x42F0;
	v16 =	vcvt.f32.s32 v16;
	v12 =	vld.idx.msk [tilespmem:v12+s4+$0x0], $0xffff;
	v17 =	vmin.f32 v17, $2.550000000e+02;
	v13 =	vadd.f32 v20, v13;
	v5 =	vmovc v8  }
0x300: {  	v8 =	vld [tilespmem:s22+$0xFFFFFFA0];
	v17 =	vtrunc.f32 v17;
	v19 =	vmax.f32 v19, $0.0e+00;
	v20 =	vmul.f32 $2.550000000e+02, v5  }
0x301: {  	v11 =	vld.idx.msk [tilespmem:v11+s4+$0x0], $0xffff;
	v17 =	vcvt.f32.s32 v17;
	v19 =	vmin.f32 v19, $2.550000000e+02  }
0x302: {  	v22 =	vmul.f32 $2.550000000e+02, v18;
	v21 =	vld [tilespmem:s22+$0xFFFFFFB0];
	v19 =	vtrunc.f32 v19;
	v20 =	vmax.f32 v20, $0.0e+00  }
0x303: {  	s21 =	sadd.s32 $0x8, s21;
	v10 =	vsub.f32 v2, v10;
	v15 =	vld.idx.msk [tilespmem:v15+s4+$0x0], $0xffff;
	v19 =	vcvt.f32.s32 v19;
	v20 =	vmin.f32 v20, $2.550000000e+02;
	v2 =	vmovc v14  }
0x304: {  	p0 =	slt.u32 s21, $0x78;
	v14 =	vmul.f32 $2.550000000e+02, v2;
	v20 =	vtrunc.f32 v20  }
0x305: {  	v10 =	vmul.f32 v10, v10;
	v12 =	vsub.f32 v3, v12;
	v16 =	vld.idx.msk [tilespmem:v16+s4+$0x0], $0xffff;
	v20 =	vcvt.f32.s32 v20;
	v3 =	vmovc v8  }
0x306: {  	v23 =	vmul.f32 $2.550000000e+02, v9;
	v8 =	vmax.f32 v14, $0.0e+00;
	v14 =	vmul.f32 $2.550000000e+02, v3  }
0x307: {  	v10 =	vadd.f32 v10, v13;
	v12 =	vmul.f32 v12, v12;
	v11 =	vsub.f32 v4, v11;
	v13 =	vld.idx.msk [tilespmem:v17+s4+$0x0], $0xffff  }
0x308: {  	v8 =	vmin.f32 v8, $2.550000000e+02;
	v17 =	vmul.f32 $2.550000000e+02, v21;
	v4 =	vmovc v21;
	v14 =	vmax.f32 v14, $0.0e+00  }
0x309: {  	v10 =	vadd.f32 v12, v10;
	v11 =	vmul.f32 v11, v11;
	v12 =	vsub.f32 v1, v15;
	v19 =	vld.idx.msk [tilespmem:v19+s4+$0x0], $0xffff  }
0x30a: {  	v8 =	vtrunc.f32 v8;
	v1 =	vmovc v9;
	v14 =	vmin.f32 v14, $2.550000000e+02;
	v15 =	vmax.f32 v17, $0.0e+00  }
0x30b: {  	v11 =	vadd.f32 v11, v10;
	v12 =	vmul.f32 v12, v12;
	v16 =	vsub.f32 v0, v16;
	v9 =	vld.idx.msk [tilespmem:v20+s4+$0x0], $0xffff  }
.Ltmp10:
0x30c: {  	v10 =	vcvt.f32.s32 v8;
	v8 =	vtrunc.f32 v14;
	v14 =	vmin.f32 v15, $2.550000000e+02;
	v0 =	vmovc v18;
	(pc) =	sbr.rel @p0 .LBB2_23-.Ltmp10, $4  }
0x30d: {  	v11 =	vadd.f32 v12, v11;
	v15 =	vmul.f32 v16, v16;
	v13 =	vsub.f32 v7, v13;
	v7 =	vld [tilespmem:s22+$0xFFFFFFE0]  }
0x30e: {  	v12 =	vcvt.f32.s32 v8;
	v8 =	vtrunc.f32 v14;
	v16 =	vmax.f32 v23, $0.0e+00  }
0x30f: {  	v14 =	vadd.f32 v15, v11;
	v15 =	vmul.f32 v13, v13;
	v13 =	vsub.f32 v6, v19;
	v6 =	vld [tilespmem:s22+$0xFFFFFFF0]  }
0x310: {  	v17 =	vmin.f32 v16, $2.550000000e+02;
	v16 =	vmax.f32 v22, $0.0e+00;
	v11 =	vcvt.f32.s32 v8;
	v8 =	vld [tilespmem:s22+$0x0];
	s22 =	sadd.s32 $0x400, s22  }
0x311: {  	_ =	sdelay $0x3  }
0x312: {  	v17 =	vtrunc.f32 v17;
	v14 =	vadd.f32 v15, v14;
	v10 =	vld.idx.msk [tilespmem:v10+s4+$0x0], $0xffff;
	v18 =	vmul.f32 $2.550000000e+02, v7  }
0x313: {  	v15 =	vmin.f32 v16, $2.550000000e+02;
	v13 =	vmul.f32 v13, v13;
	v16 =	vcvt.f32.s32 v17  }
0x314: {  	v12 =	vld.idx.msk [tilespmem:v12+s4+$0x0], $0xffff;
	v5 =	vsub.f32 v5, v9;
	v15 =	vtrunc.f32 v15;
	v17 =	vmax.f32 v18, $0.0e+00  }
0x315: {  	v15 =	vcvt.f32.s32 v15;
	v18 =	vmul.f32 $2.550000000e+02, v6;
	v17 =	vmin.f32 v17, $2.550000000e+02  }
0x316: {  	v11 =	vld.idx.msk [tilespmem:v11+s4+$0x0], $0xffff;
	v13 =	vadd.f32 v13, v14;
	v5 =	vmul.f32 v5, v5;
	v9 =	vtrunc.f32 v17  }
0x317: {  	v17 =	vmax.f32 v18, $0.0e+00;
	v2 =	vsub.f32 v2, v10;
	v9 =	vcvt.f32.s32 v9  }
0x318: {  	v5 =	vadd.f32 v5, v13;
	v14 =	vmin.f32 v17, $2.550000000e+02  }
0x319: {  	v3 =	vsub.f32 v3, v12;
	v14 =	vtrunc.f32 v14;
	v16 =	vld.idx.msk [tilespmem:v16+s4+$0x0], $0xffff;
	v2 =	vmul.f32 v2, v2  }
0x31a: {  	v10 =	vmul.f32 $2.550000000e+02, v8;
	v14 =	vcvt.f32.s32 v14  }
0x31b: {  	v4 =	vsub.f32 v4, v11;
	v3 =	vmul.f32 v3, v3;
	v12 =	vld.idx.msk [tilespmem:v15+s4+$0x0], $0xffff;
	v2 =	vadd.f32 v2, v5  }
0x31c: {  	v13 =	vld [tilespmem:s20+$0xFFFFFFE0]  }
0x31d: {  	v10 =	vmax.f32 v10, $0.0e+00;
	v2 =	vadd.f32 v3, v2;
	v3 =	vmul.f32 v4, v4;
	v9 =	vld.idx.msk [tilespmem:v9+s4+$0x0], $0xffff  }
0x31e: {  	v5 =	vmin.f32 v10, $2.550000000e+02;
	v10 =	vld [tilespmem:s20+$0xFFFFFF90];
	v1 =	vsub.f32 v1, v16  }
0x31f: {  	v11 =	vld [tilespmem:s20+$0xFFFFFFA0];
	v4 =	vtrunc.f32 v5;
	v2 =	vadd.f32 v3, v2  }
0x320: {  	v0 =	vsub.f32 v0, v12;
	v3 =	vcvt.f32.s32 v4;
	v5 =	vld.idx.msk [tilespmem:v14+s4+$0x0], $0xffff;
	v1 =	vmul.f32 v1, v1  }
0x321: {  	v12 =	vld [tilespmem:s20+$0xFFFFFFB0]  }
0x322: {  	v0 =	vmul.f32 v0, v0;
	v1 =	vadd.f32 v1, v2;
	v2 =	vsub.f32 v7, v9  }
0x323: {  	v4 =	vmul.f32 $2.550000000e+02, v10;
	v7 =	vld [tilespmem:s20+$0xFFFFFFC0]  }
0x324: {  	v19 =	vmul.f32 $2.550000000e+02, v13;
	v9 =	vld [tilespmem:s20+$0xFFFFFFD0];
	v0 =	vadd.f32 v0, v1;
	v1 =	vmul.f32 v2, v2  }
0x325: {  	v4 =	vmax.f32 v4, $0.0e+00;
	v2 =	vsub.f32 v6, v5;
	v5 =	vmul.f32 $2.550000000e+02, v11  }
0x326: {  	v3 =	vld.idx.msk [tilespmem:v3+s4+$0x0], $0xffff;
	v6 =	vadd.f32 v1, v0;
	v0 =	vmin.f32 v4, $2.550000000e+02;
	v1 =	vmul.f32 $2.550000000e+02, v12  }
0x327: {  	v5 =	vmax.f32 v5, $0.0e+00;
	v2 =	vmul.f32 v2, v2;
	v0 =	vtrunc.f32 v0  }
0x328: {  	v4 =	vmul.f32 $2.550000000e+02, v7;
	v5 =	vmin.f32 v5, $2.550000000e+02;
	v14 =	vcvt.f32.s32 v0  }
0x329: {  	v1 =	vmax.f32 v1, $0.0e+00;
	v0 =	vmul.f32 $2.550000000e+02, v9;
	v5 =	vtrunc.f32 v5  }
0x32a: {  	s31 =	simm.s32 $0x46F0;
	v16 =	vld [tilespmem:s20+$0xFFFFFFF0];
	v6 =	vadd.f32 v2, v6;
	v1 =	vmin.f32 v1, $2.550000000e+02;
	v15 =	vcvt.f32.s32 v5  }
0x32b: {  	v2 =	vld [tilespmem:s31+$0xFFFFFF90];
	v4 =	vmax.f32 v4, $0.0e+00;
	v3 =	vsub.f32 v8, v3;
	v1 =	vtrunc.f32 v1  }
0x32c: {  	v5 =	vld [tilespmem:s20+$0x0];
	v17 =	vcvt.f32.s32 v1;
	v1 =	vmin.f32 v4, $2.550000000e+02;
	v4 =	vmax.f32 v0, $0.0e+00  }
0x32d: {  	v0 =	vld [tilespmem:s31+$0xFFFFFFD0];
	v21 =	vmul.f32 v3, v3;
	v18 =	vtrunc.f32 v1;
	v4 =	vmin.f32 v4, $2.550000000e+02  }
0x32e: {  	v8 =	vcvt.f32.s32 v18;
	v4 =	vtrunc.f32 v4;
	v14 =	vld.idx.msk [tilespmem:v14+s4+$0x0], $0xffff  }
0x32f: {  	v3 =	vld [tilespmem:s31+$0xFFFFFFA0];
	v18 =	vmax.f32 v19, $0.0e+00;
	v19 =	vmul.f32 $2.550000000e+02, v16;
	v6 =	vadd.f32 v21, v6  }
0x330: {  	v58 =	vmul.f32 $2.550000000e+02, v2;
	v20 =	vcvt.f32.s32 v4;
	v4 =	vmin.f32 v18, $2.550000000e+02;
	v15 =	vld.idx.msk [tilespmem:v15+s4+$0x0], $0xffff  }
0x331: {  	v1 =	vld [tilespmem:s31+$0xFFFFFFC0];
	v4 =	vtrunc.f32 v4;
	v18 =	vmax.f32 v19, $0.0e+00;
	v19 =	vmul.f32 $2.550000000e+02, v5  }
0x332: {  	v22 =	vcvt.f32.s32 v4;
	v4 =	vmin.f32 v18, $2.550000000e+02;
	v18 =	vmul.f32 $2.550000000e+02, v0;
	v17 =	vld.idx.msk [tilespmem:v17+s4+$0x0], $0xffff  }
0x333: {  	v23 =	vtrunc.f32 v4;
	v19 =	vmax.f32 v19, $0.0e+00;
	v4 =	vld [tilespmem:s31+$0xFFFFFFB0];
	v10 =	vsub.f32 v10, v14  }
0x334: {  	v60 =	vmul.f32 $2.550000000e+02, v3;
	v19 =	vmin.f32 v19, $2.550000000e+02;
	v14 =	vcvt.f32.s32 v23;
	v8 =	vld.idx.msk [tilespmem:v8+s4+$0x0], $0xffff  }
0x335: {  	v19 =	vtrunc.f32 v19;
	v11 =	vsub.f32 v11, v15;
	v10 =	vmul.f32 v10, v10  }
0x336: {  	v59 =	vmax.f32 v58, $0.0e+00;
	v61 =	vmul.f32 $2.550000000e+02, v1;
	v15 =	vcvt.f32.s32 v19;
	v19 =	vld.idx.msk [tilespmem:v20+s4+$0x0], $0xffff  }
0x337: {  	v6 =	vadd.f32 v10, v6;
	v10 =	vmul.f32 v11, v11;
	v11 =	vsub.f32 v12, v17  }
0x338: {  	v62 =	vmax.f32 v60, $0.0e+00;
	v63 =	vmul.f32 $2.550000000e+02, v4;
	v12 =	vld.idx.msk [tilespmem:v22+s4+$0x0], $0xffff;
	v17 =	vmin.f32 v59, $2.550000000e+02  }
0x339: {  	v7 =	vsub.f32 v7, v8;
	v6 =	vadd.f32 v10, v6;
	v10 =	vmul.f32 v11, v11  }
0x33a: {  	v8 =	vld.idx.msk [tilespmem:v14+s4+$0x0], $0xffff;
	v11 =	vtrunc.f32 v17;
	v14 =	vmin.f32 v62, $2.550000000e+02;
	v17 =	vmax.f32 v63, $0.0e+00  }
0x33b: {  	v19 =	vsub.f32 v9, v19;
	v7 =	vmul.f32 v7, v7;
	v6 =	vadd.f32 v10, v6  }
0x33c: {  	v9 =	vld.idx.msk [tilespmem:v15+s4+$0x0], $0xffff;
	v10 =	vcvt.f32.s32 v11;
	v11 =	vtrunc.f32 v14;
	v14 =	vmin.f32 v17, $2.550000000e+02  }
0x33d: {  	v17 =	vmul.f32 v19, v19;
	v13 =	vsub.f32 v13, v12;
	v15 =	vadd.f32 v7, v6;
	v7 =	vld [tilespmem:s31+$0xFFFFFFE0]  }
0x33e: {  	v19 =	vmax.f32 v61, $0.0e+00;
	v12 =	vcvt.f32.s32 v11;
	v11 =	vtrunc.f32 v14  }
0x33f: {  	v6 =	vld [tilespmem:s31+$0xFFFFFFF0];
	v14 =	vadd.f32 v17, v15;
	v15 =	vmul.f32 v13, v13;
	v13 =	vsub.f32 v16, v8  }
0x340: {  	s21 =	simm.s32 $0x8;
	s22 =	simm.s32 $0x4AF0;
	v11 =	vcvt.f32.s32 v11;
	v17 =	vmin.f32 v19, $2.550000000e+02;
	v16 =	vmax.f32 v18, $0.0e+00;
	v8 =	vld [tilespmem:s31+$0x0]  }
.LBB2_25:
0x341: {  	v18 =	vld [tilespmem:s22+$0xFFFFFFD0];
	v14 =	vadd.f32 v15, v14;
	v13 =	vmul.f32 v13, v13;
	v5 =	vsub.f32 v5, v9  }
0x342: {  	v15 =	vtrunc.f32 v17;
	v16 =	vmin.f32 v16, $2.550000000e+02;
	v9 =	vld [tilespmem:s22+$0xFFFFFFC0];
	v17 =	vmul.f32 $2.550000000e+02, v7  }
0x343: {  	v15 =	vcvt.f32.s32 v15;
	v10 =	vld.idx.msk [tilespmem:v10+s4+$0x0], $0xffff;
	v13 =	vadd.f32 v13, v14;
	v20 =	vmul.f32 v5, v5  }
0x344: {  	v16 =	vtrunc.f32 v16;
	v14 =	vld [tilespmem:s22+$0xFFFFFF90];
	v17 =	vmax.f32 v17, $0.0e+00;
	v19 =	vmul.f32 $2.550000000e+02, v6  }
0x345: {  	s20 =	simm.s32 $0x4370;
	v16 =	vcvt.f32.s32 v16;
	v12 =	vld.idx.msk [tilespmem:v12+s4+$0x0], $0xffff;
	v17 =	vmin.f32 v17, $2.550000000e+02;
	v13 =	vadd.f32 v20, v13;
	v5 =	vmovc v8  }
0x346: {  	v8 =	vld [tilespmem:s22+$0xFFFFFFA0];
	v17 =	vtrunc.f32 v17;
	v19 =	vmax.f32 v19, $0.0e+00;
	v20 =	vmul.f32 $2.550000000e+02, v5  }
0x347: {  	v11 =	vld.idx.msk [tilespmem:v11+s4+$0x0], $0xffff;
	v17 =	vcvt.f32.s32 v17;
	v19 =	vmin.f32 v19, $2.550000000e+02  }
0x348: {  	v22 =	vmul.f32 $2.550000000e+02, v18;
	v21 =	vld [tilespmem:s22+$0xFFFFFFB0];
	v19 =	vtrunc.f32 v19;
	v20 =	vmax.f32 v20, $0.0e+00  }
0x349: {  	s21 =	sadd.s32 $0x8, s21;
	v10 =	vsub.f32 v2, v10;
	v15 =	vld.idx.msk [tilespmem:v15+s4+$0x0], $0xffff;
	v19 =	vcvt.f32.s32 v19;
	v20 =	vmin.f32 v20, $2.550000000e+02;
	v2 =	vmovc v14  }
0x34a: {  	p0 =	slt.u32 s21, $0x78;
	v14 =	vmul.f32 $2.550000000e+02, v2;
	v20 =	vtrunc.f32 v20  }
0x34b: {  	v10 =	vmul.f32 v10, v10;
	v12 =	vsub.f32 v3, v12;
	v16 =	vld.idx.msk [tilespmem:v16+s4+$0x0], $0xffff;
	v20 =	vcvt.f32.s32 v20;
	v3 =	vmovc v8  }
0x34c: {  	v23 =	vmul.f32 $2.550000000e+02, v9;
	v8 =	vmax.f32 v14, $0.0e+00;
	v14 =	vmul.f32 $2.550000000e+02, v3  }
0x34d: {  	v10 =	vadd.f32 v10, v13;
	v12 =	vmul.f32 v12, v12;
	v11 =	vsub.f32 v4, v11;
	v13 =	vld.idx.msk [tilespmem:v17+s4+$0x0], $0xffff  }
0x34e: {  	v8 =	vmin.f32 v8, $2.550000000e+02;
	v17 =	vmul.f32 $2.550000000e+02, v21;
	v4 =	vmovc v21;
	v14 =	vmax.f32 v14, $0.0e+00  }
0x34f: {  	v10 =	vadd.f32 v12, v10;
	v11 =	vmul.f32 v11, v11;
	v12 =	vsub.f32 v1, v15;
	v19 =	vld.idx.msk [tilespmem:v19+s4+$0x0], $0xffff  }
0x350: {  	v8 =	vtrunc.f32 v8;
	v1 =	vmovc v9;
	v14 =	vmin.f32 v14, $2.550000000e+02;
	v15 =	vmax.f32 v17, $0.0e+00  }
0x351: {  	v11 =	vadd.f32 v11, v10;
	v12 =	vmul.f32 v12, v12;
	v16 =	vsub.f32 v0, v16;
	v9 =	vld.idx.msk [tilespmem:v20+s4+$0x0], $0xffff  }
.Ltmp11:
0x352: {  	v10 =	vcvt.f32.s32 v8;
	v8 =	vtrunc.f32 v14;
	v14 =	vmin.f32 v15, $2.550000000e+02;
	v0 =	vmovc v18;
	(pc) =	sbr.rel @p0 .LBB2_25-.Ltmp11, $4  }
0x353: {  	v11 =	vadd.f32 v12, v11;
	v15 =	vmul.f32 v16, v16;
	v13 =	vsub.f32 v7, v13;
	v7 =	vld [tilespmem:s22+$0xFFFFFFE0]  }
0x354: {  	v12 =	vcvt.f32.s32 v8;
	v8 =	vtrunc.f32 v14;
	v16 =	vmax.f32 v23, $0.0e+00  }
0x355: {  	v14 =	vadd.f32 v15, v11;
	v15 =	vmul.f32 v13, v13;
	v13 =	vsub.f32 v6, v19;
	v6 =	vld [tilespmem:s22+$0xFFFFFFF0]  }
0x356: {  	v17 =	vmin.f32 v16, $2.550000000e+02;
	v16 =	vmax.f32 v22, $0.0e+00;
	v11 =	vcvt.f32.s32 v8;
	v8 =	vld [tilespmem:s22+$0x0];
	s22 =	sadd.s32 $0x400, s22  }
0x357: {  	_ =	sdelay $0x3  }
0x358: {  	v17 =	vtrunc.f32 v17;
	v14 =	vadd.f32 v15, v14;
	v10 =	vld.idx.msk [tilespmem:v10+s4+$0x0], $0xffff;
	v18 =	vmul.f32 $2.550000000e+02, v7  }
0x359: {  	v15 =	vmin.f32 v16, $2.550000000e+02;
	v13 =	vmul.f32 v13, v13;
	v16 =	vcvt.f32.s32 v17  }
0x35a: {  	v12 =	vld.idx.msk [tilespmem:v12+s4+$0x0], $0xffff;
	v5 =	vsub.f32 v5, v9;
	v15 =	vtrunc.f32 v15;
	v17 =	vmax.f32 v18, $0.0e+00  }
0x35b: {  	v15 =	vcvt.f32.s32 v15;
	v18 =	vmul.f32 $2.550000000e+02, v6;
	v17 =	vmin.f32 v17, $2.550000000e+02  }
0x35c: {  	v11 =	vld.idx.msk [tilespmem:v11+s4+$0x0], $0xffff;
	v13 =	vadd.f32 v13, v14;
	v5 =	vmul.f32 v5, v5;
	v9 =	vtrunc.f32 v17  }
0x35d: {  	v17 =	vmax.f32 v18, $0.0e+00;
	v2 =	vsub.f32 v2, v10;
	v9 =	vcvt.f32.s32 v9  }
0x35e: {  	v5 =	vadd.f32 v5, v13;
	v14 =	vmin.f32 v17, $2.550000000e+02  }
0x35f: {  	v3 =	vsub.f32 v3, v12;
	v14 =	vtrunc.f32 v14;
	v16 =	vld.idx.msk [tilespmem:v16+s4+$0x0], $0xffff;
	v2 =	vmul.f32 v2, v2  }
0x360: {  	v10 =	vmul.f32 $2.550000000e+02, v8;
	v14 =	vcvt.f32.s32 v14  }
0x361: {  	v4 =	vsub.f32 v4, v11;
	v3 =	vmul.f32 v3, v3;
	v12 =	vld.idx.msk [tilespmem:v15+s4+$0x0], $0xffff;
	v2 =	vadd.f32 v2, v5  }
0x362: {  	v13 =	vld [tilespmem:s20+$0xFFFFFFE0]  }
0x363: {  	v10 =	vmax.f32 v10, $0.0e+00;
	v2 =	vadd.f32 v3, v2;
	v3 =	vmul.f32 v4, v4;
	v9 =	vld.idx.msk [tilespmem:v9+s4+$0x0], $0xffff  }
0x364: {  	v5 =	vmin.f32 v10, $2.550000000e+02;
	v10 =	vld [tilespmem:s20+$0xFFFFFF90];
	v1 =	vsub.f32 v1, v16  }
0x365: {  	v11 =	vld [tilespmem:s20+$0xFFFFFFA0];
	v4 =	vtrunc.f32 v5;
	v2 =	vadd.f32 v3, v2  }
0x366: {  	v0 =	vsub.f32 v0, v12;
	v3 =	vcvt.f32.s32 v4;
	v5 =	vld.idx.msk [tilespmem:v14+s4+$0x0], $0xffff;
	v1 =	vmul.f32 v1, v1  }
0x367: {  	v12 =	vld [tilespmem:s20+$0xFFFFFFB0]  }
0x368: {  	v0 =	vmul.f32 v0, v0;
	v1 =	vadd.f32 v1, v2;
	v2 =	vsub.f32 v7, v9  }
0x369: {  	v4 =	vmul.f32 $2.550000000e+02, v10;
	v7 =	vld [tilespmem:s20+$0xFFFFFFC0]  }
0x36a: {  	v19 =	vmul.f32 $2.550000000e+02, v13;
	v9 =	vld [tilespmem:s20+$0xFFFFFFD0];
	v0 =	vadd.f32 v0, v1;
	v1 =	vmul.f32 v2, v2  }
0x36b: {  	v4 =	vmax.f32 v4, $0.0e+00;
	v2 =	vsub.f32 v6, v5;
	v5 =	vmul.f32 $2.550000000e+02, v11  }
0x36c: {  	v3 =	vld.idx.msk [tilespmem:v3+s4+$0x0], $0xffff;
	v6 =	vadd.f32 v1, v0;
	v0 =	vmin.f32 v4, $2.550000000e+02;
	v1 =	vmul.f32 $2.550000000e+02, v12  }
0x36d: {  	v5 =	vmax.f32 v5, $0.0e+00;
	v2 =	vmul.f32 v2, v2;
	v0 =	vtrunc.f32 v0  }
0x36e: {  	v4 =	vmul.f32 $2.550000000e+02, v7;
	v5 =	vmin.f32 v5, $2.550000000e+02;
	v14 =	vcvt.f32.s32 v0  }
0x36f: {  	v1 =	vmax.f32 v1, $0.0e+00;
	v0 =	vmul.f32 $2.550000000e+02, v9;
	v5 =	vtrunc.f32 v5  }
0x370: {  	s31 =	simm.s32 $0x4770;
	v16 =	vld [tilespmem:s20+$0xFFFFFFF0];
	v6 =	vadd.f32 v2, v6;
	v1 =	vmin.f32 v1, $2.550000000e+02;
	v15 =	vcvt.f32.s32 v5  }
0x371: {  	v2 =	vld [tilespmem:s31+$0xFFFFFF90];
	v4 =	vmax.f32 v4, $0.0e+00;
	v3 =	vsub.f32 v8, v3;
	v1 =	vtrunc.f32 v1  }
0x372: {  	v5 =	vld [tilespmem:s20+$0x0];
	v17 =	vcvt.f32.s32 v1;
	v1 =	vmin.f32 v4, $2.550000000e+02;
	v4 =	vmax.f32 v0, $0.0e+00  }
0x373: {  	v0 =	vld [tilespmem:s31+$0xFFFFFFD0];
	v21 =	vmul.f32 v3, v3;
	v18 =	vtrunc.f32 v1;
	v4 =	vmin.f32 v4, $2.550000000e+02  }
0x374: {  	v8 =	vcvt.f32.s32 v18;
	v4 =	vtrunc.f32 v4;
	v14 =	vld.idx.msk [tilespmem:v14+s4+$0x0], $0xffff  }
0x375: {  	v3 =	vld [tilespmem:s31+$0xFFFFFFA0];
	v18 =	vmax.f32 v19, $0.0e+00;
	v19 =	vmul.f32 $2.550000000e+02, v16;
	v6 =	vadd.f32 v21, v6  }
0x376: {  	v58 =	vmul.f32 $2.550000000e+02, v2;
	v20 =	vcvt.f32.s32 v4;
	v4 =	vmin.f32 v18, $2.550000000e+02;
	v15 =	vld.idx.msk [tilespmem:v15+s4+$0x0], $0xffff  }
0x377: {  	v1 =	vld [tilespmem:s31+$0xFFFFFFC0];
	v4 =	vtrunc.f32 v4;
	v18 =	vmax.f32 v19, $0.0e+00;
	v19 =	vmul.f32 $2.550000000e+02, v5  }
0x378: {  	v22 =	vcvt.f32.s32 v4;
	v4 =	vmin.f32 v18, $2.550000000e+02;
	v18 =	vmul.f32 $2.550000000e+02, v0;
	v17 =	vld.idx.msk [tilespmem:v17+s4+$0x0], $0xffff  }
0x379: {  	v23 =	vtrunc.f32 v4;
	v19 =	vmax.f32 v19, $0.0e+00;
	v4 =	vld [tilespmem:s31+$0xFFFFFFB0];
	v10 =	vsub.f32 v10, v14  }
0x37a: {  	v60 =	vmul.f32 $2.550000000e+02, v3;
	v19 =	vmin.f32 v19, $2.550000000e+02;
	v14 =	vcvt.f32.s32 v23;
	v8 =	vld.idx.msk [tilespmem:v8+s4+$0x0], $0xffff  }
0x37b: {  	v19 =	vtrunc.f32 v19;
	v11 =	vsub.f32 v11, v15;
	v10 =	vmul.f32 v10, v10  }
0x37c: {  	v59 =	vmax.f32 v58, $0.0e+00;
	v61 =	vmul.f32 $2.550000000e+02, v1;
	v15 =	vcvt.f32.s32 v19;
	v19 =	vld.idx.msk [tilespmem:v20+s4+$0x0], $0xffff  }
0x37d: {  	v6 =	vadd.f32 v10, v6;
	v10 =	vmul.f32 v11, v11;
	v11 =	vsub.f32 v12, v17  }
0x37e: {  	v62 =	vmax.f32 v60, $0.0e+00;
	v63 =	vmul.f32 $2.550000000e+02, v4;
	v12 =	vld.idx.msk [tilespmem:v22+s4+$0x0], $0xffff;
	v17 =	vmin.f32 v59, $2.550000000e+02  }
0x37f: {  	v7 =	vsub.f32 v7, v8;
	v6 =	vadd.f32 v10, v6;
	v10 =	vmul.f32 v11, v11  }
0x380: {  	v8 =	vld.idx.msk [tilespmem:v14+s4+$0x0], $0xffff;
	v11 =	vtrunc.f32 v17;
	v14 =	vmin.f32 v62, $2.550000000e+02;
	v17 =	vmax.f32 v63, $0.0e+00  }
0x381: {  	v19 =	vsub.f32 v9, v19;
	v7 =	vmul.f32 v7, v7;
	v6 =	vadd.f32 v10, v6  }
0x382: {  	v9 =	vld.idx.msk [tilespmem:v15+s4+$0x0], $0xffff;
	v10 =	vcvt.f32.s32 v11;
	v11 =	vtrunc.f32 v14;
	v14 =	vmin.f32 v17, $2.550000000e+02  }
0x383: {  	v17 =	vmul.f32 v19, v19;
	v13 =	vsub.f32 v13, v12;
	v15 =	vadd.f32 v7, v6;
	v7 =	vld [tilespmem:s31+$0xFFFFFFE0]  }
0x384: {  	v19 =	vmax.f32 v61, $0.0e+00;
	v12 =	vcvt.f32.s32 v11;
	v11 =	vtrunc.f32 v14  }
0x385: {  	v6 =	vld [tilespmem:s31+$0xFFFFFFF0];
	v14 =	vadd.f32 v17, v15;
	v15 =	vmul.f32 v13, v13;
	v13 =	vsub.f32 v16, v8  }
0x386: {  	s21 =	simm.s32 $0x8;
	s22 =	simm.s32 $0x4B70;
	v11 =	vcvt.f32.s32 v11;
	v17 =	vmin.f32 v19, $2.550000000e+02;
	v16 =	vmax.f32 v18, $0.0e+00;
	v8 =	vld [tilespmem:s31+$0x0]  }
.LBB2_27:
0x387: {  	v18 =	vld [tilespmem:s22+$0xFFFFFFD0];
	v14 =	vadd.f32 v15, v14;
	v13 =	vmul.f32 v13, v13;
	v5 =	vsub.f32 v5, v9  }
0x388: {  	v15 =	vtrunc.f32 v17;
	v16 =	vmin.f32 v16, $2.550000000e+02;
	v9 =	vld [tilespmem:s22+$0xFFFFFFC0];
	v17 =	vmul.f32 $2.550000000e+02, v7  }
0x389: {  	v15 =	vcvt.f32.s32 v15;
	v10 =	vld.idx.msk [tilespmem:v10+s4+$0x0], $0xffff;
	v13 =	vadd.f32 v13, v14;
	v20 =	vmul.f32 v5, v5  }
0x38a: {  	v16 =	vtrunc.f32 v16;
	v14 =	vld [tilespmem:s22+$0xFFFFFF90];
	v17 =	vmax.f32 v17, $0.0e+00;
	v19 =	vmul.f32 $2.550000000e+02, v6  }
0x38b: {  	s20 =	simm.s32 $0x43F0;
	v16 =	vcvt.f32.s32 v16;
	v12 =	vld.idx.msk [tilespmem:v12+s4+$0x0], $0xffff;
	v17 =	vmin.f32 v17, $2.550000000e+02;
	v13 =	vadd.f32 v20, v13;
	v5 =	vmovc v8  }
0x38c: {  	v8 =	vld [tilespmem:s22+$0xFFFFFFA0];
	v17 =	vtrunc.f32 v17;
	v19 =	vmax.f32 v19, $0.0e+00;
	v20 =	vmul.f32 $2.550000000e+02, v5  }
0x38d: {  	v11 =	vld.idx.msk [tilespmem:v11+s4+$0x0], $0xffff;
	v17 =	vcvt.f32.s32 v17;
	v19 =	vmin.f32 v19, $2.550000000e+02  }
0x38e: {  	v22 =	vmul.f32 $2.550000000e+02, v18;
	v21 =	vld [tilespmem:s22+$0xFFFFFFB0];
	v19 =	vtrunc.f32 v19;
	v20 =	vmax.f32 v20, $0.0e+00  }
0x38f: {  	s21 =	sadd.s32 $0x8, s21;
	v10 =	vsub.f32 v2, v10;
	v15 =	vld.idx.msk [tilespmem:v15+s4+$0x0], $0xffff;
	v19 =	vcvt.f32.s32 v19;
	v20 =	vmin.f32 v20, $2.550000000e+02;
	v2 =	vmovc v14  }
0x390: {  	p0 =	slt.u32 s21, $0x78;
	v14 =	vmul.f32 $2.550000000e+02, v2;
	v20 =	vtrunc.f32 v20  }
0x391: {  	v10 =	vmul.f32 v10, v10;
	v12 =	vsub.f32 v3, v12;
	v16 =	vld.idx.msk [tilespmem:v16+s4+$0x0], $0xffff;
	v20 =	vcvt.f32.s32 v20;
	v3 =	vmovc v8  }
0x392: {  	v23 =	vmul.f32 $2.550000000e+02, v9;
	v8 =	vmax.f32 v14, $0.0e+00;
	v14 =	vmul.f32 $2.550000000e+02, v3  }
0x393: {  	v10 =	vadd.f32 v10, v13;
	v12 =	vmul.f32 v12, v12;
	v11 =	vsub.f32 v4, v11;
	v13 =	vld.idx.msk [tilespmem:v17+s4+$0x0], $0xffff  }
0x394: {  	v8 =	vmin.f32 v8, $2.550000000e+02;
	v17 =	vmul.f32 $2.550000000e+02, v21;
	v4 =	vmovc v21;
	v14 =	vmax.f32 v14, $0.0e+00  }
0x395: {  	v10 =	vadd.f32 v12, v10;
	v11 =	vmul.f32 v11, v11;
	v12 =	vsub.f32 v1, v15;
	v19 =	vld.idx.msk [tilespmem:v19+s4+$0x0], $0xffff  }
0x396: {  	v8 =	vtrunc.f32 v8;
	v1 =	vmovc v9;
	v14 =	vmin.f32 v14, $2.550000000e+02;
	v15 =	vmax.f32 v17, $0.0e+00  }
0x397: {  	v11 =	vadd.f32 v11, v10;
	v12 =	vmul.f32 v12, v12;
	v16 =	vsub.f32 v0, v16;
	v9 =	vld.idx.msk [tilespmem:v20+s4+$0x0], $0xffff  }
.Ltmp12:
0x398: {  	v10 =	vcvt.f32.s32 v8;
	v8 =	vtrunc.f32 v14;
	v14 =	vmin.f32 v15, $2.550000000e+02;
	v0 =	vmovc v18;
	(pc) =	sbr.rel @p0 .LBB2_27-.Ltmp12, $4  }
0x399: {  	v11 =	vadd.f32 v12, v11;
	v15 =	vmul.f32 v16, v16;
	v13 =	vsub.f32 v7, v13;
	v7 =	vld [tilespmem:s22+$0xFFFFFFE0]  }
0x39a: {  	v12 =	vcvt.f32.s32 v8;
	v8 =	vtrunc.f32 v14;
	v16 =	vmax.f32 v23, $0.0e+00  }
0x39b: {  	v14 =	vadd.f32 v15, v11;
	v15 =	vmul.f32 v13, v13;
	v13 =	vsub.f32 v6, v19;
	v6 =	vld [tilespmem:s22+$0xFFFFFFF0]  }
0x39c: {  	v17 =	vmin.f32 v16, $2.550000000e+02;
	v16 =	vmax.f32 v22, $0.0e+00;
	v11 =	vcvt.f32.s32 v8;
	v8 =	vld [tilespmem:s22+$0x0];
	s22 =	sadd.s32 $0x400, s22  }
0x39d: {  	_ =	sdelay $0x3  }
0x39e: {  	v17 =	vtrunc.f32 v17;
	v14 =	vadd.f32 v15, v14;
	v10 =	vld.idx.msk [tilespmem:v10+s4+$0x0], $0xffff;
	v18 =	vmul.f32 $2.550000000e+02, v7  }
0x39f: {  	v15 =	vmin.f32 v16, $2.550000000e+02;
	v13 =	vmul.f32 v13, v13;
	v16 =	vcvt.f32.s32 v17  }
0x3a0: {  	v12 =	vld.idx.msk [tilespmem:v12+s4+$0x0], $0xffff;
	v5 =	vsub.f32 v5, v9;
	v15 =	vtrunc.f32 v15;
	v17 =	vmax.f32 v18, $0.0e+00  }
0x3a1: {  	v15 =	vcvt.f32.s32 v15;
	v18 =	vmul.f32 $2.550000000e+02, v6;
	v17 =	vmin.f32 v17, $2.550000000e+02  }
0x3a2: {  	v11 =	vld.idx.msk [tilespmem:v11+s4+$0x0], $0xffff;
	v13 =	vadd.f32 v13, v14;
	v5 =	vmul.f32 v5, v5;
	v9 =	vtrunc.f32 v17  }
0x3a3: {  	v17 =	vmax.f32 v18, $0.0e+00;
	v2 =	vsub.f32 v2, v10;
	v9 =	vcvt.f32.s32 v9  }
0x3a4: {  	v5 =	vadd.f32 v5, v13;
	v14 =	vmin.f32 v17, $2.550000000e+02  }
0x3a5: {  	v3 =	vsub.f32 v3, v12;
	v14 =	vtrunc.f32 v14;
	v16 =	vld.idx.msk [tilespmem:v16+s4+$0x0], $0xffff;
	v2 =	vmul.f32 v2, v2  }
0x3a6: {  	v10 =	vmul.f32 $2.550000000e+02, v8;
	v14 =	vcvt.f32.s32 v14  }
0x3a7: {  	v4 =	vsub.f32 v4, v11;
	v3 =	vmul.f32 v3, v3;
	v12 =	vld.idx.msk [tilespmem:v15+s4+$0x0], $0xffff;
	v2 =	vadd.f32 v2, v5  }
0x3a8: {  	v13 =	vld [tilespmem:s20+$0xFFFFFFE0]  }
0x3a9: {  	v10 =	vmax.f32 v10, $0.0e+00;
	v2 =	vadd.f32 v3, v2;
	v3 =	vmul.f32 v4, v4;
	v9 =	vld.idx.msk [tilespmem:v9+s4+$0x0], $0xffff  }
0x3aa: {  	v5 =	vmin.f32 v10, $2.550000000e+02;
	v10 =	vld [tilespmem:s20+$0xFFFFFF90];
	v1 =	vsub.f32 v1, v16  }
0x3ab: {  	v11 =	vld [tilespmem:s20+$0xFFFFFFA0];
	v4 =	vtrunc.f32 v5;
	v2 =	vadd.f32 v3, v2  }
0x3ac: {  	v0 =	vsub.f32 v0, v12;
	v3 =	vcvt.f32.s32 v4;
	v5 =	vld.idx.msk [tilespmem:v14+s4+$0x0], $0xffff;
	v1 =	vmul.f32 v1, v1  }
0x3ad: {  	v12 =	vld [tilespmem:s20+$0xFFFFFFB0]  }
0x3ae: {  	v0 =	vmul.f32 v0, v0;
	v1 =	vadd.f32 v1, v2;
	v2 =	vsub.f32 v7, v9  }
0x3af: {  	v4 =	vmul.f32 $2.550000000e+02, v10;
	v7 =	vld [tilespmem:s20+$0xFFFFFFC0]  }
0x3b0: {  	v19 =	vmul.f32 $2.550000000e+02, v13;
	v9 =	vld [tilespmem:s20+$0xFFFFFFD0];
	v0 =	vadd.f32 v0, v1;
	v1 =	vmul.f32 v2, v2  }
0x3b1: {  	v4 =	vmax.f32 v4, $0.0e+00;
	v2 =	vsub.f32 v6, v5;
	v5 =	vmul.f32 $2.550000000e+02, v11  }
0x3b2: {  	v3 =	vld.idx.msk [tilespmem:v3+s4+$0x0], $0xffff;
	v6 =	vadd.f32 v1, v0;
	v0 =	vmin.f32 v4, $2.550000000e+02;
	v1 =	vmul.f32 $2.550000000e+02, v12  }
0x3b3: {  	v5 =	vmax.f32 v5, $0.0e+00;
	v2 =	vmul.f32 v2, v2;
	v0 =	vtrunc.f32 v0  }
0x3b4: {  	v4 =	vmul.f32 $2.550000000e+02, v7;
	v5 =	vmin.f32 v5, $2.550000000e+02;
	v14 =	vcvt.f32.s32 v0  }
0x3b5: {  	v1 =	vmax.f32 v1, $0.0e+00;
	v0 =	vmul.f32 $2.550000000e+02, v9;
	v5 =	vtrunc.f32 v5  }
0x3b6: {  	s31 =	simm.s32 $0x47F0;
	v16 =	vld [tilespmem:s20+$0xFFFFFFF0];
	v6 =	vadd.f32 v2, v6;
	v1 =	vmin.f32 v1, $2.550000000e+02;
	v15 =	vcvt.f32.s32 v5  }
0x3b7: {  	v2 =	vld [tilespmem:s31+$0xFFFFFF90];
	v4 =	vmax.f32 v4, $0.0e+00;
	v3 =	vsub.f32 v8, v3;
	v1 =	vtrunc.f32 v1  }
0x3b8: {  	v5 =	vld [tilespmem:s20+$0x0];
	v17 =	vcvt.f32.s32 v1;
	v1 =	vmin.f32 v4, $2.550000000e+02;
	v4 =	vmax.f32 v0, $0.0e+00  }
0x3b9: {  	v0 =	vld [tilespmem:s31+$0xFFFFFFD0];
	v21 =	vmul.f32 v3, v3;
	v18 =	vtrunc.f32 v1;
	v4 =	vmin.f32 v4, $2.550000000e+02  }
0x3ba: {  	v8 =	vcvt.f32.s32 v18;
	v4 =	vtrunc.f32 v4;
	v14 =	vld.idx.msk [tilespmem:v14+s4+$0x0], $0xffff  }
0x3bb: {  	v3 =	vld [tilespmem:s31+$0xFFFFFFA0];
	v18 =	vmax.f32 v19, $0.0e+00;
	v19 =	vmul.f32 $2.550000000e+02, v16;
	v6 =	vadd.f32 v21, v6  }
0x3bc: {  	v58 =	vmul.f32 $2.550000000e+02, v2;
	v20 =	vcvt.f32.s32 v4;
	v4 =	vmin.f32 v18, $2.550000000e+02;
	v15 =	vld.idx.msk [tilespmem:v15+s4+$0x0], $0xffff  }
0x3bd: {  	v1 =	vld [tilespmem:s31+$0xFFFFFFC0];
	v4 =	vtrunc.f32 v4;
	v18 =	vmax.f32 v19, $0.0e+00;
	v19 =	vmul.f32 $2.550000000e+02, v5  }
0x3be: {  	v22 =	vcvt.f32.s32 v4;
	v4 =	vmin.f32 v18, $2.550000000e+02;
	v18 =	vmul.f32 $2.550000000e+02, v0;
	v17 =	vld.idx.msk [tilespmem:v17+s4+$0x0], $0xffff  }
0x3bf: {  	v23 =	vtrunc.f32 v4;
	v19 =	vmax.f32 v19, $0.0e+00;
	v4 =	vld [tilespmem:s31+$0xFFFFFFB0];
	v10 =	vsub.f32 v10, v14  }
0x3c0: {  	v60 =	vmul.f32 $2.550000000e+02, v3;
	v19 =	vmin.f32 v19, $2.550000000e+02;
	v14 =	vcvt.f32.s32 v23;
	v8 =	vld.idx.msk [tilespmem:v8+s4+$0x0], $0xffff  }
0x3c1: {  	v19 =	vtrunc.f32 v19;
	v11 =	vsub.f32 v11, v15;
	v10 =	vmul.f32 v10, v10  }
0x3c2: {  	v59 =	vmax.f32 v58, $0.0e+00;
	v61 =	vmul.f32 $2.550000000e+02, v1;
	v15 =	vcvt.f32.s32 v19;
	v19 =	vld.idx.msk [tilespmem:v20+s4+$0x0], $0xffff  }
0x3c3: {  	v6 =	vadd.f32 v10, v6;
	v10 =	vmul.f32 v11, v11;
	v11 =	vsub.f32 v12, v17  }
0x3c4: {  	v62 =	vmax.f32 v60, $0.0e+00;
	v63 =	vmul.f32 $2.550000000e+02, v4;
	v12 =	vld.idx.msk [tilespmem:v22+s4+$0x0], $0xffff;
	v17 =	vmin.f32 v59, $2.550000000e+02  }
0x3c5: {  	v7 =	vsub.f32 v7, v8;
	v6 =	vadd.f32 v10, v6;
	v10 =	vmul.f32 v11, v11  }
0x3c6: {  	v8 =	vld.idx.msk [tilespmem:v14+s4+$0x0], $0xffff;
	v11 =	vtrunc.f32 v17;
	v14 =	vmin.f32 v62, $2.550000000e+02;
	v17 =	vmax.f32 v63, $0.0e+00  }
0x3c7: {  	v19 =	vsub.f32 v9, v19;
	v7 =	vmul.f32 v7, v7;
	v6 =	vadd.f32 v10, v6  }
0x3c8: {  	v9 =	vld.idx.msk [tilespmem:v15+s4+$0x0], $0xffff;
	v10 =	vcvt.f32.s32 v11;
	v11 =	vtrunc.f32 v14;
	v14 =	vmin.f32 v17, $2.550000000e+02  }
0x3c9: {  	v17 =	vmul.f32 v19, v19;
	v13 =	vsub.f32 v13, v12;
	v15 =	vadd.f32 v7, v6;
	v7 =	vld [tilespmem:s31+$0xFFFFFFE0]  }
0x3ca: {  	v19 =	vmax.f32 v61, $0.0e+00;
	v12 =	vcvt.f32.s32 v11;
	v11 =	vtrunc.f32 v14  }
0x3cb: {  	v6 =	vld [tilespmem:s31+$0xFFFFFFF0];
	v14 =	vadd.f32 v17, v15;
	v15 =	vmul.f32 v13, v13;
	v13 =	vsub.f32 v16, v8  }
0x3cc: {  	s21 =	simm.s32 $0x8;
	s22 =	simm.s32 $0x4BF0;
	v11 =	vcvt.f32.s32 v11;
	v17 =	vmin.f32 v19, $2.550000000e+02;
	v16 =	vmax.f32 v18, $0.0e+00;
	v8 =	vld [tilespmem:s31+$0x0]  }
.LBB2_29:
0x3cd: {  	v18 =	vld [tilespmem:s22+$0xFFFFFFD0];
	v14 =	vadd.f32 v15, v14;
	v13 =	vmul.f32 v13, v13;
	v5 =	vsub.f32 v5, v9  }
0x3ce: {  	v15 =	vtrunc.f32 v17;
	v16 =	vmin.f32 v16, $2.550000000e+02;
	v9 =	vld [tilespmem:s22+$0xFFFFFFC0];
	v17 =	vmul.f32 $2.550000000e+02, v7  }
0x3cf: {  	v15 =	vcvt.f32.s32 v15;
	v10 =	vld.idx.msk [tilespmem:v10+s4+$0x0], $0xffff;
	v13 =	vadd.f32 v13, v14;
	v20 =	vmul.f32 v5, v5  }
0x3d0: {  	v16 =	vtrunc.f32 v16;
	v14 =	vld [tilespmem:s22+$0xFFFFFF90];
	v17 =	vmax.f32 v17, $0.0e+00;
	v19 =	vmul.f32 $2.550000000e+02, v6  }
0x3d1: {  	s20 =	simm.s32 $0x4470;
	v16 =	vcvt.f32.s32 v16;
	v12 =	vld.idx.msk [tilespmem:v12+s4+$0x0], $0xffff;
	v17 =	vmin.f32 v17, $2.550000000e+02;
	v13 =	vadd.f32 v20, v13;
	v5 =	vmovc v8  }
0x3d2: {  	v8 =	vld [tilespmem:s22+$0xFFFFFFA0];
	v17 =	vtrunc.f32 v17;
	v19 =	vmax.f32 v19, $0.0e+00;
	v20 =	vmul.f32 $2.550000000e+02, v5  }
0x3d3: {  	v11 =	vld.idx.msk [tilespmem:v11+s4+$0x0], $0xffff;
	v17 =	vcvt.f32.s32 v17;
	v19 =	vmin.f32 v19, $2.550000000e+02  }
0x3d4: {  	v22 =	vmul.f32 $2.550000000e+02, v18;
	v21 =	vld [tilespmem:s22+$0xFFFFFFB0];
	v19 =	vtrunc.f32 v19;
	v20 =	vmax.f32 v20, $0.0e+00  }
0x3d5: {  	s21 =	sadd.s32 $0x8, s21;
	v10 =	vsub.f32 v2, v10;
	v15 =	vld.idx.msk [tilespmem:v15+s4+$0x0], $0xffff;
	v19 =	vcvt.f32.s32 v19;
	v20 =	vmin.f32 v20, $2.550000000e+02;
	v2 =	vmovc v14  }
0x3d6: {  	p0 =	slt.u32 s21, $0x78;
	v14 =	vmul.f32 $2.550000000e+02, v2;
	v20 =	vtrunc.f32 v20  }
0x3d7: {  	v10 =	vmul.f32 v10, v10;
	v12 =	vsub.f32 v3, v12;
	v16 =	vld.idx.msk [tilespmem:v16+s4+$0x0], $0xffff;
	v20 =	vcvt.f32.s32 v20;
	v3 =	vmovc v8  }
0x3d8: {  	v23 =	vmul.f32 $2.550000000e+02, v9;
	v8 =	vmax.f32 v14, $0.0e+00;
	v14 =	vmul.f32 $2.550000000e+02, v3  }
0x3d9: {  	v10 =	vadd.f32 v10, v13;
	v12 =	vmul.f32 v12, v12;
	v11 =	vsub.f32 v4, v11;
	v13 =	vld.idx.msk [tilespmem:v17+s4+$0x0], $0xffff  }
0x3da: {  	v8 =	vmin.f32 v8, $2.550000000e+02;
	v17 =	vmul.f32 $2.550000000e+02, v21;
	v4 =	vmovc v21;
	v14 =	vmax.f32 v14, $0.0e+00  }
0x3db: {  	v10 =	vadd.f32 v12, v10;
	v11 =	vmul.f32 v11, v11;
	v12 =	vsub.f32 v1, v15;
	v19 =	vld.idx.msk [tilespmem:v19+s4+$0x0], $0xffff  }
0x3dc: {  	v8 =	vtrunc.f32 v8;
	v1 =	vmovc v9;
	v14 =	vmin.f32 v14, $2.550000000e+02;
	v15 =	vmax.f32 v17, $0.0e+00  }
0x3dd: {  	v11 =	vadd.f32 v11, v10;
	v12 =	vmul.f32 v12, v12;
	v16 =	vsub.f32 v0, v16;
	v9 =	vld.idx.msk [tilespmem:v20+s4+$0x0], $0xffff  }
.Ltmp13:
0x3de: {  	v10 =	vcvt.f32.s32 v8;
	v8 =	vtrunc.f32 v14;
	v14 =	vmin.f32 v15, $2.550000000e+02;
	v0 =	vmovc v18;
	(pc) =	sbr.rel @p0 .LBB2_29-.Ltmp13, $4  }
0x3df: {  	v11 =	vadd.f32 v12, v11;
	v15 =	vmul.f32 v16, v16;
	v13 =	vsub.f32 v7, v13;
	v7 =	vld [tilespmem:s22+$0xFFFFFFE0]  }
0x3e0: {  	v12 =	vcvt.f32.s32 v8;
	v8 =	vtrunc.f32 v14;
	v16 =	vmax.f32 v23, $0.0e+00  }
0x3e1: {  	v14 =	vadd.f32 v15, v11;
	v15 =	vmul.f32 v13, v13;
	v13 =	vsub.f32 v6, v19;
	v6 =	vld [tilespmem:s22+$0xFFFFFFF0]  }
0x3e2: {  	v17 =	vmin.f32 v16, $2.550000000e+02;
	v16 =	vmax.f32 v22, $0.0e+00;
	v11 =	vcvt.f32.s32 v8;
	v8 =	vld [tilespmem:s22+$0x0];
	s22 =	sadd.s32 $0x400, s22  }
0x3e3: {  	_ =	sdelay $0x3  }
0x3e4: {  	v17 =	vtrunc.f32 v17;
	v14 =	vadd.f32 v15, v14;
	v10 =	vld.idx.msk [tilespmem:v10+s4+$0x0], $0xffff;
	v18 =	vmul.f32 $2.550000000e+02, v7  }
0x3e5: {  	v15 =	vmin.f32 v16, $2.550000000e+02;
	v13 =	vmul.f32 v13, v13;
	v16 =	vcvt.f32.s32 v17  }
0x3e6: {  	v12 =	vld.idx.msk [tilespmem:v12+s4+$0x0], $0xffff;
	v5 =	vsub.f32 v5, v9;
	v15 =	vtrunc.f32 v15;
	v17 =	vmax.f32 v18, $0.0e+00  }
0x3e7: {  	v15 =	vcvt.f32.s32 v15;
	v18 =	vmul.f32 $2.550000000e+02, v6;
	v17 =	vmin.f32 v17, $2.550000000e+02  }
0x3e8: {  	v11 =	vld.idx.msk [tilespmem:v11+s4+$0x0], $0xffff;
	v13 =	vadd.f32 v13, v14;
	v5 =	vmul.f32 v5, v5;
	v9 =	vtrunc.f32 v17  }
0x3e9: {  	v17 =	vmax.f32 v18, $0.0e+00;
	v2 =	vsub.f32 v2, v10;
	v9 =	vcvt.f32.s32 v9  }
0x3ea: {  	v5 =	vadd.f32 v5, v13;
	v14 =	vmin.f32 v17, $2.550000000e+02  }
0x3eb: {  	v3 =	vsub.f32 v3, v12;
	v14 =	vtrunc.f32 v14;
	v16 =	vld.idx.msk [tilespmem:v16+s4+$0x0], $0xffff;
	v2 =	vmul.f32 v2, v2  }
0x3ec: {  	v10 =	vmul.f32 $2.550000000e+02, v8;
	v14 =	vcvt.f32.s32 v14  }
0x3ed: {  	v4 =	vsub.f32 v4, v11;
	v3 =	vmul.f32 v3, v3;
	v12 =	vld.idx.msk [tilespmem:v15+s4+$0x0], $0xffff;
	v2 =	vadd.f32 v2, v5  }
0x3ee: {  	v13 =	vld [tilespmem:s20+$0xFFFFFFE0]  }
0x3ef: {  	v10 =	vmax.f32 v10, $0.0e+00;
	v2 =	vadd.f32 v3, v2;
	v3 =	vmul.f32 v4, v4;
	v9 =	vld.idx.msk [tilespmem:v9+s4+$0x0], $0xffff  }
0x3f0: {  	v5 =	vmin.f32 v10, $2.550000000e+02;
	v10 =	vld [tilespmem:s20+$0xFFFFFF90];
	v1 =	vsub.f32 v1, v16  }
0x3f1: {  	v11 =	vld [tilespmem:s20+$0xFFFFFFA0];
	v4 =	vtrunc.f32 v5;
	v2 =	vadd.f32 v3, v2  }
0x3f2: {  	v0 =	vsub.f32 v0, v12;
	v3 =	vcvt.f32.s32 v4;
	v5 =	vld.idx.msk [tilespmem:v14+s4+$0x0], $0xffff;
	v1 =	vmul.f32 v1, v1  }
0x3f3: {  	v12 =	vld [tilespmem:s20+$0xFFFFFFB0]  }
0x3f4: {  	v0 =	vmul.f32 v0, v0;
	v1 =	vadd.f32 v1, v2;
	v2 =	vsub.f32 v7, v9  }
0x3f5: {  	v4 =	vmul.f32 $2.550000000e+02, v10;
	v7 =	vld [tilespmem:s20+$0xFFFFFFC0]  }
0x3f6: {  	v19 =	vmul.f32 $2.550000000e+02, v13;
	v9 =	vld [tilespmem:s20+$0xFFFFFFD0];
	v0 =	vadd.f32 v0, v1;
	v1 =	vmul.f32 v2, v2  }
0x3f7: {  	v4 =	vmax.f32 v4, $0.0e+00;
	v2 =	vsub.f32 v6, v5;
	v5 =	vmul.f32 $2.550000000e+02, v11  }
0x3f8: {  	v3 =	vld.idx.msk [tilespmem:v3+s4+$0x0], $0xffff;
	v6 =	vadd.f32 v1, v0;
	v0 =	vmin.f32 v4, $2.550000000e+02;
	v1 =	vmul.f32 $2.550000000e+02, v12  }
0x3f9: {  	v5 =	vmax.f32 v5, $0.0e+00;
	v2 =	vmul.f32 v2, v2;
	v0 =	vtrunc.f32 v0  }
0x3fa: {  	v4 =	vmul.f32 $2.550000000e+02, v7;
	v5 =	vmin.f32 v5, $2.550000000e+02;
	v14 =	vcvt.f32.s32 v0  }
0x3fb: {  	v1 =	vmax.f32 v1, $0.0e+00;
	v0 =	vmul.f32 $2.550000000e+02, v9;
	v5 =	vtrunc.f32 v5  }
0x3fc: {  	s31 =	simm.s32 $0x4870;
	v16 =	vld [tilespmem:s20+$0xFFFFFFF0];
	v6 =	vadd.f32 v2, v6;
	v1 =	vmin.f32 v1, $2.550000000e+02;
	v15 =	vcvt.f32.s32 v5  }
0x3fd: {  	v2 =	vld [tilespmem:s31+$0xFFFFFF90];
	v4 =	vmax.f32 v4, $0.0e+00;
	v3 =	vsub.f32 v8, v3;
	v1 =	vtrunc.f32 v1  }
0x3fe: {  	v5 =	vld [tilespmem:s20+$0x0];
	v17 =	vcvt.f32.s32 v1;
	v1 =	vmin.f32 v4, $2.550000000e+02;
	v4 =	vmax.f32 v0, $0.0e+00  }
0x3ff: {  	v0 =	vld [tilespmem:s31+$0xFFFFFFD0];
	v21 =	vmul.f32 v3, v3;
	v18 =	vtrunc.f32 v1;
	v4 =	vmin.f32 v4, $2.550000000e+02  }
0x400: {  	v8 =	vcvt.f32.s32 v18;
	v4 =	vtrunc.f32 v4;
	v14 =	vld.idx.msk [tilespmem:v14+s4+$0x0], $0xffff  }
0x401: {  	v3 =	vld [tilespmem:s31+$0xFFFFFFA0];
	v18 =	vmax.f32 v19, $0.0e+00;
	v19 =	vmul.f32 $2.550000000e+02, v16;
	v6 =	vadd.f32 v21, v6  }
0x402: {  	v58 =	vmul.f32 $2.550000000e+02, v2;
	v20 =	vcvt.f32.s32 v4;
	v4 =	vmin.f32 v18, $2.550000000e+02;
	v15 =	vld.idx.msk [tilespmem:v15+s4+$0x0], $0xffff  }
0x403: {  	v1 =	vld [tilespmem:s31+$0xFFFFFFC0];
	v4 =	vtrunc.f32 v4;
	v18 =	vmax.f32 v19, $0.0e+00;
	v19 =	vmul.f32 $2.550000000e+02, v5  }
0x404: {  	v22 =	vcvt.f32.s32 v4;
	v4 =	vmin.f32 v18, $2.550000000e+02;
	v18 =	vmul.f32 $2.550000000e+02, v0;
	v17 =	vld.idx.msk [tilespmem:v17+s4+$0x0], $0xffff  }
0x405: {  	v23 =	vtrunc.f32 v4;
	v19 =	vmax.f32 v19, $0.0e+00;
	v4 =	vld [tilespmem:s31+$0xFFFFFFB0];
	v10 =	vsub.f32 v10, v14  }
0x406: {  	v60 =	vmul.f32 $2.550000000e+02, v3;
	v19 =	vmin.f32 v19, $2.550000000e+02;
	v14 =	vcvt.f32.s32 v23;
	v8 =	vld.idx.msk [tilespmem:v8+s4+$0x0], $0xffff  }
0x407: {  	v19 =	vtrunc.f32 v19;
	v11 =	vsub.f32 v11, v15;
	v10 =	vmul.f32 v10, v10  }
0x408: {  	v59 =	vmax.f32 v58, $0.0e+00;
	v61 =	vmul.f32 $2.550000000e+02, v1;
	v15 =	vcvt.f32.s32 v19;
	v19 =	vld.idx.msk [tilespmem:v20+s4+$0x0], $0xffff  }
0x409: {  	v6 =	vadd.f32 v10, v6;
	v10 =	vmul.f32 v11, v11;
	v11 =	vsub.f32 v12, v17  }
0x40a: {  	v62 =	vmax.f32 v60, $0.0e+00;
	v63 =	vmul.f32 $2.550000000e+02, v4;
	v12 =	vld.idx.msk [tilespmem:v22+s4+$0x0], $0xffff;
	v17 =	vmin.f32 v59, $2.550000000e+02  }
0x40b: {  	v7 =	vsub.f32 v7, v8;
	v6 =	vadd.f32 v10, v6;
	v10 =	vmul.f32 v11, v11  }
0x40c: {  	v8 =	vld.idx.msk [tilespmem:v14+s4+$0x0], $0xffff;
	v11 =	vtrunc.f32 v17;
	v14 =	vmin.f32 v62, $2.550000000e+02;
	v17 =	vmax.f32 v63, $0.0e+00  }
0x40d: {  	v19 =	vsub.f32 v9, v19;
	v7 =	vmul.f32 v7, v7;
	v6 =	vadd.f32 v10, v6  }
0x40e: {  	v9 =	vld.idx.msk [tilespmem:v15+s4+$0x0], $0xffff;
	v10 =	vcvt.f32.s32 v11;
	v11 =	vtrunc.f32 v14;
	v14 =	vmin.f32 v17, $2.550000000e+02  }
0x40f: {  	v17 =	vmul.f32 v19, v19;
	v13 =	vsub.f32 v13, v12;
	v15 =	vadd.f32 v7, v6;
	v7 =	vld [tilespmem:s31+$0xFFFFFFE0]  }
0x410: {  	v19 =	vmax.f32 v61, $0.0e+00;
	v12 =	vcvt.f32.s32 v11;
	v11 =	vtrunc.f32 v14  }
0x411: {  	v6 =	vld [tilespmem:s31+$0xFFFFFFF0];
	v14 =	vadd.f32 v17, v15;
	v15 =	vmul.f32 v13, v13;
	v13 =	vsub.f32 v16, v8  }
0x412: {  	s21 =	simm.s32 $0x8;
	s22 =	simm.s32 $0x4C70;
	v11 =	vcvt.f32.s32 v11;
	v17 =	vmin.f32 v19, $2.550000000e+02;
	v16 =	vmax.f32 v18, $0.0e+00;
	v8 =	vld [tilespmem:s31+$0x0]  }
.LBB2_31:
0x413: {  	v18 =	vld [tilespmem:s22+$0xFFFFFFD0];
	v14 =	vadd.f32 v15, v14;
	v13 =	vmul.f32 v13, v13;
	v5 =	vsub.f32 v5, v9  }
0x414: {  	v15 =	vtrunc.f32 v17;
	v16 =	vmin.f32 v16, $2.550000000e+02;
	v9 =	vld [tilespmem:s22+$0xFFFFFFC0];
	v17 =	vmul.f32 $2.550000000e+02, v7  }
0x415: {  	v15 =	vcvt.f32.s32 v15;
	v10 =	vld.idx.msk [tilespmem:v10+s4+$0x0], $0xffff;
	v13 =	vadd.f32 v13, v14;
	v20 =	vmul.f32 v5, v5  }
0x416: {  	v16 =	vtrunc.f32 v16;
	v14 =	vld [tilespmem:s22+$0xFFFFFF90];
	v17 =	vmax.f32 v17, $0.0e+00;
	v19 =	vmul.f32 $2.550000000e+02, v6  }
0x417: {  	s20 =	simm.s32 $0x44F0;
	v16 =	vcvt.f32.s32 v16;
	v12 =	vld.idx.msk [tilespmem:v12+s4+$0x0], $0xffff;
	v17 =	vmin.f32 v17, $2.550000000e+02;
	v13 =	vadd.f32 v20, v13;
	v5 =	vmovc v8  }
0x418: {  	v8 =	vld [tilespmem:s22+$0xFFFFFFA0];
	v17 =	vtrunc.f32 v17;
	v19 =	vmax.f32 v19, $0.0e+00;
	v20 =	vmul.f32 $2.550000000e+02, v5  }
0x419: {  	v11 =	vld.idx.msk [tilespmem:v11+s4+$0x0], $0xffff;
	v17 =	vcvt.f32.s32 v17;
	v19 =	vmin.f32 v19, $2.550000000e+02  }
0x41a: {  	v22 =	vmul.f32 $2.550000000e+02, v18;
	v21 =	vld [tilespmem:s22+$0xFFFFFFB0];
	v19 =	vtrunc.f32 v19;
	v20 =	vmax.f32 v20, $0.0e+00  }
0x41b: {  	s21 =	sadd.s32 $0x8, s21;
	v10 =	vsub.f32 v2, v10;
	v15 =	vld.idx.msk [tilespmem:v15+s4+$0x0], $0xffff;
	v19 =	vcvt.f32.s32 v19;
	v20 =	vmin.f32 v20, $2.550000000e+02;
	v2 =	vmovc v14  }
0x41c: {  	p0 =	slt.u32 s21, $0x78;
	v14 =	vmul.f32 $2.550000000e+02, v2;
	v20 =	vtrunc.f32 v20  }
0x41d: {  	v10 =	vmul.f32 v10, v10;
	v12 =	vsub.f32 v3, v12;
	v16 =	vld.idx.msk [tilespmem:v16+s4+$0x0], $0xffff;
	v20 =	vcvt.f32.s32 v20;
	v3 =	vmovc v8  }
0x41e: {  	v23 =	vmul.f32 $2.550000000e+02, v9;
	v8 =	vmax.f32 v14, $0.0e+00;
	v14 =	vmul.f32 $2.550000000e+02, v3  }
0x41f: {  	v10 =	vadd.f32 v10, v13;
	v12 =	vmul.f32 v12, v12;
	v11 =	vsub.f32 v4, v11;
	v13 =	vld.idx.msk [tilespmem:v17+s4+$0x0], $0xffff  }
0x420: {  	v8 =	vmin.f32 v8, $2.550000000e+02;
	v17 =	vmul.f32 $2.550000000e+02, v21;
	v4 =	vmovc v21;
	v14 =	vmax.f32 v14, $0.0e+00  }
0x421: {  	v10 =	vadd.f32 v12, v10;
	v11 =	vmul.f32 v11, v11;
	v12 =	vsub.f32 v1, v15;
	v19 =	vld.idx.msk [tilespmem:v19+s4+$0x0], $0xffff  }
0x422: {  	v8 =	vtrunc.f32 v8;
	v1 =	vmovc v9;
	v14 =	vmin.f32 v14, $2.550000000e+02;
	v15 =	vmax.f32 v17, $0.0e+00  }
0x423: {  	v11 =	vadd.f32 v11, v10;
	v12 =	vmul.f32 v12, v12;
	v16 =	vsub.f32 v0, v16;
	v9 =	vld.idx.msk [tilespmem:v20+s4+$0x0], $0xffff  }
.Ltmp14:
0x424: {  	v10 =	vcvt.f32.s32 v8;
	v8 =	vtrunc.f32 v14;
	v14 =	vmin.f32 v15, $2.550000000e+02;
	v0 =	vmovc v18;
	(pc) =	sbr.rel @p0 .LBB2_31-.Ltmp14, $4  }
0x425: {  	v11 =	vadd.f32 v12, v11;
	v15 =	vmul.f32 v16, v16;
	v13 =	vsub.f32 v7, v13;
	v7 =	vld [tilespmem:s22+$0xFFFFFFE0]  }
0x426: {  	v12 =	vcvt.f32.s32 v8;
	v8 =	vtrunc.f32 v14;
	v16 =	vmax.f32 v23, $0.0e+00  }
0x427: {  	v14 =	vadd.f32 v15, v11;
	v15 =	vmul.f32 v13, v13;
	v13 =	vsub.f32 v6, v19;
	v6 =	vld [tilespmem:s22+$0xFFFFFFF0]  }
0x428: {  	v17 =	vmin.f32 v16, $2.550000000e+02;
	v16 =	vmax.f32 v22, $0.0e+00;
	v11 =	vcvt.f32.s32 v8;
	v8 =	vld [tilespmem:s22+$0x0];
	s22 =	sadd.s32 $0x400, s22  }
0x429: {  	_ =	sdelay $0x3  }
0x42a: {  	v17 =	vtrunc.f32 v17;
	v14 =	vadd.f32 v15, v14;
	v10 =	vld.idx.msk [tilespmem:v10+s4+$0x0], $0xffff;
	v18 =	vmul.f32 $2.550000000e+02, v7  }
0x42b: {  	v15 =	vmin.f32 v16, $2.550000000e+02;
	v13 =	vmul.f32 v13, v13;
	v16 =	vcvt.f32.s32 v17  }
0x42c: {  	v12 =	vld.idx.msk [tilespmem:v12+s4+$0x0], $0xffff;
	v5 =	vsub.f32 v5, v9;
	v15 =	vtrunc.f32 v15;
	v17 =	vmax.f32 v18, $0.0e+00  }
0x42d: {  	v15 =	vcvt.f32.s32 v15;
	v18 =	vmul.f32 $2.550000000e+02, v6;
	v17 =	vmin.f32 v17, $2.550000000e+02  }
0x42e: {  	v11 =	vld.idx.msk [tilespmem:v11+s4+$0x0], $0xffff;
	v13 =	vadd.f32 v13, v14;
	v5 =	vmul.f32 v5, v5;
	v9 =	vtrunc.f32 v17  }
0x42f: {  	v17 =	vmax.f32 v18, $0.0e+00;
	v2 =	vsub.f32 v2, v10;
	v9 =	vcvt.f32.s32 v9  }
0x430: {  	v5 =	vadd.f32 v5, v13;
	v14 =	vmin.f32 v17, $2.550000000e+02  }
0x431: {  	v3 =	vsub.f32 v3, v12;
	v14 =	vtrunc.f32 v14;
	v16 =	vld.idx.msk [tilespmem:v16+s4+$0x0], $0xffff;
	v2 =	vmul.f32 v2, v2  }
0x432: {  	v10 =	vmul.f32 $2.550000000e+02, v8;
	v14 =	vcvt.f32.s32 v14  }
0x433: {  	v4 =	vsub.f32 v4, v11;
	v3 =	vmul.f32 v3, v3;
	v12 =	vld.idx.msk [tilespmem:v15+s4+$0x0], $0xffff;
	v2 =	vadd.f32 v2, v5  }
0x434: {  	v13 =	vld [tilespmem:s20+$0xFFFFFFE0]  }
0x435: {  	v10 =	vmax.f32 v10, $0.0e+00;
	v2 =	vadd.f32 v3, v2;
	v3 =	vmul.f32 v4, v4;
	v9 =	vld.idx.msk [tilespmem:v9+s4+$0x0], $0xffff  }
0x436: {  	v5 =	vmin.f32 v10, $2.550000000e+02;
	v10 =	vld [tilespmem:s20+$0xFFFFFF90];
	v1 =	vsub.f32 v1, v16  }
0x437: {  	v11 =	vld [tilespmem:s20+$0xFFFFFFA0];
	v4 =	vtrunc.f32 v5;
	v2 =	vadd.f32 v3, v2  }
0x438: {  	v0 =	vsub.f32 v0, v12;
	v3 =	vcvt.f32.s32 v4;
	v5 =	vld.idx.msk [tilespmem:v14+s4+$0x0], $0xffff;
	v1 =	vmul.f32 v1, v1  }
0x439: {  	v12 =	vld [tilespmem:s20+$0xFFFFFFB0]  }
0x43a: {  	v0 =	vmul.f32 v0, v0;
	v1 =	vadd.f32 v1, v2;
	v2 =	vsub.f32 v7, v9  }
0x43b: {  	v4 =	vmul.f32 $2.550000000e+02, v10;
	v7 =	vld [tilespmem:s20+$0xFFFFFFC0]  }
0x43c: {  	v19 =	vmul.f32 $2.550000000e+02, v13;
	v9 =	vld [tilespmem:s20+$0xFFFFFFD0];
	v0 =	vadd.f32 v0, v1;
	v1 =	vmul.f32 v2, v2  }
0x43d: {  	v4 =	vmax.f32 v4, $0.0e+00;
	v2 =	vsub.f32 v6, v5;
	v5 =	vmul.f32 $2.550000000e+02, v11  }
0x43e: {  	v3 =	vld.idx.msk [tilespmem:v3+s4+$0x0], $0xffff;
	v6 =	vadd.f32 v1, v0;
	v0 =	vmin.f32 v4, $2.550000000e+02;
	v1 =	vmul.f32 $2.550000000e+02, v12  }
0x43f: {  	v5 =	vmax.f32 v5, $0.0e+00;
	v2 =	vmul.f32 v2, v2;
	v0 =	vtrunc.f32 v0  }
0x440: {  	v4 =	vmul.f32 $2.550000000e+02, v7;
	v5 =	vmin.f32 v5, $2.550000000e+02;
	v14 =	vcvt.f32.s32 v0  }
0x441: {  	v1 =	vmax.f32 v1, $0.0e+00;
	v0 =	vmul.f32 $2.550000000e+02, v9;
	v5 =	vtrunc.f32 v5  }
0x442: {  	s21 =	simm.s32 $0x48F0;
	v15 =	vld [tilespmem:s20+$0xFFFFFFF0];
	v6 =	vadd.f32 v2, v6;
	v1 =	vmin.f32 v1, $2.550000000e+02;
	v16 =	vcvt.f32.s32 v5  }
0x443: {  	v2 =	vld [tilespmem:s21+$0xFFFFFF90];
	v4 =	vmax.f32 v4, $0.0e+00;
	v3 =	vsub.f32 v8, v3;
	v1 =	vtrunc.f32 v1  }
0x444: {  	v5 =	vld [tilespmem:s20+$0x0];
	v17 =	vcvt.f32.s32 v1;
	v1 =	vmin.f32 v4, $2.550000000e+02;
	v4 =	vmax.f32 v0, $0.0e+00  }
0x445: {  	v0 =	vld [tilespmem:s21+$0xFFFFFFD0];
	v21 =	vmul.f32 v3, v3;
	v18 =	vtrunc.f32 v1;
	v4 =	vmin.f32 v4, $2.550000000e+02  }
0x446: {  	v8 =	vcvt.f32.s32 v18;
	v4 =	vtrunc.f32 v4;
	v14 =	vld.idx.msk [tilespmem:v14+s4+$0x0], $0xffff  }
0x447: {  	v3 =	vld [tilespmem:s21+$0xFFFFFFA0];
	v18 =	vmax.f32 v19, $0.0e+00;
	v19 =	vmul.f32 $2.550000000e+02, v15;
	v6 =	vadd.f32 v21, v6  }
0x448: {  	v57 =	vmul.f32 $2.550000000e+02, v2;
	v20 =	vcvt.f32.s32 v4;
	v4 =	vmin.f32 v18, $2.550000000e+02;
	v16 =	vld.idx.msk [tilespmem:v16+s4+$0x0], $0xffff  }
0x449: {  	v1 =	vld [tilespmem:s21+$0xFFFFFFC0];
	v4 =	vtrunc.f32 v4;
	v18 =	vmax.f32 v19, $0.0e+00;
	v19 =	vmul.f32 $2.550000000e+02, v5  }
0x44a: {  	v22 =	vcvt.f32.s32 v4;
	v4 =	vmin.f32 v18, $2.550000000e+02;
	v18 =	vmul.f32 $2.550000000e+02, v0;
	v17 =	vld.idx.msk [tilespmem:v17+s4+$0x0], $0xffff  }
0x44b: {  	v23 =	vtrunc.f32 v4;
	v19 =	vmax.f32 v19, $0.0e+00;
	v4 =	vld [tilespmem:s21+$0xFFFFFFB0];
	v10 =	vsub.f32 v10, v14  }
0x44c: {  	v59 =	vmul.f32 $2.550000000e+02, v3;
	v19 =	vmin.f32 v19, $2.550000000e+02;
	v14 =	vcvt.f32.s32 v23;
	v8 =	vld.idx.msk [tilespmem:v8+s4+$0x0], $0xffff  }
0x44d: {  	v19 =	vtrunc.f32 v19;
	v11 =	vsub.f32 v11, v16;
	v10 =	vmul.f32 v10, v10  }
0x44e: {  	v58 =	vmax.f32 v57, $0.0e+00;
	v60 =	vmul.f32 $2.550000000e+02, v1;
	v16 =	vcvt.f32.s32 v19;
	v19 =	vld.idx.msk [tilespmem:v20+s4+$0x0], $0xffff  }
0x44f: {  	v6 =	vadd.f32 v10, v6;
	v10 =	vmul.f32 v11, v11;
	v11 =	vsub.f32 v12, v17  }
0x450: {  	v61 =	vmax.f32 v59, $0.0e+00;
	v62 =	vmul.f32 $2.550000000e+02, v4;
	v17 =	vld.idx.msk [tilespmem:v22+s4+$0x0], $0xffff;
	v12 =	vmin.f32 v58, $2.550000000e+02  }
0x451: {  	v7 =	vsub.f32 v7, v8;
	v6 =	vadd.f32 v10, v6;
	v10 =	vmul.f32 v11, v11  }
0x452: {  	v8 =	vld.idx.msk [tilespmem:v14+s4+$0x0], $0xffff;
	v11 =	vtrunc.f32 v12;
	v12 =	vmin.f32 v61, $2.550000000e+02;
	v14 =	vmax.f32 v62, $0.0e+00  }
0x453: {  	v7 =	vmul.f32 v7, v7;
	v6 =	vadd.f32 v10, v6;
	v10 =	vsub.f32 v9, v19  }
0x454: {  	v14 =	vmin.f32 v14, $2.550000000e+02;
	v9 =	vcvt.f32.s32 v11;
	v11 =	vtrunc.f32 v12;
	v12 =	vld.idx.msk [tilespmem:v16+s4+$0x0], $0xffff  }
0x455: {  	v17 =	vsub.f32 v13, v17;
	v16 =	vadd.f32 v7, v6;
	v10 =	vmul.f32 v10, v10;
	v7 =	vld [tilespmem:s21+$0xFFFFFFE0]  }
0x456: {  	v63 =	vmax.f32 v60, $0.0e+00;
	v19 =	vtrunc.f32 v14;
	v11 =	vcvt.f32.s32 v11  }
0x457: {  	v6 =	vld [tilespmem:s21+$0xFFFFFFF0];
	v14 =	vmul.f32 v17, v17;
	v13 =	vadd.f32 v10, v16;
	v16 =	vsub.f32 v15, v8  }
0x458: {  	s20 =	simm.s32 $0x8;
	v17 =	vmin.f32 v63, $2.550000000e+02;
	v10 =	vcvt.f32.s32 v19;
	v15 =	vmax.f32 v18, $0.0e+00;
	v8 =	vld [tilespmem:s21+$0x0];
	s21 =	simm.s32 $0x4CF0  }
.LBB2_33:
0x459: {  	v18 =	vld [tilespmem:s21+$0xFFFFFFD0];
	v13 =	vadd.f32 v14, v13;
	v14 =	vmul.f32 v16, v16;
	v5 =	vsub.f32 v5, v12  }
0x45a: {  	v16 =	vtrunc.f32 v17;
	v15 =	vmin.f32 v15, $2.550000000e+02;
	v12 =	vld [tilespmem:s21+$0xFFFFFFC0];
	v17 =	vmul.f32 $2.550000000e+02, v7  }
0x45b: {  	v16 =	vcvt.f32.s32 v16;
	v9 =	vld.idx.msk [tilespmem:v9+s4+$0x0], $0xffff;
	v13 =	vadd.f32 v14, v13;
	v20 =	vmul.f32 v5, v5  }
0x45c: {  	v15 =	vtrunc.f32 v15;
	v14 =	vld [tilespmem:s21+$0xFFFFFF90];
	v17 =	vmax.f32 v17, $0.0e+00;
	v19 =	vmul.f32 $2.550000000e+02, v6  }
0x45d: {  	v15 =	vcvt.f32.s32 v15;
	v11 =	vld.idx.msk [tilespmem:v11+s4+$0x0], $0xffff;
	v17 =	vmin.f32 v17, $2.550000000e+02;
	v13 =	vadd.f32 v20, v13;
	v5 =	vmovc v8  }
0x45e: {  	v8 =	vld [tilespmem:s21+$0xFFFFFFA0];
	v17 =	vtrunc.f32 v17;
	v19 =	vmax.f32 v19, $0.0e+00;
	v20 =	vmul.f32 $2.550000000e+02, v5  }
0x45f: {  	v10 =	vld.idx.msk [tilespmem:v10+s4+$0x0], $0xffff;
	v17 =	vcvt.f32.s32 v17;
	v19 =	vmin.f32 v19, $2.550000000e+02  }
0x460: {  	v22 =	vmul.f32 $2.550000000e+02, v18;
	v21 =	vld [tilespmem:s21+$0xFFFFFFB0];
	v19 =	vtrunc.f32 v19;
	v20 =	vmax.f32 v20, $0.0e+00  }
0x461: {  	s20 =	sadd.s32 $0x8, s20;
	v9 =	vsub.f32 v2, v9;
	v16 =	vld.idx.msk [tilespmem:v16+s4+$0x0], $0xffff;
	v19 =	vcvt.f32.s32 v19;
	v20 =	vmin.f32 v20, $2.550000000e+02;
	v2 =	vmovc v14  }
0x462: {  	p0 =	slt.u32 s20, $0x78;
	v14 =	vmul.f32 $2.550000000e+02, v2;
	v20 =	vtrunc.f32 v20  }
0x463: {  	v9 =	vmul.f32 v9, v9;
	v11 =	vsub.f32 v3, v11;
	v15 =	vld.idx.msk [tilespmem:v15+s4+$0x0], $0xffff;
	v20 =	vcvt.f32.s32 v20;
	v3 =	vmovc v8  }
0x464: {  	v23 =	vmul.f32 $2.550000000e+02, v12;
	v8 =	vmax.f32 v14, $0.0e+00;
	v14 =	vmul.f32 $2.550000000e+02, v3  }
0x465: {  	v9 =	vadd.f32 v9, v13;
	v11 =	vmul.f32 v11, v11;
	v10 =	vsub.f32 v4, v10;
	v13 =	vld.idx.msk [tilespmem:v17+s4+$0x0], $0xffff  }
0x466: {  	v8 =	vmin.f32 v8, $2.550000000e+02;
	v17 =	vmul.f32 $2.550000000e+02, v21;
	v4 =	vmovc v21;
	v14 =	vmax.f32 v14, $0.0e+00  }
0x467: {  	v9 =	vadd.f32 v11, v9;
	v10 =	vmul.f32 v10, v10;
	v11 =	vsub.f32 v1, v16;
	v16 =	vld.idx.msk [tilespmem:v19+s4+$0x0], $0xffff  }
0x468: {  	v8 =	vtrunc.f32 v8;
	v1 =	vmovc v12;
	v14 =	vmin.f32 v14, $2.550000000e+02;
	v17 =	vmax.f32 v17, $0.0e+00  }
0x469: {  	v10 =	vadd.f32 v10, v9;
	v11 =	vmul.f32 v11, v11;
	v15 =	vsub.f32 v0, v15;
	v12 =	vld.idx.msk [tilespmem:v20+s4+$0x0], $0xffff  }
.Ltmp15:
0x46a: {  	v9 =	vcvt.f32.s32 v8;
	v8 =	vtrunc.f32 v14;
	v14 =	vmin.f32 v17, $2.550000000e+02;
	v0 =	vmovc v18;
	(pc) =	sbr.rel @p0 .LBB2_33-.Ltmp15, $4  }
0x46b: {  	v10 =	vadd.f32 v11, v10;
	v15 =	vmul.f32 v15, v15;
	v17 =	vsub.f32 v7, v13;
	v7 =	vld [tilespmem:s21+$0xFFFFFFE0]  }
0x46c: {  	v18 =	vmax.f32 v23, $0.0e+00;
	v11 =	vcvt.f32.s32 v8;
	v8 =	vtrunc.f32 v14  }
0x46d: {  	v13 =	vadd.f32 v15, v10;
	v14 =	vmul.f32 v17, v17;
	v16 =	vsub.f32 v6, v16;
	v6 =	vld [tilespmem:s21+$0xFFFFFFF0]  }
0x46e: {  	v10 =	vcvt.f32.s32 v8;
	v17 =	vmin.f32 v18, $2.550000000e+02;
	v15 =	vmax.f32 v22, $0.0e+00;
	v8 =	vld [tilespmem:s21+$0x0];
	s21 =	sadd.s32 $0x400, s21  }
0x46f: {  	_ =	sdelay $0x1  }
0x470: {  	v16 =	vmul.f32 v16, v16  }
0x471: {  	v13 =	vadd.f32 v14, v13;
	v44 =	vtrunc.f32 v17;
	v45 =	vmul.f32 $2.550000000e+02, v7  }
0x472: {  	v5 =	vsub.f32 v5, v12;
	v46 =	vmin.f32 v15, $2.550000000e+02;
	v9 =	vld.idx.msk [tilespmem:v9+s4+$0x0], $0xffff;
	v14 =	vcvt.f32.s32 v44  }
0x473: {  	v12 =	vtrunc.f32 v46;
	v47 =	vmax.f32 v45, $0.0e+00;
	v48 =	vmul.f32 $2.550000000e+02, v6  }
0x474: {  	v11 =	vld.idx.msk [tilespmem:v11+s4+$0x0], $0xffff;
	v13 =	vadd.f32 v16, v13;
	v12 =	vcvt.f32.s32 v12;
	v15 =	vmin.f32 v47, $2.550000000e+02  }
0x475: {  	v50 =	vmul.f32 $2.550000000e+02, v8;
	v15 =	vtrunc.f32 v15;
	v49 =	vmax.f32 v48, $0.0e+00  }
0x476: {  	v10 =	vld.idx.msk [tilespmem:v10+s4+$0x0], $0xffff;
	v5 =	vmul.f32 v5, v5;
	v15 =	vcvt.f32.s32 v15;
	v16 =	vmin.f32 v49, $2.550000000e+02  }
0x477: {  	v2 =	vsub.f32 v2, v9;
	v17 =	vmax.f32 v50, $0.0e+00;
	v16 =	vtrunc.f32 v16  }
0x478: {  	v5 =	vadd.f32 v5, v13;
	v51 =	vld.idx.msk [tilespmem:v14+s4+$0x0], $0xffff;
	v53 =	vmin.f32 v17, $2.550000000e+02;
	v52 =	vcvt.f32.s32 v16  }
0x479: {  	v3 =	vsub.f32 v3, v11;
	v2 =	vmul.f32 v2, v2;
	v14 =	vtrunc.f32 v53  }
0x47a: {  	v54 =	vld.idx.msk [tilespmem:v12+s4+$0x0], $0xffff;
	v55 =	vcvt.f32.s32 v14  }
0x47b: {  	v4 =	vsub.f32 v4, v10;
	v3 =	vmul.f32 v3, v3;
	v2 =	vadd.f32 v2, v5  }
0x47c: {  	v5 =	vld.idx.msk [tilespmem:v15+s4+$0x0], $0xffff  }
0x47d: {  	v56 =	vmul.f32 v4, v4;
	v2 =	vadd.f32 v3, v2;
	v1 =	vsub.f32 v1, v51  }
0x47e: {  	v4 =	vld.idx.msk [tilespmem:v52+s4+$0x0], $0xffff  }
0x47f: {  	v2 =	vadd.f32 v56, v2;
	v0 =	vsub.f32 v0, v54;
	v1 =	vmul.f32 v1, v1  }
0x480: {  	v57 =	vld.idx.msk [tilespmem:v55+s4+$0x0], $0xffff  }
0x481: {  	v0 =	vmul.f32 v0, v0;
	v1 =	vadd.f32 v1, v2;
	v58 =	vsub.f32 v7, v5;
	_ =	sdelay $0x1  }
0x482: {  	s18 =	sadd.s32 $0x1, s18;
	v0 =	vadd.f32 v0, v1;
	v59 =	vmul.f32 v58, v58;
	v60 =	vsub.f32 v6, v4  }
0x483: {  	s19 =	smin.u32 s19, $0x32;
	p0 =	sne.s32 s18, $0x1B  }
.Ltmp16:
0x484: {  	s19 =	sadd.s32 s19, s8;
	v62 =	vsub.f32 v8, v57;
	v0 =	vadd.f32 v59, v0;
	v61 =	vmul.f32 v60, v60;
	(pc) =	sbr.rel @p0 .LBB2_2-.Ltmp16, $4  }
0x485: {  	s19 =	sshll.u32 s19, $0xB  }
0x486: {  	s19 =	sand.u32 $0x1FFFF800, s19;
	v63 =	vmul.f32 v62, v62;
	v0 =	vadd.f32 v61, v0  }
0x487: {  	s19 =	sadd.s32 s1, s19  }
0x488: {  	[tilespmem:s13], [sflag:$0x2] =	stream.linear.gather [hbm4b:s19+s4], $0x4000, $0x38;
	v6 =	vadd.f32 v63, v0;
	[tilespmem:$0x8180] =	vst v63  }
0x489: {  	_ =	swait.ge [sflag:s14], $0x4000  }
0x48a: {  	[sflag:s14] =	ssyncset.done $0x0  }
0x48b: {  	[sflag:s14] =	ssyncadd.s32 $0xFFFFC000  }
0x48c: {  	_ =	swait.ge [sflag:s15], $0x4000  }
0x48d: {  	s17 =	sadd.s32 $0x1, s17;
	[sflag:s15] =	ssyncset.done $0x0  }
0x48e: {  	p0 =	sne.s32 s17, s10;
	[sflag:s15] =	ssyncadd.s32 $0xFFFFC000  }
.Ltmp17:
0x48f: {  	[tilespmem:$0x8100] =	vst v6;
	(pc) =	sbr.rel @p0 .LBB2_1-.Ltmp17, $4  }
0x490: {  	[hbm4b:s9+s4] =	stream.linear.scatter [tilespmem:s16], [sflag:$0x3], $0x80, $0x38;
	[tilespmem:$0x8180] =	vst v63  }
0x491: {  	_ =	swait.ge [sflag:s11], $0x80  }
0x492: {  	[sflag:s11] =	ssyncset.done $0x0  }
0x493: {  	[sflag:s11] =	ssyncadd.s32 $0xFFFFFF80  }
0x494: {  	_ =	sfence.sel $0x180000  }
0x495: {  	[bflag:$0x0] =	sbarrier.arrive $0xFFFF  }
0x496: {  	p0 =	sne.s32 s2, $0x0;
	_ =	strace $0x90000047  }
0x497: {  	s0 =	sadd.s32 @!p0 $0x100000, s0;
	[bflag:$0x2] =	sbarrier.arrive $0xFFFF  }
0x498: {  	[sflag:s0] =	ssyncadd.tile.s32 @!p0 $0x1;
	_ =	shalt  }
.Lfunc_end2:
_tile_overlayer_lowered:
.L_overlay_start_2:
0x499: {  	(tag) =	ssettag $0x2  }
0x49a: {  	s0 =	rddreg [dreg:$0x0];
	s2 =	stileid.u32  }
0x49b: {  	s1 =	rddreg [dreg:$0x1];
	p0 =	sne.s32 s2, $0x0  }
0x49c: {  	s3 =	rddreg [dreg:$0x2];
	[bflag:$0x3] =	sbarrier.arrive $0xFFFF;
	s2 =	simm.s32 @!p0 $0x1C03  }
0x49d: {  	[timem:s3], [sflag:s2] =	dma.local @!p0 [hbm:s0], s1  }
0x49e: {  	s0 =	simm.s32 @!p0 $0x3  }
0x49f: {  	_ =	swait.ge @!p0 [sflag:s0], s1  }
0x4a0: {  	s1 =	ssub.s32 @!p0 $0x0, s1;
	[sflag:s0] =	ssyncset.done @!p0 $0x0  }
0x4a1: {  	[sflag:s0] =	ssyncadd.s32 @!p0 s1  }
0x4a2: {  	[bflag:$0x3] =	sbarrier.arrive $0xFFFF  }
0x4a3: {  	_ =	shalt  }

</sc_bundles>
